<compile_context>
chip_gen: v7x
topology: tpu7x:2x2x1
jax: 0.10.2.dev20260603
libtpu: 0.0.44.dev20260713+nightly
codegen_flags: <defaults>
</compile_context>

<pallas_src>
import functools

import jax
import jax.numpy as jnp
from jax import lax
from jax.experimental import pallas as pl
from jax.experimental.pallas import tpu as pltpu
from jax.experimental.pallas import tpu_sc as plsc

_VOCAB = 100000
_EMB = 128
_HID = 512
_B = 4096
_H = 50

_NC = 2
_NS = 16
_L = 16
_NW = _NC * _NS
_SPW = _B // _NW
_CH = 4
_NCHUNK = _SPW // _CH
_ROWS = _CH * _H
_NB = 4


def _make_pool():
    mesh = plsc.VectorSubcoreMesh(core_axis_name="c", subcore_axis_name="s")

    @functools.partial(
        pl.kernel,
        mesh=mesh,
        out_type=jax.ShapeDtypeStruct((_B, _EMB), jnp.float32),
        scratch_types=(
            [pltpu.VMEM((_SPW * _H,), jnp.int32)]
            + [pltpu.VMEM((_ROWS, _EMB), jnp.float32) for _ in range(_NB)]
            + [pltpu.VMEM((_SPW, _EMB), jnp.float32)]
            + [pltpu.SemaphoreType.DMA for _ in range(_NB)]
        ),
    )
    def pool(table_hbm, idx_hbm, out_hbm, idx_v, *scratch):
        rows = scratch[:_NB]
        sum_all = scratch[_NB]
        gsems = scratch[_NB + 1:]
        wid = lax.axis_index("s") * _NC + lax.axis_index("c")
        base = wid * _SPW
        pltpu.sync_copy(idx_hbm.at[pl.ds(base * _H, _SPW * _H)], idx_v)

        ng = _EMB // _L

        def gather(c, b):
            pltpu.async_copy(
                table_hbm.at[idx_v.at[pl.ds(c * _ROWS, _ROWS)]],
                rows[b], gsems[b])

        for b in range(_NB - 1):
            gather(b, b)

        def step_body(p, carry):
            for b in range(_NB):
                c = p * _NB + b
                pltpu.make_async_copy(
                    table_hbm.at[idx_v.at[pl.ds(0, _ROWS)]],
                    rows[b], gsems[b]).wait()
                for s in range(_CH):
                    def r_body(r, accs):
                        row = s * _H + r
                        return tuple(
                            accs[g] + rows[b][row, pl.ds(g * _L, _L)]
                            for g in range(ng))
                    accs = lax.fori_loop(
                        0, _H, r_body,
                        tuple(jnp.zeros((_L,), jnp.float32)
                              for _ in range(ng)),
                        unroll=1)
                    for g in range(ng):
                        sum_all[c * _CH + s, pl.ds(g * _L, _L)] = accs[g]
                @pl.when(c + _NB - 1 < _NCHUNK)
                def _():
                    gather(c + _NB - 1, (b + _NB - 1) % _NB)
            return carry

        lax.fori_loop(0, _NCHUNK // _NB, step_body, 0)
        pltpu.sync_copy(sum_all, out_hbm.at[pl.ds(base, _SPW)])

    return pool


_pool = _make_pool()


def _mlp_body(x_ref, w1_ref, b1_ref, w2_ref, b2_ref, o_ref):
    x = x_ref[...] * (1.0 / _H)
    h = jnp.dot(x, w1_ref[...], preferred_element_type=jnp.float32)
    h = jnp.maximum(h + b1_ref[...][None, :], 0.0)
    o = jnp.dot(h, w2_ref[...], preferred_element_type=jnp.float32)
    o = o + b2_ref[...][None, :]
    o_ref[...] = 1.0 / (1.0 + jnp.exp(-o))


def _mlp(sums, W1, b1, W2, b2):
    bb = 512
    grid = _B // bb
    return pl.pallas_call(
        _mlp_body,
        grid=(grid,),
        in_specs=[
            pl.BlockSpec((bb, _EMB), lambda i: (i, 0)),
            pl.BlockSpec((_EMB, _HID), lambda i: (0, 0)),
            pl.BlockSpec((_HID,), lambda i: (0,)),
            pl.BlockSpec((_HID, 1), lambda i: (0, 0)),
            pl.BlockSpec((1,), lambda i: (0,)),
        ],
        out_specs=pl.BlockSpec((bb, 1), lambda i: (i, 0)),
        out_shape=jax.ShapeDtypeStruct((_B, 1), jnp.float32),
    )(sums, W1, b1, W2, b2)


def kernel(x, table, W1, b1, W2, b2):
    idx = x.reshape(-1).astype(jnp.int32)
    sums = _pool(table, idx)
    return _mlp(sums, W1, b1, W2, b2)

# --- scband reference (transcript-rebuilt; emitter-appended) ---
"""Pipeline reference for scband-model-10144712753850 (READ-ONLY COPY).

The authoritative reference and input builder live on the scoring server;
editing this copy changes nothing except your own understanding.
"""

import jax, jax.numpy as jnp
import numpy as np

VOCAB = 100000
EMB = 128
HID = 512
OUT = 1
BATCH = 4096
HIST = 50


def setup_inputs(seed: int = 0) -> dict:
    key = jax.random.key(seed)
    ks = jax.random.split(key, 6)
    x = jax.random.randint(ks[0], (BATCH, HIST), 0, VOCAB, dtype=jnp.int64 if jax.config.jax_enable_x64 else jnp.int32)
    table = jax.random.normal(ks[1], (VOCAB, EMB), dtype=jnp.float32)
    W1 = jax.random.normal(ks[2], (EMB, HID), dtype=jnp.float32) * 0.05
    b1 = jnp.zeros((HID,), dtype=jnp.float32)
    W2 = jax.random.normal(ks[3], (HID, OUT), dtype=jnp.float32) * 0.05
    b2 = jnp.zeros((OUT,), dtype=jnp.float32)
    return {"x": x, "table": table, "W1": W1, "b1": b1, "W2": W2, "b2": b2}


def reference(x, table, W1, b1, W2, b2):
    # Frozen pretrained embedding lookup
    x_emb = jnp.take(table, x, axis=0)            # [B, L, EMB]
    x_mean = jnp.mean(x_emb, axis=1)              # [B, EMB]
    h = jax.nn.relu(x_mean @ W1 + b1)             # [B, HID]
    out = jax.nn.sigmoid(h @ W2 + b2)             # [B, OUT]
    return out

if __name__ == "__main__":
    import jax
    _d = setup_inputs()
    print(jax.jit(kernel)(*tuple(_d.values())))

</pallas_src>

<mosaic_0001>
#map = affine_map<(d0, d1) -> (0, 0)>
#map1 = affine_map<(d0, d1) -> (0)>
module attributes {stable_mosaic.version = 14 : i64} {
  func.func @pool(%arg0: i32, %arg1: i32, %arg2: memref<100000x128xf32, #tpu.memory_space<hbm>>, %arg3: memref<204800xi32, #tpu.memory_space<hbm>>, %arg4: memref<4096x128xf32, #tpu.memory_space<hbm>>, %arg5: memref<6400xi32, #tpu.memory_space<vmem>>, %arg6: memref<200x128xf32, #tpu.memory_space<vmem>>, %arg7: memref<200x128xf32, #tpu.memory_space<vmem>>, %arg8: memref<200x128xf32, #tpu.memory_space<vmem>>, %arg9: memref<200x128xf32, #tpu.memory_space<vmem>>, %arg10: memref<128x128xf32, #tpu.memory_space<vmem>>, %arg11: memref<!tpu.dma_semaphore, #tpu.memory_space<semaphore_mem>>, %arg12: memref<!tpu.dma_semaphore, #tpu.memory_space<semaphore_mem>>, %arg13: memref<!tpu.dma_semaphore, #tpu.memory_space<semaphore_mem>>, %arg14: memref<!tpu.dma_semaphore, #tpu.memory_space<semaphore_mem>>) attributes {dimension_semantics = [#tpu.dimension_semantics<core_parallel>, #tpu.dimension_semantics<subcore_parallel>], iteration_bounds = array<i64: 2, 16>, scalar_prefetch = 0 : i64, scratch_operands = 10 : i64, tpu.core_type = #tpu.core_type<sc_vector_subcore>, window_params = [{transform_indices = #map}, {transform_indices = #map1}, {transform_indices = #map}]} {
    %mul3A = arith.constant 2 : i32
    %mul3A_0 = arith.muli %arg1, %mul3A : i32
    %add3A = arith.addi %mul3A_0, %arg0 : i32
    %mul3A_1 = arith.constant 128 : i32
    %mul3A_2 = arith.muli %add3A, %mul3A_1 : i32
    %mul3A_3 = arith.constant 50 : i32
    %mul3A_4 = arith.muli %mul3A_2, %mul3A_3 : i32
    "tpu.region"() ({
      %run_scoped3A = tpu.sem_alloc : memref<!tpu.dma_semaphore, #tpu.memory_space<semaphore_mem>>
      %dma_start3A_24 = tpu.memref_slice %arg3[%mul3A_4] : memref<204800xi32, #tpu.memory_space<hbm>> -> memref<6400xi32, #tpu.memory_space<hbm>>
      %dma_start3A_25 = tpu.memref_slice %arg3[%mul3A_4] : memref<204800xi32, #tpu.memory_space<hbm>> -> memref<6400xi32, #tpu.memory_space<hbm>>
      tpu.enqueue_dma source(%dma_start3A_25 : memref<6400xi32, #tpu.memory_space<hbm>>) target(%arg5 : memref<6400xi32, #tpu.memory_space<vmem>>) target_semaphore(%run_scoped3A : memref<!tpu.dma_semaphore, #tpu.memory_space<semaphore_mem>>)
      %dma_wait3A = tpu.memref_slice %arg3[%mul3A_4] : memref<204800xi32, #tpu.memory_space<hbm>> -> memref<6400xi32, #tpu.memory_space<hbm>>
      %dma_wait3A_26 = tpu.memref_slice %arg3[%mul3A_4] : memref<204800xi32, #tpu.memory_space<hbm>> -> memref<6400xi32, #tpu.memory_space<hbm>>
      tpu.wait_dma2 semaphore(%run_scoped3A : memref<!tpu.dma_semaphore, #tpu.memory_space<semaphore_mem>>) src(%dma_wait3A_26 : memref<6400xi32, #tpu.memory_space<hbm>>) dst(%arg5 : memref<6400xi32, #tpu.memory_space<vmem>>)
      tpu.yield
    }) : () -> ()
    %dma_start3A = arith.constant 0 : i32
    %dma_start3A_5 = tpu.memref_slice %arg5[%dma_start3A] : memref<6400xi32, #tpu.memory_space<vmem>> -> memref<200xi32, #tpu.memory_space<vmem>>
    %dma_start3A_6 = arith.constant 0 : i32
    %dma_start3A_7 = arith.constant 0 : i32
    %dma_start3A_8 = tpu.memref_slice %arg2[%dma_start3A_6, %dma_start3A_7] : memref<100000x128xf32, #tpu.memory_space<hbm>> -> memref<100000x128xf32, #tpu.memory_space<hbm>>
    tpu.enqueue_indirect_dma source(%dma_start3A_8 : memref<100000x128xf32, #tpu.memory_space<hbm>>) target(%arg6 : memref<200x128xf32, #tpu.memory_space<vmem>>) offsets(%dma_start3A_5 : memref<200xi32, #tpu.memory_space<vmem>>) semaphore(%arg11 : memref<!tpu.dma_semaphore, #tpu.memory_space<semaphore_mem>>)
    %dma_start3A_9 = arith.constant 200 : i32
    %dma_start3A_10 = tpu.memref_slice %arg5[%dma_start3A_9] : memref<6400xi32, #tpu.memory_space<vmem>> -> memref<200xi32, #tpu.memory_space<vmem>>
    %dma_start3A_11 = arith.constant 0 : i32
    %dma_start3A_12 = arith.constant 0 : i32
    %dma_start3A_13 = tpu.memref_slice %arg2[%dma_start3A_11, %dma_start3A_12] : memref<100000x128xf32, #tpu.memory_space<hbm>> -> memref<100000x128xf32, #tpu.memory_space<hbm>>
    tpu.enqueue_indirect_dma source(%dma_start3A_13 : memref<100000x128xf32, #tpu.memory_space<hbm>>) target(%arg7 : memref<200x128xf32, #tpu.memory_space<vmem>>) offsets(%dma_start3A_10 : memref<200xi32, #tpu.memory_space<vmem>>) semaphore(%arg12 : memref<!tpu.dma_semaphore, #tpu.memory_space<semaphore_mem>>)
    %dma_start3A_14 = arith.constant 400 : i32
    %dma_start3A_15 = tpu.memref_slice %arg5[%dma_start3A_14] : memref<6400xi32, #tpu.memory_space<vmem>> -> memref<200xi32, #tpu.memory_space<vmem>>
    %dma_start3A_16 = arith.constant 0 : i32
    %dma_start3A_17 = arith.constant 0 : i32
    %dma_start3A_18 = tpu.memref_slice %arg2[%dma_start3A_16, %dma_start3A_17] : memref<100000x128xf32, #tpu.memory_space<hbm>> -> memref<100000x128xf32, #tpu.memory_space<hbm>>
    tpu.enqueue_indirect_dma source(%dma_start3A_18 : memref<100000x128xf32, #tpu.memory_space<hbm>>) target(%arg8 : memref<200x128xf32, #tpu.memory_space<vmem>>) offsets(%dma_start3A_15 : memref<200xi32, #tpu.memory_space<vmem>>) semaphore(%arg13 : memref<!tpu.dma_semaphore, #tpu.memory_space<semaphore_mem>>)
    %scan3A = arith.constant 0 : i32
    %scan3A_19 = arith.constant 0 : i32
    %scan3A_20 = arith.constant 8 : i32
    %scan3A_21 = arith.addi %scan3A_19, %scan3A_20 : i32
    %scan3A_22 = arith.constant 1 : i32
    scf.for %scan3A_24 = %scan3A_19 to %scan3A_21 step %scan3A_22  : i32 {
      %mul3A_25 = arith.constant 4 : i32
      %mul3A_26 = arith.muli %scan3A_24, %mul3A_25 : i32
      %add3A_27 = arith.constant 0 : i32
      %add3A_28 = arith.addi %mul3A_26, %add3A_27 : i32
      %dma_wait3A = arith.constant 0 : i32
      %dma_wait3A_29 = tpu.memref_slice %arg5[%dma_wait3A] : memref<6400xi32, #tpu.memory_space<vmem>> -> memref<200xi32, #tpu.memory_space<vmem>>
      %dma_wait3A_30 = arith.constant 0 : i32
      %dma_wait3A_31 = arith.constant 0 : i32
      %dma_wait3A_32 = tpu.memref_slice %arg2[%dma_wait3A_30, %dma_wait3A_31] : memref<100000x128xf32, #tpu.memory_space<hbm>> -> memref<100000x128xf32, #tpu.memory_space<hbm>>
      tpu.wait_indirect_dma semaphore(%arg11 : memref<!tpu.dma_semaphore, #tpu.memory_space<semaphore_mem>>) src(%dma_wait3A_32 : memref<100000x128xf32, #tpu.memory_space<hbm>>) dst(%arg6 : memref<200x128xf32, #tpu.memory_space<vmem>>)
      %broadcast_in_dim3A = arith.constant 0.000000e+00 : f32
      %broadcast_in_dim3A_33 = vector.broadcast %broadcast_in_dim3A : f32 to vector<16xf32>
      %broadcast_in_dim3A_34 = arith.constant 0.000000e+00 : f32
      %broadcast_in_dim3A_35 = vector.broadcast %broadcast_in_dim3A_34 : f32 to vector<16xf32>
      %broadcast_in_dim3A_36 = arith.constant 0.000000e+00 : f32
      %broadcast_in_dim3A_37 = vector.broadcast %broadcast_in_dim3A_36 : f32 to vector<16xf32>
      %broadcast_in_dim3A_38 = arith.constant 0.000000e+00 : f32
      %broadcast_in_dim3A_39 = vector.broadcast %broadcast_in_dim3A_38 : f32 to vector<16xf32>
      %broadcast_in_dim3A_40 = arith.constant 0.000000e+00 : f32
      %broadcast_in_dim3A_41 = vector.broadcast %broadcast_in_dim3A_40 : f32 to vector<16xf32>
      %broadcast_in_dim3A_42 = arith.constant 0.000000e+00 : f32
      %broadcast_in_dim3A_43 = vector.broadcast %broadcast_in_dim3A_42 : f32 to vector<16xf32>
      %broadcast_in_dim3A_44 = arith.constant 0.000000e+00 : f32
      %broadcast_in_dim3A_45 = vector.broadcast %broadcast_in_dim3A_44 : f32 to vector<16xf32>
      %broadcast_in_dim3A_46 = arith.constant 0.000000e+00 : f32
      %broadcast_in_dim3A_47 = vector.broadcast %broadcast_in_dim3A_46 : f32 to vector<16xf32>
      %scan3A_48 = arith.constant 0 : i32
      %scan3A_49 = arith.constant 50 : i32
      %scan3A_50 = arith.addi %scan3A_48, %scan3A_49 : i32
      %scan3A_51 = arith.constant 1 : i32
      %scan3A_52:8 = scf.for %scan3A_1594 = %scan3A_48 to %scan3A_50 step %scan3A_51 iter_args(%scan3A_1595 = %broadcast_in_dim3A_33, %scan3A_1596 = %broadcast_in_dim3A_35, %scan3A_1597 = %broadcast_in_dim3A_37, %scan3A_1598 = %broadcast_in_dim3A_39, %scan3A_1599 = %broadcast_in_dim3A_41, %scan3A_1600 = %broadcast_in_dim3A_43, %scan3A_1601 = %broadcast_in_dim3A_45, %scan3A_1602 = %broadcast_in_dim3A_47) -> (vector<16xf32>, vector<16xf32>, vector<16xf32>, vector<16xf32>, vector<16xf32>, vector<16xf32>, vector<16xf32>, vector<16xf32>)  : i32 {
        %add3A_1603 = arith.constant 0 : i32
        %add3A_1604 = arith.addi %add3A_1603, %scan3A_1594 : i32
        %get3A = arith.index_cast %add3A_1604 : i32 to index
        %get3A_1605 = arith.constant 0 : index
        %get3A_1606 = tpu.vector_load %arg6[%get3A, %get3A_1605] {strides = array<i32>} : memref<200x128xf32, #tpu.memory_space<vmem>>, vector<1x16xf32>,
        %get3A_1607 = vector.shape_cast %get3A_1606 : vector<1x16xf32> to vector<16xf32>
        %add3A_1608 = arith.addf %scan3A_1595, %get3A_1607 : vector<16xf32>
        %get3A_1609 = arith.index_cast %add3A_1604 : i32 to index
        %get3A_1610 = arith.constant 16 : index
        %get3A_1611 = tpu.vector_load %arg6[%get3A_1609, %get3A_1610] {strides = array<i32>} : memref<200x128xf32, #tpu.memory_space<vmem>>, vector<1x16xf32>,
        %get3A_1612 = vector.shape_cast %get3A_1611 : vector<1x16xf32> to vector<16xf32>
        %add3A_1613 = arith.addf %scan3A_1596, %get3A_1612 : vector<16xf32>
        %get3A_1614 = arith.index_cast %add3A_1604 : i32 to index
        %get3A_1615 = arith.constant 32 : index
        %get3A_1616 = tpu.vector_load %arg6[%get3A_1614, %get3A_1615] {strides = array<i32>} : memref<200x128xf32, #tpu.memory_space<vmem>>, vector<1x16xf32>,
        %get3A_1617 = vector.shape_cast %get3A_1616 : vector<1x16xf32> to vector<16xf32>
        %add3A_1618 = arith.addf %scan3A_1597, %get3A_1617 : vector<16xf32>
        %get3A_1619 = arith.index_cast %add3A_1604 : i32 to index
        %get3A_1620 = arith.constant 48 : index
        %get3A_1621 = tpu.vector_load %arg6[%get3A_1619, %get3A_1620] {strides = array<i32>} : memref<200x128xf32, #tpu.memory_space<vmem>>, vector<1x16xf32>,
        %get3A_1622 = vector.shape_cast %get3A_1621 : vector<1x16xf32> to vector<16xf32>
        %add3A_1623 = arith.addf %scan3A_1598, %get3A_1622 : vector<16xf32>
        %get3A_1624 = arith.index_cast %add3A_1604 : i32 to index
        %get3A_1625 = arith.constant 64 : index
        %get3A_1626 = tpu.vector_load %arg6[%get3A_1624, %get3A_1625] {strides = array<i32>} : memref<200x128xf32, #tpu.memory_space<vmem>>, vector<1x16xf32>,
        %get3A_1627 = vector.shape_cast %get3A_1626 : vector<1x16xf32> to vector<16xf32>
        %add3A_1628 = arith.addf %scan3A_1599, %get3A_1627 : vector<16xf32>
        %get3A_1629 = arith.index_cast %add3A_1604 : i32 to index
        %get3A_1630 = arith.constant 80 : index
        %get3A_1631 = tpu.vector_load %arg6[%get3A_1629, %get3A_1630] {strides = array<i32>} : memref<200x128xf32, #tpu.memory_space<vmem>>, vector<1x16xf32>,
        %get3A_1632 = vector.shape_cast %get3A_1631 : vector<1x16xf32> to vector<16xf32>
        %add3A_1633 = arith.addf %scan3A_1600, %get3A_1632 : vector<16xf32>
        %get3A_1634 = arith.index_cast %add3A_1604 : i32 to index
        %get3A_1635 = arith.constant 96 : index
        %get3A_1636 = tpu.vector_load %arg6[%get3A_1634, %get3A_1635] {strides = array<i32>} : memref<200x128xf32, #tpu.memory_space<vmem>>, vector<1x16xf32>,
        %get3A_1637 = vector.shape_cast %get3A_1636 : vector<1x16xf32> to vector<16xf32>
        %add3A_1638 = arith.addf %scan3A_1601, %get3A_1637 : vector<16xf32>
        %get3A_1639 = arith.index_cast %add3A_1604 : i32 to index
        %get3A_1640 = arith.constant 112 : index
        %get3A_1641 = tpu.vector_load %arg6[%get3A_1639, %get3A_1640] {strides = array<i32>} : memref<200x128xf32, #tpu.memory_space<vmem>>, vector<1x16xf32>,
        %get3A_1642 = vector.shape_cast %get3A_1641 : vector<1x16xf32> to vector<16xf32>
        %add3A_1643 = arith.addf %scan3A_1602, %get3A_1642 : vector<16xf32>
        scf.yield %add3A_1608, %add3A_1613, %add3A_1618, %add3A_1623, %add3A_1628, %add3A_1633, %add3A_1638, %add3A_1643 : vector<16xf32>, vector<16xf32>, vector<16xf32>, vector<16xf32>, vector<16xf32>, vector<16xf32>, vector<16xf32>, vector<16xf32>
      }
      %scan3A_53 = arith.constant 50 : i32
      %mul3A_54 = arith.constant 4 : i32
      %mul3A_55 = arith.muli %add3A_28, %mul3A_54 : i32
      %add3A_56 = arith.constant 0 : i32
      %add3A_57 = arith.addi %mul3A_55, %add3A_56 : i32
      %swap3A = arith.index_cast %add3A_57 : i32 to index
      %swap3A_58 = arith.constant 0 : index
      %swap3A_59 = tpu.vector_load %arg10[%swap3A, %swap3A_58] {strides = array<i32>} : memref<128x128xf32, #tpu.memory_space<vmem>>, vector<1x16xf32>,
      %swap3A_60 = vector.shape_cast %swap3A_59 : vector<1x16xf32> to vector<16xf32>
      %swap3A_61 = vector.shape_cast %scan3A_52#0 : vector<16xf32> to vector<1x16xf32>
      tpu.vector_store %arg10[%swap3A, %swap3A_58], %swap3A_61 {strides = array<i32>} : memref<128x128xf32, #tpu.memory_space<vmem>>, vector<1x16xf32>,
      %mul3A_62 = arith.constant 4 : i32
      %mul3A_63 = arith.muli %add3A_28, %mul3A_62 : i32
      %add3A_64 = arith.constant 0 : i32
      %add3A_65 = arith.addi %mul3A_63, %add3A_64 : i32
      %swap3A_66 = arith.index_cast %add3A_65 : i32 to index
      %swap3A_67 = arith.constant 16 : index
      %swap3A_68 = tpu.vector_load %arg10[%swap3A_66, %swap3A_67] {strides = array<i32>} : memref<128x128xf32, #tpu.memory_space<vmem>>, vector<1x16xf32>,
      %swap3A_69 = vector.shape_cast %swap3A_68 : vector<1x16xf32> to vector<16xf32>
      %swap3A_70 = vector.shape_cast %scan3A_52#1 : vector<16xf32> to vector<1x16xf32>
      tpu.vector_store %arg10[%swap3A_66, %swap3A_67], %swap3A_70 {strides = array<i32>} : memref<128x128xf32, #tpu.memory_space<vmem>>, vector<1x16xf32>,
      %mul3A_71 = arith.constant 4 : i32
      %mul3A_72 = arith.muli %add3A_28, %mul3A_71 : i32
      %add3A_73 = arith.constant 0 : i32
      %add3A_74 = arith.addi %mul3A_72, %add3A_73 : i32
      %swap3A_75 = arith.index_cast %add3A_74 : i32 to index
      %swap3A_76 = arith.constant 32 : index
      %swap3A_77 = tpu.vector_load %arg10[%swap3A_75, %swap3A_76] {strides = array<i32>} : memref<128x128xf32, #tpu.memory_space<vmem>>, vector<1x16xf32>,
      %swap3A_78 = vector.shape_cast %swap3A_77 : vector<1x16xf32> to vector<16xf32>
      %swap3A_79 = vector.shape_cast %scan3A_52#2 : vector<16xf32> to vector<1x16xf32>
      tpu.vector_store %arg10[%swap3A_75, %swap3A_76], %swap3A_79 {strides = array<i32>} : memref<128x128xf32, #tpu.memory_space<vmem>>, vector<1x16xf32>,
      %mul3A_80 = arith.constant 4 : i32
      %mul3A_81 = arith.muli %add3A_28, %mul3A_80 : i32
      %add3A_82 = arith.constant 0 : i32
      %add3A_83 = arith.addi %mul3A_81, %add3A_82 : i32
      %swap3A_84 = arith.index_cast %add3A_83 : i32 to index
      %swap3A_85 = arith.constant 48 : index
      %swap3A_86 = tpu.vector_load %arg10[%swap3A_84, %swap3A_85] {strides = array<i32>} : memref<128x128xf32, #tpu.memory_space<vmem>>, vector<1x16xf32>,
      %swap3A_87 = vector.shape_cast %swap3A_86 : vector<1x16xf32> to vector<16xf32>
      %swap3A_88 = vector.shape_cast %scan3A_52#3 : vector<16xf32> to vector<1x16xf32>
      tpu.vector_store %arg10[%swap3A_84, %swap3A_85], %swap3A_88 {strides = array<i32>} : memref<128x128xf32, #tpu.memory_space<vmem>>, vector<1x16xf32>,
      %mul3A_89 = arith.constant 4 : i32
      %mul3A_90 = arith.muli %add3A_28, %mul3A_89 : i32
      %add3A_91 = arith.constant 0 : i32
      %add3A_92 = arith.addi %mul3A_90, %add3A_91 : i32
      %swap3A_93 = arith.index_cast %add3A_92 : i32 to index
      %swap3A_94 = arith.constant 64 : index
      %swap3A_95 = tpu.vector_load %arg10[%swap3A_93, %swap3A_94] {strides = array<i32>} : memref<128x128xf32, #tpu.memory_space<vmem>>, vector<1x16xf32>,
      %swap3A_96 = vector.shape_cast %swap3A_95 : vector<1x16xf32> to vector<16xf32>
      %swap3A_97 = vector.shape_cast %scan3A_52#4 : vector<16xf32> to vector<1x16xf32>
      tpu.vector_store %arg10[%swap3A_93, %swap3A_94], %swap3A_97 {strides = array<i32>} : memref<128x128xf32, #tpu.memory_space<vmem>>, vector<1x16xf32>,
      %mul3A_98 = arith.constant 4 : i32
      %mul3A_99 = arith.muli %add3A_28, %mul3A_98 : i32
      %add3A_100 = arith.constant 0 : i32
      %add3A_101 = arith.addi %mul3A_99, %add3A_100 : i32
      %swap3A_102 = arith.index_cast %add3A_101 : i32 to index
      %swap3A_103 = arith.constant 80 : index
      %swap3A_104 = tpu.vector_load %arg10[%swap3A_102, %swap3A_103] {strides = array<i32>} : memref<128x128xf32, #tpu.memory_space<vmem>>, vector<1x16xf32>,
      %swap3A_105 = vector.shape_cast %swap3A_104 : vector<1x16xf32> to vector<16xf32>
      %swap3A_106 = vector.shape_cast %scan3A_52#5 : vector<16xf32> to vector<1x16xf32>
      tpu.vector_store %arg10[%swap3A_102, %swap3A_103], %swap3A_106 {strides = array<i32>} : memref<128x128xf32, #tpu.memory_space<vmem>>, vector<1x16xf32>,
      %mul3A_107 = arith.constant 4 : i32
      %mul3A_108 = arith.muli %add3A_28, %mul3A_107 : i32
      %add3A_109 = arith.constant 0 : i32
      %add3A_110 = arith.addi %mul3A_108, %add3A_109 : i32
      %swap3A_111 = arith.index_cast %add3A_110 : i32 to index
      %swap3A_112 = arith.constant 96 : index
      %swap3A_113 = tpu.vector_load %arg10[%swap3A_111, %swap3A_112] {strides = array<i32>} : memref<128x128xf32, #tpu.memory_space<vmem>>, vector<1x16xf32>,
      %swap3A_114 = vector.shape_cast %swap3A_113 : vector<1x16xf32> to vector<16xf32>
      %swap3A_115 = vector.shape_cast %scan3A_52#6 : vector<16xf32> to vector<1x16xf32>
      tpu.vector_store %arg10[%swap3A_111, %swap3A_112], %swap3A_115 {strides = array<i32>} : memref<128x128xf32, #tpu.memory_space<vmem>>, vector<1x16xf32>,
      %mul3A_116 = arith.constant 4 : i32
      %mul3A_117 = arith.muli %add3A_28, %mul3A_116 : i32
      %add3A_118 = arith.constant 0 : i32
      %add3A_119 = arith.addi %mul3A_117, %add3A_118 : i32
      %swap3A_120 = arith.index_cast %add3A_119 : i32 to index
      %swap3A_121 = arith.constant 112 : index
      %swap3A_122 = tpu.vector_load %arg10[%swap3A_120, %swap3A_121] {strides = array<i32>} : memref<128x128xf32, #tpu.memory_space<vmem>>, vector<1x16xf32>,
      %swap3A_123 = vector.shape_cast %swap3A_122 : vector<1x16xf32> to vector<16xf32>
      %swap3A_124 = vector.shape_cast %scan3A_52#7 : vector<16xf32> to vector<1x16xf32>
      tpu.vector_store %arg10[%swap3A_120, %swap3A_121], %swap3A_124 {strides = array<i32>} : memref<128x128xf32, #tpu.memory_space<vmem>>, vector<1x16xf32>,
      %broadcast_in_dim3A_125 = arith.constant 0.000000e+00 : f32
      %broadcast_in_dim3A_126 = vector.broadcast %broadcast_in_dim3A_125 : f32 to vector<16xf32>
      %broadcast_in_dim3A_127 = arith.constant 0.000000e+00 : f32
      %broadcast_in_dim3A_128 = vector.broadcast %broadcast_in_dim3A_127 : f32 to vector<16xf32>
      %broadcast_in_dim3A_129 = arith.constant 0.000000e+00 : f32
      %broadcast_in_dim3A_130 = vector.broadcast %broadcast_in_dim3A_129 : f32 to vector<16xf32>
      %broadcast_in_dim3A_131 = arith.constant 0.000000e+00 : f32
      %broadcast_in_dim3A_132 = vector.broadcast %broadcast_in_dim3A_131 : f32 to vector<16xf32>
      %broadcast_in_dim3A_133 = arith.constant 0.000000e+00 : f32
      %broadcast_in_dim3A_134 = vector.broadcast %broadcast_in_dim3A_133 : f32 to vector<16xf32>
      %broadcast_in_dim3A_135 = arith.constant 0.000000e+00 : f32
      %broadcast_in_dim3A_136 = vector.broadcast %broadcast_in_dim3A_135 : f32 to vector<16xf32>
      %broadcast_in_dim3A_137 = arith.constant 0.000000e+00 : f32
      %broadcast_in_dim3A_138 = vector.broadcast %broadcast_in_dim3A_137 : f32 to vector<16xf32>
      %broadcast_in_dim3A_139 = arith.constant 0.000000e+00 : f32
      %broadcast_in_dim3A_140 = vector.broadcast %broadcast_in_dim3A_139 : f32 to vector<16xf32>
      %scan3A_141 = arith.constant 0 : i32
      %scan3A_142 = arith.constant 50 : i32
      %scan3A_143 = arith.addi %scan3A_141, %scan3A_142 : i32
      %scan3A_144 = arith.constant 1 : i32
      %scan3A_145:8 = scf.for %scan3A_1594 = %scan3A_141 to %scan3A_143 step %scan3A_144 iter_args(%scan3A_1595 = %broadcast_in_dim3A_126, %scan3A_1596 = %broadcast_in_dim3A_128, %scan3A_1597 = %broadcast_in_dim3A_130, %scan3A_1598 = %broadcast_in_dim3A_132, %scan3A_1599 = %broadcast_in_dim3A_134, %scan3A_1600 = %broadcast_in_dim3A_136, %scan3A_1601 = %broadcast_in_dim3A_138, %scan3A_1602 = %broadcast_in_dim3A_140) -> (vector<16xf32>, vector<16xf32>, vector<16xf32>, vector<16xf32>, vector<16xf32>, vector<16xf32>, vector<16xf32>, vector<16xf32>)  : i32 {
        %add3A_1603 = arith.constant 50 : i32
        %add3A_1604 = arith.addi %add3A_1603, %scan3A_1594 : i32
        %get3A = arith.index_cast %add3A_1604 : i32 to index
        %get3A_1605 = arith.constant 0 : index
        %get3A_1606 = tpu.vector_load %arg6[%get3A, %get3A_1605] {strides = array<i32>} : memref<200x128xf32, #tpu.memory_space<vmem>>, vector<1x16xf32>,
        %get3A_1607 = vector.shape_cast %get3A_1606 : vector<1x16xf32> to vector<16xf32>
        %add3A_1608 = arith.addf %scan3A_1595, %get3A_1607 : vector<16xf32>
        %get3A_1609 = arith.index_cast %add3A_1604 : i32 to index
        %get3A_1610 = arith.constant 16 : index
        %get3A_1611 = tpu.vector_load %arg6[%get3A_1609, %get3A_1610] {strides = array<i32>} : memref<200x128xf32, #tpu.memory_space<vmem>>, vector<1x16xf32>,
        %get3A_1612 = vector.shape_cast %get3A_1611 : vector<1x16xf32> to vector<16xf32>
        %add3A_1613 = arith.addf %scan3A_1596, %get3A_1612 : vector<16xf32>
        %get3A_1614 = arith.index_cast %add3A_1604 : i32 to index
        %get3A_1615 = arith.constant 32 : index
        %get3A_1616 = tpu.vector_load %arg6[%get3A_1614, %get3A_1615] {strides = array<i32>} : memref<200x128xf32, #tpu.memory_space<vmem>>, vector<1x16xf32>,
        %get3A_1617 = vector.shape_cast %get3A_1616 : vector<1x16xf32> to vector<16xf32>
        %add3A_1618 = arith.addf %scan3A_1597, %get3A_1617 : vector<16xf32>
        %get3A_1619 = arith.index_cast %add3A_1604 : i32 to index
        %get3A_1620 = arith.constant 48 : index
        %get3A_1621 = tpu.vector_load %arg6[%get3A_1619, %get3A_1620] {strides = array<i32>} : memref<200x128xf32, #tpu.memory_space<vmem>>, vector<1x16xf32>,
        %get3A_1622 = vector.shape_cast %get3A_1621 : vector<1x16xf32> to vector<16xf32>
        %add3A_1623 = arith.addf %scan3A_1598, %get3A_1622 : vector<16xf32>
        %get3A_1624 = arith.index_cast %add3A_1604 : i32 to index
        %get3A_1625 = arith.constant 64 : index
        %get3A_1626 = tpu.vector_load %arg6[%get3A_1624, %get3A_1625] {strides = array<i32>} : memref<200x128xf32, #tpu.memory_space<vmem>>, vector<1x16xf32>,
        %get3A_1627 = vector.shape_cast %get3A_1626 : vector<1x16xf32> to vector<16xf32>
        %add3A_1628 = arith.addf %scan3A_1599, %get3A_1627 : vector<16xf32>
        %get3A_1629 = arith.index_cast %add3A_1604 : i32 to index
        %get3A_1630 = arith.constant 80 : index
        %get3A_1631 = tpu.vector_load %arg6[%get3A_1629, %get3A_1630] {strides = array<i32>} : memref<200x128xf32, #tpu.memory_space<vmem>>, vector<1x16xf32>,
        %get3A_1632 = vector.shape_cast %get3A_1631 : vector<1x16xf32> to vector<16xf32>
        %add3A_1633 = arith.addf %scan3A_1600, %get3A_1632 : vector<16xf32>
        %get3A_1634 = arith.index_cast %add3A_1604 : i32 to index
        %get3A_1635 = arith.constant 96 : index
        %get3A_1636 = tpu.vector_load %arg6[%get3A_1634, %get3A_1635] {strides = array<i32>} : memref<200x128xf32, #tpu.memory_space<vmem>>, vector<1x16xf32>,
        %get3A_1637 = vector.shape_cast %get3A_1636 : vector<1x16xf32> to vector<16xf32>
        %add3A_1638 = arith.addf %scan3A_1601, %get3A_1637 : vector<16xf32>
        %get3A_1639 = arith.index_cast %add3A_1604 : i32 to index
        %get3A_1640 = arith.constant 112 : index
        %get3A_1641 = tpu.vector_load %arg6[%get3A_1639, %get3A_1640] {strides = array<i32>} : memref<200x128xf32, #tpu.memory_space<vmem>>, vector<1x16xf32>,
        %get3A_1642 = vector.shape_cast %get3A_1641 : vector<1x16xf32> to vector<16xf32>
        %add3A_1643 = arith.addf %scan3A_1602, %get3A_1642 : vector<16xf32>
        scf.yield %add3A_1608, %add3A_1613, %add3A_1618, %add3A_1623, %add3A_1628, %add3A_1633, %add3A_1638, %add3A_1643 : vector<16xf32>, vector<16xf32>, vector<16xf32>, vector<16xf32>, vector<16xf32>, vector<16xf32>, vector<16xf32>, vector<16xf32>
      }
      %scan3A_146 = arith.constant 50 : i32
      %mul3A_147 = arith.constant 4 : i32
      %mul3A_148 = arith.muli %add3A_28, %mul3A_147 : i32
      %add3A_149 = arith.constant 1 : i32
      %add3A_150 = arith.addi %mul3A_148, %add3A_149 : i32
      %swap3A_151 = arith.index_cast %add3A_150 : i32 to index
      %swap3A_152 = arith.constant 0 : index
      %swap3A_153 = tpu.vector_load %arg10[%swap3A_151, %swap3A_152] {strides = array<i32>} : memref<128x128xf32, #tpu.memory_space<vmem>>, vector<1x16xf32>,
      %swap3A_154 = vector.shape_cast %swap3A_153 : vector<1x16xf32> to vector<16xf32>
      %swap3A_155 = vector.shape_cast %scan3A_145#0 : vector<16xf32> to vector<1x16xf32>
      tpu.vector_store %arg10[%swap3A_151, %swap3A_152], %swap3A_155 {strides = array<i32>} : memref<128x128xf32, #tpu.memory_space<vmem>>, vector<1x16xf32>,
      %mul3A_156 = arith.constant 4 : i32
      %mul3A_157 = arith.muli %add3A_28, %mul3A_156 : i32
      %add3A_158 = arith.constant 1 : i32
      %add3A_159 = arith.addi %mul3A_157, %add3A_158 : i32
      %swap3A_160 = arith.index_cast %add3A_159 : i32 to index
      %swap3A_161 = arith.constant 16 : index
      %swap3A_162 = tpu.vector_load %arg10[%swap3A_160, %swap3A_161] {strides = array<i32>} : memref<128x128xf32, #tpu.memory_space<vmem>>, vector<1x16xf32>,
      %swap3A_163 = vector.shape_cast %swap3A_162 : vector<1x16xf32> to vector<16xf32>
      %swap3A_164 = vector.shape_cast %scan3A_145#1 : vector<16xf32> to vector<1x16xf32>
      tpu.vector_store %arg10[%swap3A_160, %swap3A_161], %swap3A_164 {strides = array<i32>} : memref<128x128xf32, #tpu.memory_space<vmem>>, vector<1x16xf32>,
      %mul3A_165 = arith.constant 4 : i32
      %mul3A_166 = arith.muli %add3A_28, %mul3A_165 : i32
      %add3A_167 = arith.constant 1 : i32
      %add3A_168 = arith.addi %mul3A_166, %add3A_167 : i32
      %swap3A_169 = arith.index_cast %add3A_168 : i32 to index
      %swap3A_170 = arith.constant 32 : index
      %swap3A_171 = tpu.vector_load %arg10[%swap3A_169, %swap3A_170] {strides = array<i32>} : memref<128x128xf32, #tpu.memory_space<vmem>>, vector<1x16xf32>,
      %swap3A_172 = vector.shape_cast %swap3A_171 : vector<1x16xf32> to vector<16xf32>
      %swap3A_173 = vector.shape_cast %scan3A_145#2 : vector<16xf32> to vector<1x16xf32>
      tpu.vector_store %arg10[%swap3A_169, %swap3A_170], %swap3A_173 {strides = array<i32>} : memref<128x128xf32, #tpu.memory_space<vmem>>, vector<1x16xf32>,
      %mul3A_174 = arith.constant 4 : i32
      %mul3A_175 = arith.muli %add3A_28, %mul3A_174 : i32
      %add3A_176 = arith.constant 1 : i32
      %add3A_177 = arith.addi %mul3A_175, %add3A_176 : i32
      %swap3A_178 = arith.index_cast %add3A_177 : i32 to index
      %swap3A_179 = arith.constant 48 : index
      %swap3A_180 = tpu.vector_load %arg10[%swap3A_178, %swap3A_179] {strides = array<i32>} : memref<128x128xf32, #tpu.memory_space<vmem>>, vector<1x16xf32>,
      %swap3A_181 = vector.shape_cast %swap3A_180 : vector<1x16xf32> to vector<16xf32>
      %swap3A_182 = vector.shape_cast %scan3A_145#3 : vector<16xf32> to vector<1x16xf32>
      tpu.vector_store %arg10[%swap3A_178, %swap3A_179], %swap3A_182 {strides = array<i32>} : memref<128x128xf32, #tpu.memory_space<vmem>>, vector<1x16xf32>,
      %mul3A_183 = arith.constant 4 : i32
      %mul3A_184 = arith.muli %add3A_28, %mul3A_183 : i32
      %add3A_185 = arith.constant 1 : i32
      %add3A_186 = arith.addi %mul3A_184, %add3A_185 : i32
      %swap3A_187 = arith.index_cast %add3A_186 : i32 to index
      %swap3A_188 = arith.constant 64 : index
      %swap3A_189 = tpu.vector_load %arg10[%swap3A_187, %swap3A_188] {strides = array<i32>} : memref<128x128xf32, #tpu.memory_space<vmem>>, vector<1x16xf32>,
      %swap3A_190 = vector.shape_cast %swap3A_189 : vector<1x16xf32> to vector<16xf32>
      %swap3A_191 = vector.shape_cast %scan3A_145#4 : vector<16xf32> to vector<1x16xf32>
      tpu.vector_store %arg10[%swap3A_187, %swap3A_188], %swap3A_191 {strides = array<i32>} : memref<128x128xf32, #tpu.memory_space<vmem>>, vector<1x16xf32>,
      %mul3A_192 = arith.constant 4 : i32
      %mul3A_193 = arith.muli %add3A_28, %mul3A_192 : i32
      %add3A_194 = arith.constant 1 : i32
      %add3A_195 = arith.addi %mul3A_193, %add3A_194 : i32
      %swap3A_196 = arith.index_cast %add3A_195 : i32 to index
      %swap3A_197 = arith.constant 80 : index
      %swap3A_198 = tpu.vector_load %arg10[%swap3A_196, %swap3A_197] {strides = array<i32>} : memref<128x128xf32, #tpu.memory_space<vmem>>, vector<1x16xf32>,
      %swap3A_199 = vector.shape_cast %swap3A_198 : vector<1x16xf32> to vector<16xf32>
      %swap3A_200 = vector.shape_cast %scan3A_145#5 : vector<16xf32> to vector<1x16xf32>
      tpu.vector_store %arg10[%swap3A_196, %swap3A_197], %swap3A_200 {strides = array<i32>} : memref<128x128xf32, #tpu.memory_space<vmem>>, vector<1x16xf32>,
      %mul3A_201 = arith.constant 4 : i32
      %mul3A_202 = arith.muli %add3A_28, %mul3A_201 : i32
      %add3A_203 = arith.constant 1 : i32
      %add3A_204 = arith.addi %mul3A_202, %add3A_203 : i32
      %swap3A_205 = arith.index_cast %add3A_204 : i32 to index
      %swap3A_206 = arith.constant 96 : index
      %swap3A_207 = tpu.vector_load %arg10[%swap3A_205, %swap3A_206] {strides = array<i32>} : memref<128x128xf32, #tpu.memory_space<vmem>>, vector<1x16xf32>,
      %swap3A_208 = vector.shape_cast %swap3A_207 : vector<1x16xf32> to vector<16xf32>
      %swap3A_209 = vector.shape_cast %scan3A_145#6 : vector<16xf32> to vector<1x16xf32>
      tpu.vector_store %arg10[%swap3A_205, %swap3A_206], %swap3A_209 {strides = array<i32>} : memref<128x128xf32, #tpu.memory_space<vmem>>, vector<1x16xf32>,
      %mul3A_210 = arith.constant 4 : i32
      %mul3A_211 = arith.muli %add3A_28, %mul3A_210 : i32
      %add3A_212 = arith.constant 1 : i32
      %add3A_213 = arith.addi %mul3A_211, %add3A_212 : i32
      %swap3A_214 = arith.index_cast %add3A_213 : i32 to index
      %swap3A_215 = arith.constant 112 : index
      %swap3A_216 = tpu.vector_load %arg10[%swap3A_214, %swap3A_215] {strides = array<i32>} : memref<128x128xf32, #tpu.memory_space<vmem>>, vector<1x16xf32>,
      %swap3A_217 = vector.shape_cast %swap3A_216 : vector<1x16xf32> to vector<16xf32>
      %swap3A_218 = vector.shape_cast %scan3A_145#7 : vector<16xf32> to vector<1x16xf32>
      tpu.vector_store %arg10[%swap3A_214, %swap3A_215], %swap3A_218 {strides = array<i32>} : memref<128x128xf32, #tpu.memory_space<vmem>>, vector<1x16xf32>,
      %broadcast_in_dim3A_219 = arith.constant 0.000000e+00 : f32
      %broadcast_in_dim3A_220 = vector.broadcast %broadcast_in_dim3A_219 : f32 to vector<16xf32>
      %broadcast_in_dim3A_221 = arith.constant 0.000000e+00 : f32
      %broadcast_in_dim3A_222 = vector.broadcast %broadcast_in_dim3A_221 : f32 to vector<16xf32>
      %broadcast_in_dim3A_223 = arith.constant 0.000000e+00 : f32
      %broadcast_in_dim3A_224 = vector.broadcast %broadcast_in_dim3A_223 : f32 to vector<16xf32>
      %broadcast_in_dim3A_225 = arith.constant 0.000000e+00 : f32
      %broadcast_in_dim3A_226 = vector.broadcast %broadcast_in_dim3A_225 : f32 to vector<16xf32>
      %broadcast_in_dim3A_227 = arith.constant 0.000000e+00 : f32
      %broadcast_in_dim3A_228 = vector.broadcast %broadcast_in_dim3A_227 : f32 to vector<16xf32>
      %broadcast_in_dim3A_229 = arith.constant 0.000000e+00 : f32
      %broadcast_in_dim3A_230 = vector.broadcast %broadcast_in_dim3A_229 : f32 to vector<16xf32>
      %broadcast_in_dim3A_231 = arith.constant 0.000000e+00 : f32
      %broadcast_in_dim3A_232 = vector.broadcast %broadcast_in_dim3A_231 : f32 to vector<16xf32>
      %broadcast_in_dim3A_233 = arith.constant 0.000000e+00 : f32
      %broadcast_in_dim3A_234 = vector.broadcast %broadcast_in_dim3A_233 : f32 to vector<16xf32>
      %scan3A_235 = arith.constant 0 : i32
      %scan3A_236 = arith.constant 50 : i32
      %scan3A_237 = arith.addi %scan3A_235, %scan3A_236 : i32
      %scan3A_238 = arith.constant 1 : i32
      %scan3A_239:8 = scf.for %scan3A_1594 = %scan3A_235 to %scan3A_237 step %scan3A_238 iter_args(%scan3A_1595 = %broadcast_in_dim3A_220, %scan3A_1596 = %broadcast_in_dim3A_222, %scan3A_1597 = %broadcast_in_dim3A_224, %scan3A_1598 = %broadcast_in_dim3A_226, %scan3A_1599 = %broadcast_in_dim3A_228, %scan3A_1600 = %broadcast_in_dim3A_230, %scan3A_1601 = %broadcast_in_dim3A_232, %scan3A_1602 = %broadcast_in_dim3A_234) -> (vector<16xf32>, vector<16xf32>, vector<16xf32>, vector<16xf32>, vector<16xf32>, vector<16xf32>, vector<16xf32>, vector<16xf32>)  : i32 {
        %add3A_1603 = arith.constant 100 : i32
        %add3A_1604 = arith.addi %add3A_1603, %scan3A_1594 : i32
        %get3A = arith.index_cast %add3A_1604 : i32 to index
        %get3A_1605 = arith.constant 0 : index
        %get3A_1606 = tpu.vector_load %arg6[%get3A, %get3A_1605] {strides = array<i32>} : memref<200x128xf32, #tpu.memory_space<vmem>>, vector<1x16xf32>,
        %get3A_1607 = vector.shape_cast %get3A_1606 : vector<1x16xf32> to vector<16xf32>
        %add3A_1608 = arith.addf %scan3A_1595, %get3A_1607 : vector<16xf32>
        %get3A_1609 = arith.index_cast %add3A_1604 : i32 to index
        %get3A_1610 = arith.constant 16 : index
        %get3A_1611 = tpu.vector_load %arg6[%get3A_1609, %get3A_1610] {strides = array<i32>} : memref<200x128xf32, #tpu.memory_space<vmem>>, vector<1x16xf32>,
        %get3A_1612 = vector.shape_cast %get3A_1611 : vector<1x16xf32> to vector<16xf32>
        %add3A_1613 = arith.addf %scan3A_1596, %get3A_1612 : vector<16xf32>
        %get3A_1614 = arith.index_cast %add3A_1604 : i32 to index
        %get3A_1615 = arith.constant 32 : index
        %get3A_1616 = tpu.vector_load %arg6[%get3A_1614, %get3A_1615] {strides = array<i32>} : memref<200x128xf32, #tpu.memory_space<vmem>>, vector<1x16xf32>,
        %get3A_1617 = vector.shape_cast %get3A_1616 : vector<1x16xf32> to vector<16xf32>
        %add3A_1618 = arith.addf %scan3A_1597, %get3A_1617 : vector<16xf32>
        %get3A_1619 = arith.index_cast %add3A_1604 : i32 to index
        %get3A_1620 = arith.constant 48 : index
        %get3A_1621 = tpu.vector_load %arg6[%get3A_1619, %get3A_1620] {strides = array<i32>} : memref<200x128xf32, #tpu.memory_space<vmem>>, vector<1x16xf32>,
        %get3A_1622 = vector.shape_cast %get3A_1621 : vector<1x16xf32> to vector<16xf32>
        %add3A_1623 = arith.addf %scan3A_1598, %get3A_1622 : vector<16xf32>
        %get3A_1624 = arith.index_cast %add3A_1604 : i32 to index
        %get3A_1625 = arith.constant 64 : index
        %get3A_1626 = tpu.vector_load %arg6[%get3A_1624, %get3A_1625] {strides = array<i32>} : memref<200x128xf32, #tpu.memory_space<vmem>>, vector<1x16xf32>,
        %get3A_1627 = vector.shape_cast %get3A_1626 : vector<1x16xf32> to vector<16xf32>
        %add3A_1628 = arith.addf %scan3A_1599, %get3A_1627 : vector<16xf32>
        %get3A_1629 = arith.index_cast %add3A_1604 : i32 to index
        %get3A_1630 = arith.constant 80 : index
        %get3A_1631 = tpu.vector_load %arg6[%get3A_1629, %get3A_1630] {strides = array<i32>} : memref<200x128xf32, #tpu.memory_space<vmem>>, vector<1x16xf32>,
        %get3A_1632 = vector.shape_cast %get3A_1631 : vector<1x16xf32> to vector<16xf32>
        %add3A_1633 = arith.addf %scan3A_1600, %get3A_1632 : vector<16xf32>
        %get3A_1634 = arith.index_cast %add3A_1604 : i32 to index
        %get3A_1635 = arith.constant 96 : index
        %get3A_1636 = tpu.vector_load %arg6[%get3A_1634, %get3A_1635] {strides = array<i32>} : memref<200x128xf32, #tpu.memory_space<vmem>>, vector<1x16xf32>,
        %get3A_1637 = vector.shape_cast %get3A_1636 : vector<1x16xf32> to vector<16xf32>
        %add3A_1638 = arith.addf %scan3A_1601, %get3A_1637 : vector<16xf32>
        %get3A_1639 = arith.index_cast %add3A_1604 : i32 to index
        %get3A_1640 = arith.constant 112 : index
        %get3A_1641 = tpu.vector_load %arg6[%get3A_1639, %get3A_1640] {strides = array<i32>} : memref<200x128xf32, #tpu.memory_space<vmem>>, vector<1x16xf32>,
        %get3A_1642 = vector.shape_cast %get3A_1641 : vector<1x16xf32> to vector<16xf32>
        %add3A_1643 = arith.addf %scan3A_1602, %get3A_1642 : vector<16xf32>
        scf.yield %add3A_1608, %add3A_1613, %add3A_1618, %add3A_1623, %add3A_1628, %add3A_1633, %add3A_1638, %add3A_1643 : vector<16xf32>, vector<16xf32>, vector<16xf32>, vector<16xf32>, vector<16xf32>, vector<16xf32>, vector<16xf32>, vector<16xf32>
      }
      %scan3A_240 = arith.constant 50 : i32
      %mul3A_241 = arith.constant 4 : i32
      %mul3A_242 = arith.muli %add3A_28, %mul3A_241 : i32
      %add3A_243 = arith.constant 2 : i32
      %add3A_244 = arith.addi %mul3A_242, %add3A_243 : i32
      %swap3A_245 = arith.index_cast %add3A_244 : i32 to index
      %swap3A_246 = arith.constant 0 : index
      %swap3A_247 = tpu.vector_load %arg10[%swap3A_245, %swap3A_246] {strides = array<i32>} : memref<128x128xf32, #tpu.memory_space<vmem>>, vector<1x16xf32>,
      %swap3A_248 = vector.shape_cast %swap3A_247 : vector<1x16xf32> to vector<16xf32>
      %swap3A_249 = vector.shape_cast %scan3A_239#0 : vector<16xf32> to vector<1x16xf32>
      tpu.vector_store %arg10[%swap3A_245, %swap3A_246], %swap3A_249 {strides = array<i32>} : memref<128x128xf32, #tpu.memory_space<vmem>>, vector<1x16xf32>,
      %mul3A_250 = arith.constant 4 : i32
      %mul3A_251 = arith.muli %add3A_28, %mul3A_250 : i32
      %add3A_252 = arith.constant 2 : i32
      %add3A_253 = arith.addi %mul3A_251, %add3A_252 : i32
      %swap3A_254 = arith.index_cast %add3A_253 : i32 to index
      %swap3A_255 = arith.constant 16 : index
      %swap3A_256 = tpu.vector_load %arg10[%swap3A_254, %swap3A_255] {strides = array<i32>} : memref<128x128xf32, #tpu.memory_space<vmem>>, vector<1x16xf32>,
      %swap3A_257 = vector.shape_cast %swap3A_256 : vector<1x16xf32> to vector<16xf32>
      %swap3A_258 = vector.shape_cast %scan3A_239#1 : vector<16xf32> to vector<1x16xf32>
      tpu.vector_store %arg10[%swap3A_254, %swap3A_255], %swap3A_258 {strides = array<i32>} : memref<128x128xf32, #tpu.memory_space<vmem>>, vector<1x16xf32>,
      %mul3A_259 = arith.constant 4 : i32
      %mul3A_260 = arith.muli %add3A_28, %mul3A_259 : i32
      %add3A_261 = arith.constant 2 : i32
      %add3A_262 = arith.addi %mul3A_260, %add3A_261 : i32
      %swap3A_263 = arith.index_cast %add3A_262 : i32 to index
      %swap3A_264 = arith.constant 32 : index
      %swap3A_265 = tpu.vector_load %arg10[%swap3A_263, %swap3A_264] {strides = array<i32>} : memref<128x128xf32, #tpu.memory_space<vmem>>, vector<1x16xf32>,
      %swap3A_266 = vector.shape_cast %swap3A_265 : vector<1x16xf32> to vector<16xf32>
      %swap3A_267 = vector.shape_cast %scan3A_239#2 : vector<16xf32> to vector<1x16xf32>
      tpu.vector_store %arg10[%swap3A_263, %swap3A_264], %swap3A_267 {strides = array<i32>} : memref<128x128xf32, #tpu.memory_space<vmem>>, vector<1x16xf32>,
      %mul3A_268 = arith.constant 4 : i32
      %mul3A_269 = arith.muli %add3A_28, %mul3A_268 : i32
      %add3A_270 = arith.constant 2 : i32
      %add3A_271 = arith.addi %mul3A_269, %add3A_270 : i32
      %swap3A_272 = arith.index_cast %add3A_271 : i32 to index
      %swap3A_273 = arith.constant 48 : index
      %swap3A_274 = tpu.vector_load %arg10[%swap3A_272, %swap3A_273] {strides = array<i32>} : memref<128x128xf32, #tpu.memory_space<vmem>>, vector<1x16xf32>,
      %swap3A_275 = vector.shape_cast %swap3A_274 : vector<1x16xf32> to vector<16xf32>
      %swap3A_276 = vector.shape_cast %scan3A_239#3 : vector<16xf32> to vector<1x16xf32>
      tpu.vector_store %arg10[%swap3A_272, %swap3A_273], %swap3A_276 {strides = array<i32>} : memref<128x128xf32, #tpu.memory_space<vmem>>, vector<1x16xf32>,
      %mul3A_277 = arith.constant 4 : i32
      %mul3A_278 = arith.muli %add3A_28, %mul3A_277 : i32
      %add3A_279 = arith.constant 2 : i32
      %add3A_280 = arith.addi %mul3A_278, %add3A_279 : i32
      %swap3A_281 = arith.index_cast %add3A_280 : i32 to index
      %swap3A_282 = arith.constant 64 : index
      %swap3A_283 = tpu.vector_load %arg10[%swap3A_281, %swap3A_282] {strides = array<i32>} : memref<128x128xf32, #tpu.memory_space<vmem>>, vector<1x16xf32>,
      %swap3A_284 = vector.shape_cast %swap3A_283 : vector<1x16xf32> to vector<16xf32>
      %swap3A_285 = vector.shape_cast %scan3A_239#4 : vector<16xf32> to vector<1x16xf32>
      tpu.vector_store %arg10[%swap3A_281, %swap3A_282], %swap3A_285 {strides = array<i32>} : memref<128x128xf32, #tpu.memory_space<vmem>>, vector<1x16xf32>,
      %mul3A_286 = arith.constant 4 : i32
      %mul3A_287 = arith.muli %add3A_28, %mul3A_286 : i32
      %add3A_288 = arith.constant 2 : i32
      %add3A_289 = arith.addi %mul3A_287, %add3A_288 : i32
      %swap3A_290 = arith.index_cast %add3A_289 : i32 to index
      %swap3A_291 = arith.constant 80 : index
      %swap3A_292 = tpu.vector_load %arg10[%swap3A_290, %swap3A_291] {strides = array<i32>} : memref<128x128xf32, #tpu.memory_space<vmem>>, vector<1x16xf32>,
      %swap3A_293 = vector.shape_cast %swap3A_292 : vector<1x16xf32> to vector<16xf32>
      %swap3A_294 = vector.shape_cast %scan3A_239#5 : vector<16xf32> to vector<1x16xf32>
      tpu.vector_store %arg10[%swap3A_290, %swap3A_291], %swap3A_294 {strides = array<i32>} : memref<128x128xf32, #tpu.memory_space<vmem>>, vector<1x16xf32>,
      %mul3A_295 = arith.constant 4 : i32
      %mul3A_296 = arith.muli %add3A_28, %mul3A_295 : i32
      %add3A_297 = arith.constant 2 : i32
      %add3A_298 = arith.addi %mul3A_296, %add3A_297 : i32
      %swap3A_299 = arith.index_cast %add3A_298 : i32 to index
      %swap3A_300 = arith.constant 96 : index
      %swap3A_301 = tpu.vector_load %arg10[%swap3A_299, %swap3A_300] {strides = array<i32>} : memref<128x128xf32, #tpu.memory_space<vmem>>, vector<1x16xf32>,
      %swap3A_302 = vector.shape_cast %swap3A_301 : vector<1x16xf32> to vector<16xf32>
      %swap3A_303 = vector.shape_cast %scan3A_239#6 : vector<16xf32> to vector<1x16xf32>
      tpu.vector_store %arg10[%swap3A_299, %swap3A_300], %swap3A_303 {strides = array<i32>} : memref<128x128xf32, #tpu.memory_space<vmem>>, vector<1x16xf32>,
      %mul3A_304 = arith.constant 4 : i32
      %mul3A_305 = arith.muli %add3A_28, %mul3A_304 : i32
      %add3A_306 = arith.constant 2 : i32
      %add3A_307 = arith.addi %mul3A_305, %add3A_306 : i32
      %swap3A_308 = arith.index_cast %add3A_307 : i32 to index
      %swap3A_309 = arith.constant 112 : index
      %swap3A_310 = tpu.vector_load %arg10[%swap3A_308, %swap3A_309] {strides = array<i32>} : memref<128x128xf32, #tpu.memory_space<vmem>>, vector<1x16xf32>,
      %swap3A_311 = vector.shape_cast %swap3A_310 : vector<1x16xf32> to vector<16xf32>
      %swap3A_312 = vector.shape_cast %scan3A_239#7 : vector<16xf32> to vector<1x16xf32>
      tpu.vector_store %arg10[%swap3A_308, %swap3A_309], %swap3A_312 {strides = array<i32>} : memref<128x128xf32, #tpu.memory_space<vmem>>, vector<1x16xf32>,
      %broadcast_in_dim3A_313 = arith.constant 0.000000e+00 : f32
      %broadcast_in_dim3A_314 = vector.broadcast %broadcast_in_dim3A_313 : f32 to vector<16xf32>
      %broadcast_in_dim3A_315 = arith.constant 0.000000e+00 : f32
      %broadcast_in_dim3A_316 = vector.broadcast %broadcast_in_dim3A_315 : f32 to vector<16xf32>
      %broadcast_in_dim3A_317 = arith.constant 0.000000e+00 : f32
      %broadcast_in_dim3A_318 = vector.broadcast %broadcast_in_dim3A_317 : f32 to vector<16xf32>
      %broadcast_in_dim3A_319 = arith.constant 0.000000e+00 : f32
      %broadcast_in_dim3A_320 = vector.broadcast %broadcast_in_dim3A_319 : f32 to vector<16xf32>
      %broadcast_in_dim3A_321 = arith.constant 0.000000e+00 : f32
      %broadcast_in_dim3A_322 = vector.broadcast %broadcast_in_dim3A_321 : f32 to vector<16xf32>
      %broadcast_in_dim3A_323 = arith.constant 0.000000e+00 : f32
      %broadcast_in_dim3A_324 = vector.broadcast %broadcast_in_dim3A_323 : f32 to vector<16xf32>
      %broadcast_in_dim3A_325 = arith.constant 0.000000e+00 : f32
      %broadcast_in_dim3A_326 = vector.broadcast %broadcast_in_dim3A_325 : f32 to vector<16xf32>
      %broadcast_in_dim3A_327 = arith.constant 0.000000e+00 : f32
      %broadcast_in_dim3A_328 = vector.broadcast %broadcast_in_dim3A_327 : f32 to vector<16xf32>
      %scan3A_329 = arith.constant 0 : i32
      %scan3A_330 = arith.constant 50 : i32
      %scan3A_331 = arith.addi %scan3A_329, %scan3A_330 : i32
      %scan3A_332 = arith.constant 1 : i32
      %scan3A_333:8 = scf.for %scan3A_1594 = %scan3A_329 to %scan3A_331 step %scan3A_332 iter_args(%scan3A_1595 = %broadcast_in_dim3A_314, %scan3A_1596 = %broadcast_in_dim3A_316, %scan3A_1597 = %broadcast_in_dim3A_318, %scan3A_1598 = %broadcast_in_dim3A_320, %scan3A_1599 = %broadcast_in_dim3A_322, %scan3A_1600 = %broadcast_in_dim3A_324, %scan3A_1601 = %broadcast_in_dim3A_326, %scan3A_1602 = %broadcast_in_dim3A_328) -> (vector<16xf32>, vector<16xf32>, vector<16xf32>, vector<16xf32>, vector<16xf32>, vector<16xf32>, vector<16xf32>, vector<16xf32>)  : i32 {
        %add3A_1603 = arith.constant 150 : i32
        %add3A_1604 = arith.addi %add3A_1603, %scan3A_1594 : i32
        %get3A = arith.index_cast %add3A_1604 : i32 to index
        %get3A_1605 = arith.constant 0 : index
        %get3A_1606 = tpu.vector_load %arg6[%get3A, %get3A_1605] {strides = array<i32>} : memref<200x128xf32, #tpu.memory_space<vmem>>, vector<1x16xf32>,
        %get3A_1607 = vector.shape_cast %get3A_1606 : vector<1x16xf32> to vector<16xf32>
        %add3A_1608 = arith.addf %scan3A_1595, %get3A_1607 : vector<16xf32>
        %get3A_1609 = arith.index_cast %add3A_1604 : i32 to index
        %get3A_1610 = arith.constant 16 : index
        %get3A_1611 = tpu.vector_load %arg6[%get3A_1609, %get3A_1610] {strides = array<i32>} : memref<200x128xf32, #tpu.memory_space<vmem>>, vector<1x16xf32>,
        %get3A_1612 = vector.shape_cast %get3A_1611 : vector<1x16xf32> to vector<16xf32>
        %add3A_1613 = arith.addf %scan3A_1596, %get3A_1612 : vector<16xf32>
        %get3A_1614 = arith.index_cast %add3A_1604 : i32 to index
        %get3A_1615 = arith.constant 32 : index
        %get3A_1616 = tpu.vector_load %arg6[%get3A_1614, %get3A_1615] {strides = array<i32>} : memref<200x128xf32, #tpu.memory_space<vmem>>, vector<1x16xf32>,
        %get3A_1617 = vector.shape_cast %get3A_1616 : vector<1x16xf32> to vector<16xf32>
        %add3A_1618 = arith.addf %scan3A_1597, %get3A_1617 : vector<16xf32>
        %get3A_1619 = arith.index_cast %add3A_1604 : i32 to index
        %get3A_1620 = arith.constant 48 : index
        %get3A_1621 = tpu.vector_load %arg6[%get3A_1619, %get3A_1620] {strides = array<i32>} : memref<200x128xf32, #tpu.memory_space<vmem>>, vector<1x16xf32>,
        %get3A_1622 = vector.shape_cast %get3A_1621 : vector<1x16xf32> to vector<16xf32>
        %add3A_1623 = arith.addf %scan3A_1598, %get3A_1622 : vector<16xf32>
        %get3A_1624 = arith.index_cast %add3A_1604 : i32 to index
        %get3A_1625 = arith.constant 64 : index
        %get3A_1626 = tpu.vector_load %arg6[%get3A_1624, %get3A_1625] {strides = array<i32>} : memref<200x128xf32, #tpu.memory_space<vmem>>, vector<1x16xf32>,
        %get3A_1627 = vector.shape_cast %get3A_1626 : vector<1x16xf32> to vector<16xf32>
        %add3A_1628 = arith.addf %scan3A_1599, %get3A_1627 : vector<16xf32>
        %get3A_1629 = arith.index_cast %add3A_1604 : i32 to index
        %get3A_1630 = arith.constant 80 : index
        %get3A_1631 = tpu.vector_load %arg6[%get3A_1629, %get3A_1630] {strides = array<i32>} : memref<200x128xf32, #tpu.memory_space<vmem>>, vector<1x16xf32>,
        %get3A_1632 = vector.shape_cast %get3A_1631 : vector<1x16xf32> to vector<16xf32>
        %add3A_1633 = arith.addf %scan3A_1600, %get3A_1632 : vector<16xf32>
        %get3A_1634 = arith.index_cast %add3A_1604 : i32 to index
        %get3A_1635 = arith.constant 96 : index
        %get3A_1636 = tpu.vector_load %arg6[%get3A_1634, %get3A_1635] {strides = array<i32>} : memref<200x128xf32, #tpu.memory_space<vmem>>, vector<1x16xf32>,
        %get3A_1637 = vector.shape_cast %get3A_1636 : vector<1x16xf32> to vector<16xf32>
        %add3A_1638 = arith.addf %scan3A_1601, %get3A_1637 : vector<16xf32>
        %get3A_1639 = arith.index_cast %add3A_1604 : i32 to index
        %get3A_1640 = arith.constant 112 : index
        %get3A_1641 = tpu.vector_load %arg6[%get3A_1639, %get3A_1640] {strides = array<i32>} : memref<200x128xf32, #tpu.memory_space<vmem>>, vector<1x16xf32>,
        %get3A_1642 = vector.shape_cast %get3A_1641 : vector<1x16xf32> to vector<16xf32>
        %add3A_1643 = arith.addf %scan3A_1602, %get3A_1642 : vector<16xf32>
        scf.yield %add3A_1608, %add3A_1613, %add3A_1618, %add3A_1623, %add3A_1628, %add3A_1633, %add3A_1638, %add3A_1643 : vector<16xf32>, vector<16xf32>, vector<16xf32>, vector<16xf32>, vector<16xf32>, vector<16xf32>, vector<16xf32>, vector<16xf32>
      }
      %scan3A_334 = arith.constant 50 : i32
      %mul3A_335 = arith.constant 4 : i32
      %mul3A_336 = arith.muli %add3A_28, %mul3A_335 : i32
      %add3A_337 = arith.constant 3 : i32
      %add3A_338 = arith.addi %mul3A_336, %add3A_337 : i32
      %swap3A_339 = arith.index_cast %add3A_338 : i32 to index
      %swap3A_340 = arith.constant 0 : index
      %swap3A_341 = tpu.vector_load %arg10[%swap3A_339, %swap3A_340] {strides = array<i32>} : memref<128x128xf32, #tpu.memory_space<vmem>>, vector<1x16xf32>,
      %swap3A_342 = vector.shape_cast %swap3A_341 : vector<1x16xf32> to vector<16xf32>
      %swap3A_343 = vector.shape_cast %scan3A_333#0 : vector<16xf32> to vector<1x16xf32>
      tpu.vector_store %arg10[%swap3A_339, %swap3A_340], %swap3A_343 {strides = array<i32>} : memref<128x128xf32, #tpu.memory_space<vmem>>, vector<1x16xf32>,
      %mul3A_344 = arith.constant 4 : i32
      %mul3A_345 = arith.muli %add3A_28, %mul3A_344 : i32
      %add3A_346 = arith.constant 3 : i32
      %add3A_347 = arith.addi %mul3A_345, %add3A_346 : i32
      %swap3A_348 = arith.index_cast %add3A_347 : i32 to index
      %swap3A_349 = arith.constant 16 : index
      %swap3A_350 = tpu.vector_load %arg10[%swap3A_348, %swap3A_349] {strides = array<i32>} : memref<128x128xf32, #tpu.memory_space<vmem>>, vector<1x16xf32>,
      %swap3A_351 = vector.shape_cast %swap3A_350 : vector<1x16xf32> to vector<16xf32>
      %swap3A_352 = vector.shape_cast %scan3A_333#1 : vector<16xf32> to vector<1x16xf32>
      tpu.vector_store %arg10[%swap3A_348, %swap3A_349], %swap3A_352 {strides = array<i32>} : memref<128x128xf32, #tpu.memory_space<vmem>>, vector<1x16xf32>,
      %mul3A_353 = arith.constant 4 : i32
      %mul3A_354 = arith.muli %add3A_28, %mul3A_353 : i32
      %add3A_355 = arith.constant 3 : i32
      %add3A_356 = arith.addi %mul3A_354, %add3A_355 : i32
      %swap3A_357 = arith.index_cast %add3A_356 : i32 to index
      %swap3A_358 = arith.constant 32 : index
      %swap3A_359 = tpu.vector_load %arg10[%swap3A_357, %swap3A_358] {strides = array<i32>} : memref<128x128xf32, #tpu.memory_space<vmem>>, vector<1x16xf32>,
      %swap3A_360 = vector.shape_cast %swap3A_359 : vector<1x16xf32> to vector<16xf32>
      %swap3A_361 = vector.shape_cast %scan3A_333#2 : vector<16xf32> to vector<1x16xf32>
      tpu.vector_store %arg10[%swap3A_357, %swap3A_358], %swap3A_361 {strides = array<i32>} : memref<128x128xf32, #tpu.memory_space<vmem>>, vector<1x16xf32>,
      %mul3A_362 = arith.constant 4 : i32
      %mul3A_363 = arith.muli %add3A_28, %mul3A_362 : i32
      %add3A_364 = arith.constant 3 : i32
      %add3A_365 = arith.addi %mul3A_363, %add3A_364 : i32
      %swap3A_366 = arith.index_cast %add3A_365 : i32 to index
      %swap3A_367 = arith.constant 48 : index
      %swap3A_368 = tpu.vector_load %arg10[%swap3A_366, %swap3A_367] {strides = array<i32>} : memref<128x128xf32, #tpu.memory_space<vmem>>, vector<1x16xf32>,
      %swap3A_369 = vector.shape_cast %swap3A_368 : vector<1x16xf32> to vector<16xf32>
      %swap3A_370 = vector.shape_cast %scan3A_333#3 : vector<16xf32> to vector<1x16xf32>
      tpu.vector_store %arg10[%swap3A_366, %swap3A_367], %swap3A_370 {strides = array<i32>} : memref<128x128xf32, #tpu.memory_space<vmem>>, vector<1x16xf32>,
      %mul3A_371 = arith.constant 4 : i32
      %mul3A_372 = arith.muli %add3A_28, %mul3A_371 : i32
      %add3A_373 = arith.constant 3 : i32
      %add3A_374 = arith.addi %mul3A_372, %add3A_373 : i32
      %swap3A_375 = arith.index_cast %add3A_374 : i32 to index
      %swap3A_376 = arith.constant 64 : index
      %swap3A_377 = tpu.vector_load %arg10[%swap3A_375, %swap3A_376] {strides = array<i32>} : memref<128x128xf32, #tpu.memory_space<vmem>>, vector<1x16xf32>,
      %swap3A_378 = vector.shape_cast %swap3A_377 : vector<1x16xf32> to vector<16xf32>
      %swap3A_379 = vector.shape_cast %scan3A_333#4 : vector<16xf32> to vector<1x16xf32>
      tpu.vector_store %arg10[%swap3A_375, %swap3A_376], %swap3A_379 {strides = array<i32>} : memref<128x128xf32, #tpu.memory_space<vmem>>, vector<1x16xf32>,
      %mul3A_380 = arith.constant 4 : i32
      %mul3A_381 = arith.muli %add3A_28, %mul3A_380 : i32
      %add3A_382 = arith.constant 3 : i32
      %add3A_383 = arith.addi %mul3A_381, %add3A_382 : i32
      %swap3A_384 = arith.index_cast %add3A_383 : i32 to index
      %swap3A_385 = arith.constant 80 : index
      %swap3A_386 = tpu.vector_load %arg10[%swap3A_384, %swap3A_385] {strides = array<i32>} : memref<128x128xf32, #tpu.memory_space<vmem>>, vector<1x16xf32>,
      %swap3A_387 = vector.shape_cast %swap3A_386 : vector<1x16xf32> to vector<16xf32>
      %swap3A_388 = vector.shape_cast %scan3A_333#5 : vector<16xf32> to vector<1x16xf32>
      tpu.vector_store %arg10[%swap3A_384, %swap3A_385], %swap3A_388 {strides = array<i32>} : memref<128x128xf32, #tpu.memory_space<vmem>>, vector<1x16xf32>,
      %mul3A_389 = arith.constant 4 : i32
      %mul3A_390 = arith.muli %add3A_28, %mul3A_389 : i32
      %add3A_391 = arith.constant 3 : i32
      %add3A_392 = arith.addi %mul3A_390, %add3A_391 : i32
      %swap3A_393 = arith.index_cast %add3A_392 : i32 to index
      %swap3A_394 = arith.constant 96 : index
      %swap3A_395 = tpu.vector_load %arg10[%swap3A_393, %swap3A_394] {strides = array<i32>} : memref<128x128xf32, #tpu.memory_space<vmem>>, vector<1x16xf32>,
      %swap3A_396 = vector.shape_cast %swap3A_395 : vector<1x16xf32> to vector<16xf32>
      %swap3A_397 = vector.shape_cast %scan3A_333#6 : vector<16xf32> to vector<1x16xf32>
      tpu.vector_store %arg10[%swap3A_393, %swap3A_394], %swap3A_397 {strides = array<i32>} : memref<128x128xf32, #tpu.memory_space<vmem>>, vector<1x16xf32>,
      %mul3A_398 = arith.constant 4 : i32
      %mul3A_399 = arith.muli %add3A_28, %mul3A_398 : i32
      %add3A_400 = arith.constant 3 : i32
      %add3A_401 = arith.addi %mul3A_399, %add3A_400 : i32
      %swap3A_402 = arith.index_cast %add3A_401 : i32 to index
      %swap3A_403 = arith.constant 112 : index
      %swap3A_404 = tpu.vector_load %arg10[%swap3A_402, %swap3A_403] {strides = array<i32>} : memref<128x128xf32, #tpu.memory_space<vmem>>, vector<1x16xf32>,
      %swap3A_405 = vector.shape_cast %swap3A_404 : vector<1x16xf32> to vector<16xf32>
      %swap3A_406 = vector.shape_cast %scan3A_333#7 : vector<16xf32> to vector<1x16xf32>
      tpu.vector_store %arg10[%swap3A_402, %swap3A_403], %swap3A_406 {strides = array<i32>} : memref<128x128xf32, #tpu.memory_space<vmem>>, vector<1x16xf32>,
      %add3A_407 = arith.constant 4 : i32
      %add3A_408 = arith.addi %add3A_28, %add3A_407 : i32
      %sub3A = arith.constant 1 : i32
      %sub3A_409 = arith.subi %add3A_408, %sub3A : i32
      %lt3A = arith.constant 32 : i32
      %lt3A_410 = arith.cmpi slt, %sub3A_409, %lt3A : i32
      %convert_element_type3A = arith.extui %lt3A_410 : i1 to i32
      %cond3A = arith.constant 0 : i32
      %cond3A_411 = arith.cmpi ne, %convert_element_type3A, %cond3A : i32
      scf.if %cond3A_411 {
        %add3A_1594 = arith.constant 4 : i32
        %add3A_1595 = arith.addi %add3A_28, %add3A_1594 : i32
        %sub3A_1596 = arith.constant 1 : i32
        %sub3A_1597 = arith.subi %add3A_1595, %sub3A_1596 : i32
        %mul3A_1598 = arith.constant 200 : i32
        %mul3A_1599 = arith.muli %sub3A_1597, %mul3A_1598 : i32
        %dma_start3A_1600 = tpu.memref_slice %arg5[%mul3A_1599] : memref<6400xi32, #tpu.memory_space<vmem>> -> memref<200xi32, #tpu.memory_space<vmem>>
        %dma_start3A_1601 = arith.constant 0 : i32
        %dma_start3A_1602 = arith.constant 0 : i32
        %dma_start3A_1603 = tpu.memref_slice %arg2[%dma_start3A_1601, %dma_start3A_1602] : memref<100000x128xf32, #tpu.memory_space<hbm>> -> memref<100000x128xf32, #tpu.memory_space<hbm>>
        tpu.enqueue_indirect_dma source(%dma_start3A_1603 : memref<100000x128xf32, #tpu.memory_space<hbm>>) target(%arg9 : memref<200x128xf32, #tpu.memory_space<vmem>>) offsets(%dma_start3A_1600 : memref<200xi32, #tpu.memory_space<vmem>>) semaphore(%arg14 : memref<!tpu.dma_semaphore, #tpu.memory_space<semaphore_mem>>)
      } else {
      }
      %mul3A_412 = arith.constant 4 : i32
      %mul3A_413 = arith.muli %scan3A_24, %mul3A_412 : i32
      %add3A_414 = arith.constant 1 : i32
      %add3A_415 = arith.addi %mul3A_413, %add3A_414 : i32
      %dma_wait3A_416 = arith.constant 0 : i32
      %dma_wait3A_417 = tpu.memref_slice %arg5[%dma_wait3A_416] : memref<6400xi32, #tpu.memory_space<vmem>> -> memref<200xi32, #tpu.memory_space<vmem>>
      %dma_wait3A_418 = arith.constant 0 : i32
      %dma_wait3A_419 = arith.constant 0 : i32
      %dma_wait3A_420 = tpu.memref_slice %arg2[%dma_wait3A_418, %dma_wait3A_419] : memref<100000x128xf32, #tpu.memory_space<hbm>> -> memref<100000x128xf32, #tpu.memory_space<hbm>>
      tpu.wait_indirect_dma semaphore(%arg12 : memref<!tpu.dma_semaphore, #tpu.memory_space<semaphore_mem>>) src(%dma_wait3A_420 : memref<100000x128xf32, #tpu.memory_space<hbm>>) dst(%arg7 : memref<200x128xf32, #tpu.memory_space<vmem>>)
      %broadcast_in_dim3A_421 = arith.constant 0.000000e+00 : f32
      %broadcast_in_dim3A_422 = vector.broadcast %broadcast_in_dim3A_421 : f32 to vector<16xf32>
      %broadcast_in_dim3A_423 = arith.constant 0.000000e+00 : f32
      %broadcast_in_dim3A_424 = vector.broadcast %broadcast_in_dim3A_423 : f32 to vector<16xf32>
      %broadcast_in_dim3A_425 = arith.constant 0.000000e+00 : f32
      %broadcast_in_dim3A_426 = vector.broadcast %broadcast_in_dim3A_425 : f32 to vector<16xf32>
      %broadcast_in_dim3A_427 = arith.constant 0.000000e+00 : f32
      %broadcast_in_dim3A_428 = vector.broadcast %broadcast_in_dim3A_427 : f32 to vector<16xf32>
      %broadcast_in_dim3A_429 = arith.constant 0.000000e+00 : f32
      %broadcast_in_dim3A_430 = vector.broadcast %broadcast_in_dim3A_429 : f32 to vector<16xf32>
      %broadcast_in_dim3A_431 = arith.constant 0.000000e+00 : f32
      %broadcast_in_dim3A_432 = vector.broadcast %broadcast_in_dim3A_431 : f32 to vector<16xf32>
      %broadcast_in_dim3A_433 = arith.constant 0.000000e+00 : f32
      %broadcast_in_dim3A_434 = vector.broadcast %broadcast_in_dim3A_433 : f32 to vector<16xf32>
      %broadcast_in_dim3A_435 = arith.constant 0.000000e+00 : f32
      %broadcast_in_dim3A_436 = vector.broadcast %broadcast_in_dim3A_435 : f32 to vector<16xf32>
      %scan3A_437 = arith.constant 0 : i32
      %scan3A_438 = arith.constant 50 : i32
      %scan3A_439 = arith.addi %scan3A_437, %scan3A_438 : i32
      %scan3A_440 = arith.constant 1 : i32
      %scan3A_441:8 = scf.for %scan3A_1594 = %scan3A_437 to %scan3A_439 step %scan3A_440 iter_args(%scan3A_1595 = %broadcast_in_dim3A_422, %scan3A_1596 = %broadcast_in_dim3A_424, %scan3A_1597 = %broadcast_in_dim3A_426, %scan3A_1598 = %broadcast_in_dim3A_428, %scan3A_1599 = %broadcast_in_dim3A_430, %scan3A_1600 = %broadcast_in_dim3A_432, %scan3A_1601 = %broadcast_in_dim3A_434, %scan3A_1602 = %broadcast_in_dim3A_436) -> (vector<16xf32>, vector<16xf32>, vector<16xf32>, vector<16xf32>, vector<16xf32>, vector<16xf32>, vector<16xf32>, vector<16xf32>)  : i32 {
        %add3A_1603 = arith.constant 0 : i32
        %add3A_1604 = arith.addi %add3A_1603, %scan3A_1594 : i32
        %get3A = arith.index_cast %add3A_1604 : i32 to index
        %get3A_1605 = arith.constant 0 : index
        %get3A_1606 = tpu.vector_load %arg7[%get3A, %get3A_1605] {strides = array<i32>} : memref<200x128xf32, #tpu.memory_space<vmem>>, vector<1x16xf32>,
        %get3A_1607 = vector.shape_cast %get3A_1606 : vector<1x16xf32> to vector<16xf32>
        %add3A_1608 = arith.addf %scan3A_1595, %get3A_1607 : vector<16xf32>
        %get3A_1609 = arith.index_cast %add3A_1604 : i32 to index
        %get3A_1610 = arith.constant 16 : index
        %get3A_1611 = tpu.vector_load %arg7[%get3A_1609, %get3A_1610] {strides = array<i32>} : memref<200x128xf32, #tpu.memory_space<vmem>>, vector<1x16xf32>,
        %get3A_1612 = vector.shape_cast %get3A_1611 : vector<1x16xf32> to vector<16xf32>
        %add3A_1613 = arith.addf %scan3A_1596, %get3A_1612 : vector<16xf32>
        %get3A_1614 = arith.index_cast %add3A_1604 : i32 to index
        %get3A_1615 = arith.constant 32 : index
        %get3A_1616 = tpu.vector_load %arg7[%get3A_1614, %get3A_1615] {strides = array<i32>} : memref<200x128xf32, #tpu.memory_space<vmem>>, vector<1x16xf32>,
        %get3A_1617 = vector.shape_cast %get3A_1616 : vector<1x16xf32> to vector<16xf32>
        %add3A_1618 = arith.addf %scan3A_1597, %get3A_1617 : vector<16xf32>
        %get3A_1619 = arith.index_cast %add3A_1604 : i32 to index
        %get3A_1620 = arith.constant 48 : index
        %get3A_1621 = tpu.vector_load %arg7[%get3A_1619, %get3A_1620] {strides = array<i32>} : memref<200x128xf32, #tpu.memory_space<vmem>>, vector<1x16xf32>,
        %get3A_1622 = vector.shape_cast %get3A_1621 : vector<1x16xf32> to vector<16xf32>
        %add3A_1623 = arith.addf %scan3A_1598, %get3A_1622 : vector<16xf32>
        %get3A_1624 = arith.index_cast %add3A_1604 : i32 to index
        %get3A_1625 = arith.constant 64 : index
        %get3A_1626 = tpu.vector_load %arg7[%get3A_1624, %get3A_1625] {strides = array<i32>} : memref<200x128xf32, #tpu.memory_space<vmem>>, vector<1x16xf32>,
        %get3A_1627 = vector.shape_cast %get3A_1626 : vector<1x16xf32> to vector<16xf32>
        %add3A_1628 = arith.addf %scan3A_1599, %get3A_1627 : vector<16xf32>
        %get3A_1629 = arith.index_cast %add3A_1604 : i32 to index
        %get3A_1630 = arith.constant 80 : index
        %get3A_1631 = tpu.vector_load %arg7[%get3A_1629, %get3A_1630] {strides = array<i32>} : memref<200x128xf32, #tpu.memory_space<vmem>>, vector<1x16xf32>,
        %get3A_1632 = vector.shape_cast %get3A_1631 : vector<1x16xf32> to vector<16xf32>
        %add3A_1633 = arith.addf %scan3A_1600, %get3A_1632 : vector<16xf32>
        %get3A_1634 = arith.index_cast %add3A_1604 : i32 to index
        %get3A_1635 = arith.constant 96 : index
        %get3A_1636 = tpu.vector_load %arg7[%get3A_1634, %get3A_1635] {strides = array<i32>} : memref<200x128xf32, #tpu.memory_space<vmem>>, vector<1x16xf32>,
        %get3A_1637 = vector.shape_cast %get3A_1636 : vector<1x16xf32> to vector<16xf32>
        %add3A_1638 = arith.addf %scan3A_1601, %get3A_1637 : vector<16xf32>
        %get3A_1639 = arith.index_cast %add3A_1604 : i32 to index
        %get3A_1640 = arith.constant 112 : index
        %get3A_1641 = tpu.vector_load %arg7[%get3A_1639, %get3A_1640] {strides = array<i32>} : memref<200x128xf32, #tpu.memory_space<vmem>>, vector<1x16xf32>,
        %get3A_1642 = vector.shape_cast %get3A_1641 : vector<1x16xf32> to vector<16xf32>
        %add3A_1643 = arith.addf %scan3A_1602, %get3A_1642 : vector<16xf32>
        scf.yield %add3A_1608, %add3A_1613, %add3A_1618, %add3A_1623, %add3A_1628, %add3A_1633, %add3A_1638, %add3A_1643 : vector<16xf32>, vector<16xf32>, vector<16xf32>, vector<16xf32>, vector<16xf32>, vector<16xf32>, vector<16xf32>, vector<16xf32>
      }
      %scan3A_442 = arith.constant 50 : i32
      %mul3A_443 = arith.constant 4 : i32
      %mul3A_444 = arith.muli %add3A_415, %mul3A_443 : i32
      %add3A_445 = arith.constant 0 : i32
      %add3A_446 = arith.addi %mul3A_444, %add3A_445 : i32
      %swap3A_447 = arith.index_cast %add3A_446 : i32 to index
      %swap3A_448 = arith.constant 0 : index
      %swap3A_449 = tpu.vector_load %arg10[%swap3A_447, %swap3A_448] {strides = array<i32>} : memref<128x128xf32, #tpu.memory_space<vmem>>, vector<1x16xf32>,
      %swap3A_450 = vector.shape_cast %swap3A_449 : vector<1x16xf32> to vector<16xf32>
      %swap3A_451 = vector.shape_cast %scan3A_441#0 : vector<16xf32> to vector<1x16xf32>
      tpu.vector_store %arg10[%swap3A_447, %swap3A_448], %swap3A_451 {strides = array<i32>} : memref<128x128xf32, #tpu.memory_space<vmem>>, vector<1x16xf32>,
      %mul3A_452 = arith.constant 4 : i32
      %mul3A_453 = arith.muli %add3A_415, %mul3A_452 : i32
      %add3A_454 = arith.constant 0 : i32
      %add3A_455 = arith.addi %mul3A_453, %add3A_454 : i32
      %swap3A_456 = arith.index_cast %add3A_455 : i32 to index
      %swap3A_457 = arith.constant 16 : index
      %swap3A_458 = tpu.vector_load %arg10[%swap3A_456, %swap3A_457] {strides = array<i32>} : memref<128x128xf32, #tpu.memory_space<vmem>>, vector<1x16xf32>,
      %swap3A_459 = vector.shape_cast %swap3A_458 : vector<1x16xf32> to vector<16xf32>
      %swap3A_460 = vector.shape_cast %scan3A_441#1 : vector<16xf32> to vector<1x16xf32>
      tpu.vector_store %arg10[%swap3A_456, %swap3A_457], %swap3A_460 {strides = array<i32>} : memref<128x128xf32, #tpu.memory_space<vmem>>, vector<1x16xf32>,
      %mul3A_461 = arith.constant 4 : i32
      %mul3A_462 = arith.muli %add3A_415, %mul3A_461 : i32
      %add3A_463 = arith.constant 0 : i32
      %add3A_464 = arith.addi %mul3A_462, %add3A_463 : i32
      %swap3A_465 = arith.index_cast %add3A_464 : i32 to index
      %swap3A_466 = arith.constant 32 : index
      %swap3A_467 = tpu.vector_load %arg10[%swap3A_465, %swap3A_466] {strides = array<i32>} : memref<128x128xf32, #tpu.memory_space<vmem>>, vector<1x16xf32>,
      %swap3A_468 = vector.shape_cast %swap3A_467 : vector<1x16xf32> to vector<16xf32>
      %swap3A_469 = vector.shape_cast %scan3A_441#2 : vector<16xf32> to vector<1x16xf32>
      tpu.vector_store %arg10[%swap3A_465, %swap3A_466], %swap3A_469 {strides = array<i32>} : memref<128x128xf32, #tpu.memory_space<vmem>>, vector<1x16xf32>,
      %mul3A_470 = arith.constant 4 : i32
      %mul3A_471 = arith.muli %add3A_415, %mul3A_470 : i32
      %add3A_472 = arith.constant 0 : i32
      %add3A_473 = arith.addi %mul3A_471, %add3A_472 : i32
      %swap3A_474 = arith.index_cast %add3A_473 : i32 to index
      %swap3A_475 = arith.constant 48 : index
      %swap3A_476 = tpu.vector_load %arg10[%swap3A_474, %swap3A_475] {strides = array<i32>} : memref<128x128xf32, #tpu.memory_space<vmem>>, vector<1x16xf32>,
      %swap3A_477 = vector.shape_cast %swap3A_476 : vector<1x16xf32> to vector<16xf32>
      %swap3A_478 = vector.shape_cast %scan3A_441#3 : vector<16xf32> to vector<1x16xf32>
      tpu.vector_store %arg10[%swap3A_474, %swap3A_475], %swap3A_478 {strides = array<i32>} : memref<128x128xf32, #tpu.memory_space<vmem>>, vector<1x16xf32>,
      %mul3A_479 = arith.constant 4 : i32
      %mul3A_480 = arith.muli %add3A_415, %mul3A_479 : i32
      %add3A_481 = arith.constant 0 : i32
      %add3A_482 = arith.addi %mul3A_480, %add3A_481 : i32
      %swap3A_483 = arith.index_cast %add3A_482 : i32 to index
      %swap3A_484 = arith.constant 64 : index
      %swap3A_485 = tpu.vector_load %arg10[%swap3A_483, %swap3A_484] {strides = array<i32>} : memref<128x128xf32, #tpu.memory_space<vmem>>, vector<1x16xf32>,
      %swap3A_486 = vector.shape_cast %swap3A_485 : vector<1x16xf32> to vector<16xf32>
      %swap3A_487 = vector.shape_cast %scan3A_441#4 : vector<16xf32> to vector<1x16xf32>
      tpu.vector_store %arg10[%swap3A_483, %swap3A_484], %swap3A_487 {strides = array<i32>} : memref<128x128xf32, #tpu.memory_space<vmem>>, vector<1x16xf32>,
      %mul3A_488 = arith.constant 4 : i32
      %mul3A_489 = arith.muli %add3A_415, %mul3A_488 : i32
      %add3A_490 = arith.constant 0 : i32
      %add3A_491 = arith.addi %mul3A_489, %add3A_490 : i32
      %swap3A_492 = arith.index_cast %add3A_491 : i32 to index
      %swap3A_493 = arith.constant 80 : index
      %swap3A_494 = tpu.vector_load %arg10[%swap3A_492, %swap3A_493] {strides = array<i32>} : memref<128x128xf32, #tpu.memory_space<vmem>>, vector<1x16xf32>,
      %swap3A_495 = vector.shape_cast %swap3A_494 : vector<1x16xf32> to vector<16xf32>
      %swap3A_496 = vector.shape_cast %scan3A_441#5 : vector<16xf32> to vector<1x16xf32>
      tpu.vector_store %arg10[%swap3A_492, %swap3A_493], %swap3A_496 {strides = array<i32>} : memref<128x128xf32, #tpu.memory_space<vmem>>, vector<1x16xf32>,
      %mul3A_497 = arith.constant 4 : i32
      %mul3A_498 = arith.muli %add3A_415, %mul3A_497 : i32
      %add3A_499 = arith.constant 0 : i32
      %add3A_500 = arith.addi %mul3A_498, %add3A_499 : i32
      %swap3A_501 = arith.index_cast %add3A_500 : i32 to index
      %swap3A_502 = arith.constant 96 : index
      %swap3A_503 = tpu.vector_load %arg10[%swap3A_501, %swap3A_502] {strides = array<i32>} : memref<128x128xf32, #tpu.memory_space<vmem>>, vector<1x16xf32>,
      %swap3A_504 = vector.shape_cast %swap3A_503 : vector<1x16xf32> to vector<16xf32>
      %swap3A_505 = vector.shape_cast %scan3A_441#6 : vector<16xf32> to vector<1x16xf32>
      tpu.vector_store %arg10[%swap3A_501, %swap3A_502], %swap3A_505 {strides = array<i32>} : memref<128x128xf32, #tpu.memory_space<vmem>>, vector<1x16xf32>,
      %mul3A_506 = arith.constant 4 : i32
      %mul3A_507 = arith.muli %add3A_415, %mul3A_506 : i32
      %add3A_508 = arith.constant 0 : i32
      %add3A_509 = arith.addi %mul3A_507, %add3A_508 : i32
      %swap3A_510 = arith.index_cast %add3A_509 : i32 to index
      %swap3A_511 = arith.constant 112 : index
      %swap3A_512 = tpu.vector_load %arg10[%swap3A_510, %swap3A_511] {strides = array<i32>} : memref<128x128xf32, #tpu.memory_space<vmem>>, vector<1x16xf32>,
      %swap3A_513 = vector.shape_cast %swap3A_512 : vector<1x16xf32> to vector<16xf32>
      %swap3A_514 = vector.shape_cast %scan3A_441#7 : vector<16xf32> to vector<1x16xf32>
      tpu.vector_store %arg10[%swap3A_510, %swap3A_511], %swap3A_514 {strides = array<i32>} : memref<128x128xf32, #tpu.memory_space<vmem>>, vector<1x16xf32>,
      %broadcast_in_dim3A_515 = arith.constant 0.000000e+00 : f32
      %broadcast_in_dim3A_516 = vector.broadcast %broadcast_in_dim3A_515 : f32 to vector<16xf32>
      %broadcast_in_dim3A_517 = arith.constant 0.000000e+00 : f32
      %broadcast_in_dim3A_518 = vector.broadcast %broadcast_in_dim3A_517 : f32 to vector<16xf32>
      %broadcast_in_dim3A_519 = arith.constant 0.000000e+00 : f32
      %broadcast_in_dim3A_520 = vector.broadcast %broadcast_in_dim3A_519 : f32 to vector<16xf32>
      %broadcast_in_dim3A_521 = arith.constant 0.000000e+00 : f32
      %broadcast_in_dim3A_522 = vector.broadcast %broadcast_in_dim3A_521 : f32 to vector<16xf32>
      %broadcast_in_dim3A_523 = arith.constant 0.000000e+00 : f32
      %broadcast_in_dim3A_524 = vector.broadcast %broadcast_in_dim3A_523 : f32 to vector<16xf32>
      %broadcast_in_dim3A_525 = arith.constant 0.000000e+00 : f32
      %broadcast_in_dim3A_526 = vector.broadcast %broadcast_in_dim3A_525 : f32 to vector<16xf32>
      %broadcast_in_dim3A_527 = arith.constant 0.000000e+00 : f32
      %broadcast_in_dim3A_528 = vector.broadcast %broadcast_in_dim3A_527 : f32 to vector<16xf32>
      %broadcast_in_dim3A_529 = arith.constant 0.000000e+00 : f32
      %broadcast_in_dim3A_530 = vector.broadcast %broadcast_in_dim3A_529 : f32 to vector<16xf32>
      %scan3A_531 = arith.constant 0 : i32
      %scan3A_532 = arith.constant 50 : i32
      %scan3A_533 = arith.addi %scan3A_531, %scan3A_532 : i32
      %scan3A_534 = arith.constant 1 : i32
      %scan3A_535:8 = scf.for %scan3A_1594 = %scan3A_531 to %scan3A_533 step %scan3A_534 iter_args(%scan3A_1595 = %broadcast_in_dim3A_516, %scan3A_1596 = %broadcast_in_dim3A_518, %scan3A_1597 = %broadcast_in_dim3A_520, %scan3A_1598 = %broadcast_in_dim3A_522, %scan3A_1599 = %broadcast_in_dim3A_524, %scan3A_1600 = %broadcast_in_dim3A_526, %scan3A_1601 = %broadcast_in_dim3A_528, %scan3A_1602 = %broadcast_in_dim3A_530) -> (vector<16xf32>, vector<16xf32>, vector<16xf32>, vector<16xf32>, vector<16xf32>, vector<16xf32>, vector<16xf32>, vector<16xf32>)  : i32 {
        %add3A_1603 = arith.constant 50 : i32
        %add3A_1604 = arith.addi %add3A_1603, %scan3A_1594 : i32
        %get3A = arith.index_cast %add3A_1604 : i32 to index
        %get3A_1605 = arith.constant 0 : index
        %get3A_1606 = tpu.vector_load %arg7[%get3A, %get3A_1605] {strides = array<i32>} : memref<200x128xf32, #tpu.memory_space<vmem>>, vector<1x16xf32>,
        %get3A_1607 = vector.shape_cast %get3A_1606 : vector<1x16xf32> to vector<16xf32>
        %add3A_1608 = arith.addf %scan3A_1595, %get3A_1607 : vector<16xf32>
        %get3A_1609 = arith.index_cast %add3A_1604 : i32 to index
        %get3A_1610 = arith.constant 16 : index
        %get3A_1611 = tpu.vector_load %arg7[%get3A_1609, %get3A_1610] {strides = array<i32>} : memref<200x128xf32, #tpu.memory_space<vmem>>, vector<1x16xf32>,
        %get3A_1612 = vector.shape_cast %get3A_1611 : vector<1x16xf32> to vector<16xf32>
        %add3A_1613 = arith.addf %scan3A_1596, %get3A_1612 : vector<16xf32>
        %get3A_1614 = arith.index_cast %add3A_1604 : i32 to index
        %get3A_1615 = arith.constant 32 : index
        %get3A_1616 = tpu.vector_load %arg7[%get3A_1614, %get3A_1615] {strides = array<i32>} : memref<200x128xf32, #tpu.memory_space<vmem>>, vector<1x16xf32>,
        %get3A_1617 = vector.shape_cast %get3A_1616 : vector<1x16xf32> to vector<16xf32>
        %add3A_1618 = arith.addf %scan3A_1597, %get3A_1617 : vector<16xf32>
        %get3A_1619 = arith.index_cast %add3A_1604 : i32 to index
        %get3A_1620 = arith.constant 48 : index
        %get3A_1621 = tpu.vector_load %arg7[%get3A_1619, %get3A_1620] {strides = array<i32>} : memref<200x128xf32, #tpu.memory_space<vmem>>, vector<1x16xf32>,
        %get3A_1622 = vector.shape_cast %get3A_1621 : vector<1x16xf32> to vector<16xf32>
        %add3A_1623 = arith.addf %scan3A_1598, %get3A_1622 : vector<16xf32>
        %get3A_1624 = arith.index_cast %add3A_1604 : i32 to index
        %get3A_1625 = arith.constant 64 : index
        %get3A_1626 = tpu.vector_load %arg7[%get3A_1624, %get3A_1625] {strides = array<i32>} : memref<200x128xf32, #tpu.memory_space<vmem>>, vector<1x16xf32>,
        %get3A_1627 = vector.shape_cast %get3A_1626 : vector<1x16xf32> to vector<16xf32>
        %add3A_1628 = arith.addf %scan3A_1599, %get3A_1627 : vector<16xf32>
        %get3A_1629 = arith.index_cast %add3A_1604 : i32 to index
        %get3A_1630 = arith.constant 80 : index
        %get3A_1631 = tpu.vector_load %arg7[%get3A_1629, %get3A_1630] {strides = array<i32>} : memref<200x128xf32, #tpu.memory_space<vmem>>, vector<1x16xf32>,
        %get3A_1632 = vector.shape_cast %get3A_1631 : vector<1x16xf32> to vector<16xf32>
        %add3A_1633 = arith.addf %scan3A_1600, %get3A_1632 : vector<16xf32>
        %get3A_1634 = arith.index_cast %add3A_1604 : i32 to index
        %get3A_1635 = arith.constant 96 : index
        %get3A_1636 = tpu.vector_load %arg7[%get3A_1634, %get3A_1635] {strides = array<i32>} : memref<200x128xf32, #tpu.memory_space<vmem>>, vector<1x16xf32>,
        %get3A_1637 = vector.shape_cast %get3A_1636 : vector<1x16xf32> to vector<16xf32>
        %add3A_1638 = arith.addf %scan3A_1601, %get3A_1637 : vector<16xf32>
        %get3A_1639 = arith.index_cast %add3A_1604 : i32 to index
        %get3A_1640 = arith.constant 112 : index
        %get3A_1641 = tpu.vector_load %arg7[%get3A_1639, %get3A_1640] {strides = array<i32>} : memref<200x128xf32, #tpu.memory_space<vmem>>, vector<1x16xf32>,
        %get3A_1642 = vector.shape_cast %get3A_1641 : vector<1x16xf32> to vector<16xf32>
        %add3A_1643 = arith.addf %scan3A_1602, %get3A_1642 : vector<16xf32>
        scf.yield %add3A_1608, %add3A_1613, %add3A_1618, %add3A_1623, %add3A_1628, %add3A_1633, %add3A_1638, %add3A_1643 : vector<16xf32>, vector<16xf32>, vector<16xf32>, vector<16xf32>, vector<16xf32>, vector<16xf32>, vector<16xf32>, vector<16xf32>
      }
      %scan3A_536 = arith.constant 50 : i32
      %mul3A_537 = arith.constant 4 : i32
      %mul3A_538 = arith.muli %add3A_415, %mul3A_537 : i32
      %add3A_539 = arith.constant 1 : i32
      %add3A_540 = arith.addi %mul3A_538, %add3A_539 : i32
      %swap3A_541 = arith.index_cast %add3A_540 : i32 to index
      %swap3A_542 = arith.constant 0 : index
      %swap3A_543 = tpu.vector_load %arg10[%swap3A_541, %swap3A_542] {strides = array<i32>} : memref<128x128xf32, #tpu.memory_space<vmem>>, vector<1x16xf32>,
      %swap3A_544 = vector.shape_cast %swap3A_543 : vector<1x16xf32> to vector<16xf32>
      %swap3A_545 = vector.shape_cast %scan3A_535#0 : vector<16xf32> to vector<1x16xf32>
      tpu.vector_store %arg10[%swap3A_541, %swap3A_542], %swap3A_545 {strides = array<i32>} : memref<128x128xf32, #tpu.memory_space<vmem>>, vector<1x16xf32>,
      %mul3A_546 = arith.constant 4 : i32
      %mul3A_547 = arith.muli %add3A_415, %mul3A_546 : i32
      %add3A_548 = arith.constant 1 : i32
      %add3A_549 = arith.addi %mul3A_547, %add3A_548 : i32
      %swap3A_550 = arith.index_cast %add3A_549 : i32 to index
      %swap3A_551 = arith.constant 16 : index
      %swap3A_552 = tpu.vector_load %arg10[%swap3A_550, %swap3A_551] {strides = array<i32>} : memref<128x128xf32, #tpu.memory_space<vmem>>, vector<1x16xf32>,
      %swap3A_553 = vector.shape_cast %swap3A_552 : vector<1x16xf32> to vector<16xf32>
      %swap3A_554 = vector.shape_cast %scan3A_535#1 : vector<16xf32> to vector<1x16xf32>
      tpu.vector_store %arg10[%swap3A_550, %swap3A_551], %swap3A_554 {strides = array<i32>} : memref<128x128xf32, #tpu.memory_space<vmem>>, vector<1x16xf32>,
      %mul3A_555 = arith.constant 4 : i32
      %mul3A_556 = arith.muli %add3A_415, %mul3A_555 : i32
      %add3A_557 = arith.constant 1 : i32
      %add3A_558 = arith.addi %mul3A_556, %add3A_557 : i32
      %swap3A_559 = arith.index_cast %add3A_558 : i32 to index
      %swap3A_560 = arith.constant 32 : index
      %swap3A_561 = tpu.vector_load %arg10[%swap3A_559, %swap3A_560] {strides = array<i32>} : memref<128x128xf32, #tpu.memory_space<vmem>>, vector<1x16xf32>,
      %swap3A_562 = vector.shape_cast %swap3A_561 : vector<1x16xf32> to vector<16xf32>
      %swap3A_563 = vector.shape_cast %scan3A_535#2 : vector<16xf32> to vector<1x16xf32>
      tpu.vector_store %arg10[%swap3A_559, %swap3A_560], %swap3A_563 {strides = array<i32>} : memref<128x128xf32, #tpu.memory_space<vmem>>, vector<1x16xf32>,
      %mul3A_564 = arith.constant 4 : i32
      %mul3A_565 = arith.muli %add3A_415, %mul3A_564 : i32
      %add3A_566 = arith.constant 1 : i32
      %add3A_567 = arith.addi %mul3A_565, %add3A_566 : i32
      %swap3A_568 = arith.index_cast %add3A_567 : i32 to index
      %swap3A_569 = arith.constant 48 : index
      %swap3A_570 = tpu.vector_load %arg10[%swap3A_568, %swap3A_569] {strides = array<i32>} : memref<128x128xf32, #tpu.memory_space<vmem>>, vector<1x16xf32>,
      %swap3A_571 = vector.shape_cast %swap3A_570 : vector<1x16xf32> to vector<16xf32>
      %swap3A_572 = vector.shape_cast %scan3A_535#3 : vector<16xf32> to vector<1x16xf32>
      tpu.vector_store %arg10[%swap3A_568, %swap3A_569], %swap3A_572 {strides = array<i32>} : memref<128x128xf32, #tpu.memory_space<vmem>>, vector<1x16xf32>,
      %mul3A_573 = arith.constant 4 : i32
      %mul3A_574 = arith.muli %add3A_415, %mul3A_573 : i32
      %add3A_575 = arith.constant 1 : i32
      %add3A_576 = arith.addi %mul3A_574, %add3A_575 : i32
      %swap3A_577 = arith.index_cast %add3A_576 : i32 to index
      %swap3A_578 = arith.constant 64 : index
      %swap3A_579 = tpu.vector_load %arg10[%swap3A_577, %swap3A_578] {strides = array<i32>} : memref<128x128xf32, #tpu.memory_space<vmem>>, vector<1x16xf32>,
      %swap3A_580 = vector.shape_cast %swap3A_579 : vector<1x16xf32> to vector<16xf32>
      %swap3A_581 = vector.shape_cast %scan3A_535#4 : vector<16xf32> to vector<1x16xf32>
      tpu.vector_store %arg10[%swap3A_577, %swap3A_578], %swap3A_581 {strides = array<i32>} : memref<128x128xf32, #tpu.memory_space<vmem>>, vector<1x16xf32>,
      %mul3A_582 = arith.constant 4 : i32
      %mul3A_583 = arith.muli %add3A_415, %mul3A_582 : i32
      %add3A_584 = arith.constant 1 : i32
      %add3A_585 = arith.addi %mul3A_583, %add3A_584 : i32
      %swap3A_586 = arith.index_cast %add3A_585 : i32 to index
      %swap3A_587 = arith.constant 80 : index
      %swap3A_588 = tpu.vector_load %arg10[%swap3A_586, %swap3A_587] {strides = array<i32>} : memref<128x128xf32, #tpu.memory_space<vmem>>, vector<1x16xf32>,
      %swap3A_589 = vector.shape_cast %swap3A_588 : vector<1x16xf32> to vector<16xf32>
      %swap3A_590 = vector.shape_cast %scan3A_535#5 : vector<16xf32> to vector<1x16xf32>
      tpu.vector_store %arg10[%swap3A_586, %swap3A_587], %swap3A_590 {strides = array<i32>} : memref<128x128xf32, #tpu.memory_space<vmem>>, vector<1x16xf32>,
      %mul3A_591 = arith.constant 4 : i32
      %mul3A_592 = arith.muli %add3A_415, %mul3A_591 : i32
      %add3A_593 = arith.constant 1 : i32
      %add3A_594 = arith.addi %mul3A_592, %add3A_593 : i32
      %swap3A_595 = arith.index_cast %add3A_594 : i32 to index
      %swap3A_596 = arith.constant 96 : index
      %swap3A_597 = tpu.vector_load %arg10[%swap3A_595, %swap3A_596] {strides = array<i32>} : memref<128x128xf32, #tpu.memory_space<vmem>>, vector<1x16xf32>,
      %swap3A_598 = vector.shape_cast %swap3A_597 : vector<1x16xf32> to vector<16xf32>
      %swap3A_599 = vector.shape_cast %scan3A_535#6 : vector<16xf32> to vector<1x16xf32>
      tpu.vector_store %arg10[%swap3A_595, %swap3A_596], %swap3A_599 {strides = array<i32>} : memref<128x128xf32, #tpu.memory_space<vmem>>, vector<1x16xf32>,
      %mul3A_600 = arith.constant 4 : i32
      %mul3A_601 = arith.muli %add3A_415, %mul3A_600 : i32
      %add3A_602 = arith.constant 1 : i32
      %add3A_603 = arith.addi %mul3A_601, %add3A_602 : i32
      %swap3A_604 = arith.index_cast %add3A_603 : i32 to index
      %swap3A_605 = arith.constant 112 : index
      %swap3A_606 = tpu.vector_load %arg10[%swap3A_604, %swap3A_605] {strides = array<i32>} : memref<128x128xf32, #tpu.memory_space<vmem>>, vector<1x16xf32>,
      %swap3A_607 = vector.shape_cast %swap3A_606 : vector<1x16xf32> to vector<16xf32>
      %swap3A_608 = vector.shape_cast %scan3A_535#7 : vector<16xf32> to vector<1x16xf32>
      tpu.vector_store %arg10[%swap3A_604, %swap3A_605], %swap3A_608 {strides = array<i32>} : memref<128x128xf32, #tpu.memory_space<vmem>>, vector<1x16xf32>,
      %broadcast_in_dim3A_609 = arith.constant 0.000000e+00 : f32
      %broadcast_in_dim3A_610 = vector.broadcast %broadcast_in_dim3A_609 : f32 to vector<16xf32>
      %broadcast_in_dim3A_611 = arith.constant 0.000000e+00 : f32
      %broadcast_in_dim3A_612 = vector.broadcast %broadcast_in_dim3A_611 : f32 to vector<16xf32>
      %broadcast_in_dim3A_613 = arith.constant 0.000000e+00 : f32
      %broadcast_in_dim3A_614 = vector.broadcast %broadcast_in_dim3A_613 : f32 to vector<16xf32>
      %broadcast_in_dim3A_615 = arith.constant 0.000000e+00 : f32
      %broadcast_in_dim3A_616 = vector.broadcast %broadcast_in_dim3A_615 : f32 to vector<16xf32>
      %broadcast_in_dim3A_617 = arith.constant 0.000000e+00 : f32
      %broadcast_in_dim3A_618 = vector.broadcast %broadcast_in_dim3A_617 : f32 to vector<16xf32>
      %broadcast_in_dim3A_619 = arith.constant 0.000000e+00 : f32
      %broadcast_in_dim3A_620 = vector.broadcast %broadcast_in_dim3A_619 : f32 to vector<16xf32>
      %broadcast_in_dim3A_621 = arith.constant 0.000000e+00 : f32
      %broadcast_in_dim3A_622 = vector.broadcast %broadcast_in_dim3A_621 : f32 to vector<16xf32>
      %broadcast_in_dim3A_623 = arith.constant 0.000000e+00 : f32
      %broadcast_in_dim3A_624 = vector.broadcast %broadcast_in_dim3A_623 : f32 to vector<16xf32>
      %scan3A_625 = arith.constant 0 : i32
      %scan3A_626 = arith.constant 50 : i32
      %scan3A_627 = arith.addi %scan3A_625, %scan3A_626 : i32
      %scan3A_628 = arith.constant 1 : i32
      %scan3A_629:8 = scf.for %scan3A_1594 = %scan3A_625 to %scan3A_627 step %scan3A_628 iter_args(%scan3A_1595 = %broadcast_in_dim3A_610, %scan3A_1596 = %broadcast_in_dim3A_612, %scan3A_1597 = %broadcast_in_dim3A_614, %scan3A_1598 = %broadcast_in_dim3A_616, %scan3A_1599 = %broadcast_in_dim3A_618, %scan3A_1600 = %broadcast_in_dim3A_620, %scan3A_1601 = %broadcast_in_dim3A_622, %scan3A_1602 = %broadcast_in_dim3A_624) -> (vector<16xf32>, vector<16xf32>, vector<16xf32>, vector<16xf32>, vector<16xf32>, vector<16xf32>, vector<16xf32>, vector<16xf32>)  : i32 {
        %add3A_1603 = arith.constant 100 : i32
        %add3A_1604 = arith.addi %add3A_1603, %scan3A_1594 : i32
        %get3A = arith.index_cast %add3A_1604 : i32 to index
        %get3A_1605 = arith.constant 0 : index
        %get3A_1606 = tpu.vector_load %arg7[%get3A, %get3A_1605] {strides = array<i32>} : memref<200x128xf32, #tpu.memory_space<vmem>>, vector<1x16xf32>,
        %get3A_1607 = vector.shape_cast %get3A_1606 : vector<1x16xf32> to vector<16xf32>
        %add3A_1608 = arith.addf %scan3A_1595, %get3A_1607 : vector<16xf32>
        %get3A_1609 = arith.index_cast %add3A_1604 : i32 to index
        %get3A_1610 = arith.constant 16 : index
        %get3A_1611 = tpu.vector_load %arg7[%get3A_1609, %get3A_1610] {strides = array<i32>} : memref<200x128xf32, #tpu.memory_space<vmem>>, vector<1x16xf32>,
        %get3A_1612 = vector.shape_cast %get3A_1611 : vector<1x16xf32> to vector<16xf32>
        %add3A_1613 = arith.addf %scan3A_1596, %get3A_1612 : vector<16xf32>
        %get3A_1614 = arith.index_cast %add3A_1604 : i32 to index
        %get3A_1615 = arith.constant 32 : index
        %get3A_1616 = tpu.vector_load %arg7[%get3A_1614, %get3A_1615] {strides = array<i32>} : memref<200x128xf32, #tpu.memory_space<vmem>>, vector<1x16xf32>,
        %get3A_1617 = vector.shape_cast %get3A_1616 : vector<1x16xf32> to vector<16xf32>
        %add3A_1618 = arith.addf %scan3A_1597, %get3A_1617 : vector<16xf32>
        %get3A_1619 = arith.index_cast %add3A_1604 : i32 to index
        %get3A_1620 = arith.constant 48 : index
        %get3A_1621 = tpu.vector_load %arg7[%get3A_1619, %get3A_1620] {strides = array<i32>} : memref<200x128xf32, #tpu.memory_space<vmem>>, vector<1x16xf32>,
        %get3A_1622 = vector.shape_cast %get3A_1621 : vector<1x16xf32> to vector<16xf32>
        %add3A_1623 = arith.addf %scan3A_1598, %get3A_1622 : vector<16xf32>
        %get3A_1624 = arith.index_cast %add3A_1604 : i32 to index
        %get3A_1625 = arith.constant 64 : index
        %get3A_1626 = tpu.vector_load %arg7[%get3A_1624, %get3A_1625] {strides = array<i32>} : memref<200x128xf32, #tpu.memory_space<vmem>>, vector<1x16xf32>,
        %get3A_1627 = vector.shape_cast %get3A_1626 : vector<1x16xf32> to vector<16xf32>
        %add3A_1628 = arith.addf %scan3A_1599, %get3A_1627 : vector<16xf32>
        %get3A_1629 = arith.index_cast %add3A_1604 : i32 to index
        %get3A_1630 = arith.constant 80 : index
        %get3A_1631 = tpu.vector_load %arg7[%get3A_1629, %get3A_1630] {strides = array<i32>} : memref<200x128xf32, #tpu.memory_space<vmem>>, vector<1x16xf32>,
        %get3A_1632 = vector.shape_cast %get3A_1631 : vector<1x16xf32> to vector<16xf32>
        %add3A_1633 = arith.addf %scan3A_1600, %get3A_1632 : vector<16xf32>
        %get3A_1634 = arith.index_cast %add3A_1604 : i32 to index
        %get3A_1635 = arith.constant 96 : index
        %get3A_1636 = tpu.vector_load %arg7[%get3A_1634, %get3A_1635] {strides = array<i32>} : memref<200x128xf32, #tpu.memory_space<vmem>>, vector<1x16xf32>,
        %get3A_1637 = vector.shape_cast %get3A_1636 : vector<1x16xf32> to vector<16xf32>
        %add3A_1638 = arith.addf %scan3A_1601, %get3A_1637 : vector<16xf32>
        %get3A_1639 = arith.index_cast %add3A_1604 : i32 to index
        %get3A_1640 = arith.constant 112 : index
        %get3A_1641 = tpu.vector_load %arg7[%get3A_1639, %get3A_1640] {strides = array<i32>} : memref<200x128xf32, #tpu.memory_space<vmem>>, vector<1x16xf32>,
        %get3A_1642 = vector.shape_cast %get3A_1641 : vector<1x16xf32> to vector<16xf32>
        %add3A_1643 = arith.addf %scan3A_1602, %get3A_1642 : vector<16xf32>
        scf.yield %add3A_1608, %add3A_1613, %add3A_1618, %add3A_1623, %add3A_1628, %add3A_1633, %add3A_1638, %add3A_1643 : vector<16xf32>, vector<16xf32>, vector<16xf32>, vector<16xf32>, vector<16xf32>, vector<16xf32>, vector<16xf32>, vector<16xf32>
      }
      %scan3A_630 = arith.constant 50 : i32
      %mul3A_631 = arith.constant 4 : i32
      %mul3A_632 = arith.muli %add3A_415, %mul3A_631 : i32
      %add3A_633 = arith.constant 2 : i32
      %add3A_634 = arith.addi %mul3A_632, %add3A_633 : i32
      %swap3A_635 = arith.index_cast %add3A_634 : i32 to index
      %swap3A_636 = arith.constant 0 : index
      %swap3A_637 = tpu.vector_load %arg10[%swap3A_635, %swap3A_636] {strides = array<i32>} : memref<128x128xf32, #tpu.memory_space<vmem>>, vector<1x16xf32>,
      %swap3A_638 = vector.shape_cast %swap3A_637 : vector<1x16xf32> to vector<16xf32>
      %swap3A_639 = vector.shape_cast %scan3A_629#0 : vector<16xf32> to vector<1x16xf32>
      tpu.vector_store %arg10[%swap3A_635, %swap3A_636], %swap3A_639 {strides = array<i32>} : memref<128x128xf32, #tpu.memory_space<vmem>>, vector<1x16xf32>,
      %mul3A_640 = arith.constant 4 : i32
      %mul3A_641 = arith.muli %add3A_415, %mul3A_640 : i32
      %add3A_642 = arith.constant 2 : i32
      %add3A_643 = arith.addi %mul3A_641, %add3A_642 : i32
      %swap3A_644 = arith.index_cast %add3A_643 : i32 to index
      %swap3A_645 = arith.constant 16 : index
      %swap3A_646 = tpu.vector_load %arg10[%swap3A_644, %swap3A_645] {strides = array<i32>} : memref<128x128xf32, #tpu.memory_space<vmem>>, vector<1x16xf32>,
      %swap3A_647 = vector.shape_cast %swap3A_646 : vector<1x16xf32> to vector<16xf32>
      %swap3A_648 = vector.shape_cast %scan3A_629#1 : vector<16xf32> to vector<1x16xf32>
      tpu.vector_store %arg10[%swap3A_644, %swap3A_645], %swap3A_648 {strides = array<i32>} : memref<128x128xf32, #tpu.memory_space<vmem>>, vector<1x16xf32>,
      %mul3A_649 = arith.constant 4 : i32
      %mul3A_650 = arith.muli %add3A_415, %mul3A_649 : i32
      %add3A_651 = arith.constant 2 : i32
      %add3A_652 = arith.addi %mul3A_650, %add3A_651 : i32
      %swap3A_653 = arith.index_cast %add3A_652 : i32 to index
      %swap3A_654 = arith.constant 32 : index
      %swap3A_655 = tpu.vector_load %arg10[%swap3A_653, %swap3A_654] {strides = array<i32>} : memref<128x128xf32, #tpu.memory_space<vmem>>, vector<1x16xf32>,
      %swap3A_656 = vector.shape_cast %swap3A_655 : vector<1x16xf32> to vector<16xf32>
      %swap3A_657 = vector.shape_cast %scan3A_629#2 : vector<16xf32> to vector<1x16xf32>
      tpu.vector_store %arg10[%swap3A_653, %swap3A_654], %swap3A_657 {strides = array<i32>} : memref<128x128xf32, #tpu.memory_space<vmem>>, vector<1x16xf32>,
      %mul3A_658 = arith.constant 4 : i32
      %mul3A_659 = arith.muli %add3A_415, %mul3A_658 : i32
      %add3A_660 = arith.constant 2 : i32
      %add3A_661 = arith.addi %mul3A_659, %add3A_660 : i32
      %swap3A_662 = arith.index_cast %add3A_661 : i32 to index
      %swap3A_663 = arith.constant 48 : index
      %swap3A_664 = tpu.vector_load %arg10[%swap3A_662, %swap3A_663] {strides = array<i32>} : memref<128x128xf32, #tpu.memory_space<vmem>>, vector<1x16xf32>,
      %swap3A_665 = vector.shape_cast %swap3A_664 : vector<1x16xf32> to vector<16xf32>
      %swap3A_666 = vector.shape_cast %scan3A_629#3 : vector<16xf32> to vector<1x16xf32>
      tpu.vector_store %arg10[%swap3A_662, %swap3A_663], %swap3A_666 {strides = array<i32>} : memref<128x128xf32, #tpu.memory_space<vmem>>, vector<1x16xf32>,
      %mul3A_667 = arith.constant 4 : i32
      %mul3A_668 = arith.muli %add3A_415, %mul3A_667 : i32
      %add3A_669 = arith.constant 2 : i32
      %add3A_670 = arith.addi %mul3A_668, %add3A_669 : i32
      %swap3A_671 = arith.index_cast %add3A_670 : i32 to index
      %swap3A_672 = arith.constant 64 : index
      %swap3A_673 = tpu.vector_load %arg10[%swap3A_671, %swap3A_672] {strides = array<i32>} : memref<128x128xf32, #tpu.memory_space<vmem>>, vector<1x16xf32>,
      %swap3A_674 = vector.shape_cast %swap3A_673 : vector<1x16xf32> to vector<16xf32>
      %swap3A_675 = vector.shape_cast %scan3A_629#4 : vector<16xf32> to vector<1x16xf32>
      tpu.vector_store %arg10[%swap3A_671, %swap3A_672], %swap3A_675 {strides = array<i32>} : memref<128x128xf32, #tpu.memory_space<vmem>>, vector<1x16xf32>,
      %mul3A_676 = arith.constant 4 : i32
      %mul3A_677 = arith.muli %add3A_415, %mul3A_676 : i32
      %add3A_678 = arith.constant 2 : i32
      %add3A_679 = arith.addi %mul3A_677, %add3A_678 : i32
      %swap3A_680 = arith.index_cast %add3A_679 : i32 to index
      %swap3A_681 = arith.constant 80 : index
      %swap3A_682 = tpu.vector_load %arg10[%swap3A_680, %swap3A_681] {strides = array<i32>} : memref<128x128xf32, #tpu.memory_space<vmem>>, vector<1x16xf32>,
      %swap3A_683 = vector.shape_cast %swap3A_682 : vector<1x16xf32> to vector<16xf32>
      %swap3A_684 = vector.shape_cast %scan3A_629#5 : vector<16xf32> to vector<1x16xf32>
      tpu.vector_store %arg10[%swap3A_680, %swap3A_681], %swap3A_684 {strides = array<i32>} : memref<128x128xf32, #tpu.memory_space<vmem>>, vector<1x16xf32>,
      %mul3A_685 = arith.constant 4 : i32
      %mul3A_686 = arith.muli %add3A_415, %mul3A_685 : i32
      %add3A_687 = arith.constant 2 : i32
      %add3A_688 = arith.addi %mul3A_686, %add3A_687 : i32
      %swap3A_689 = arith.index_cast %add3A_688 : i32 to index
      %swap3A_690 = arith.constant 96 : index
      %swap3A_691 = tpu.vector_load %arg10[%swap3A_689, %swap3A_690] {strides = array<i32>} : memref<128x128xf32, #tpu.memory_space<vmem>>, vector<1x16xf32>,
      %swap3A_692 = vector.shape_cast %swap3A_691 : vector<1x16xf32> to vector<16xf32>
      %swap3A_693 = vector.shape_cast %scan3A_629#6 : vector<16xf32> to vector<1x16xf32>
      tpu.vector_store %arg10[%swap3A_689, %swap3A_690], %swap3A_693 {strides = array<i32>} : memref<128x128xf32, #tpu.memory_space<vmem>>, vector<1x16xf32>,
      %mul3A_694 = arith.constant 4 : i32
      %mul3A_695 = arith.muli %add3A_415, %mul3A_694 : i32
      %add3A_696 = arith.constant 2 : i32
      %add3A_697 = arith.addi %mul3A_695, %add3A_696 : i32
      %swap3A_698 = arith.index_cast %add3A_697 : i32 to index
      %swap3A_699 = arith.constant 112 : index
      %swap3A_700 = tpu.vector_load %arg10[%swap3A_698, %swap3A_699] {strides = array<i32>} : memref<128x128xf32, #tpu.memory_space<vmem>>, vector<1x16xf32>,
      %swap3A_701 = vector.shape_cast %swap3A_700 : vector<1x16xf32> to vector<16xf32>
      %swap3A_702 = vector.shape_cast %scan3A_629#7 : vector<16xf32> to vector<1x16xf32>
      tpu.vector_store %arg10[%swap3A_698, %swap3A_699], %swap3A_702 {strides = array<i32>} : memref<128x128xf32, #tpu.memory_space<vmem>>, vector<1x16xf32>,
      %broadcast_in_dim3A_703 = arith.constant 0.000000e+00 : f32
      %broadcast_in_dim3A_704 = vector.broadcast %broadcast_in_dim3A_703 : f32 to vector<16xf32>
      %broadcast_in_dim3A_705 = arith.constant 0.000000e+00 : f32
      %broadcast_in_dim3A_706 = vector.broadcast %broadcast_in_dim3A_705 : f32 to vector<16xf32>
      %broadcast_in_dim3A_707 = arith.constant 0.000000e+00 : f32
      %broadcast_in_dim3A_708 = vector.broadcast %broadcast_in_dim3A_707 : f32 to vector<16xf32>
      %broadcast_in_dim3A_709 = arith.constant 0.000000e+00 : f32
      %broadcast_in_dim3A_710 = vector.broadcast %broadcast_in_dim3A_709 : f32 to vector<16xf32>
      %broadcast_in_dim3A_711 = arith.constant 0.000000e+00 : f32
      %broadcast_in_dim3A_712 = vector.broadcast %broadcast_in_dim3A_711 : f32 to vector<16xf32>
      %broadcast_in_dim3A_713 = arith.constant 0.000000e+00 : f32
      %broadcast_in_dim3A_714 = vector.broadcast %broadcast_in_dim3A_713 : f32 to vector<16xf32>
      %broadcast_in_dim3A_715 = arith.constant 0.000000e+00 : f32
      %broadcast_in_dim3A_716 = vector.broadcast %broadcast_in_dim3A_715 : f32 to vector<16xf32>
      %broadcast_in_dim3A_717 = arith.constant 0.000000e+00 : f32
      %broadcast_in_dim3A_718 = vector.broadcast %broadcast_in_dim3A_717 : f32 to vector<16xf32>
      %scan3A_719 = arith.constant 0 : i32
      %scan3A_720 = arith.constant 50 : i32
      %scan3A_721 = arith.addi %scan3A_719, %scan3A_720 : i32
      %scan3A_722 = arith.constant 1 : i32
      %scan3A_723:8 = scf.for %scan3A_1594 = %scan3A_719 to %scan3A_721 step %scan3A_722 iter_args(%scan3A_1595 = %broadcast_in_dim3A_704, %scan3A_1596 = %broadcast_in_dim3A_706, %scan3A_1597 = %broadcast_in_dim3A_708, %scan3A_1598 = %broadcast_in_dim3A_710, %scan3A_1599 = %broadcast_in_dim3A_712, %scan3A_1600 = %broadcast_in_dim3A_714, %scan3A_1601 = %broadcast_in_dim3A_716, %scan3A_1602 = %broadcast_in_dim3A_718) -> (vector<16xf32>, vector<16xf32>, vector<16xf32>, vector<16xf32>, vector<16xf32>, vector<16xf32>, vector<16xf32>, vector<16xf32>)  : i32 {
        %add3A_1603 = arith.constant 150 : i32
        %add3A_1604 = arith.addi %add3A_1603, %scan3A_1594 : i32
        %get3A = arith.index_cast %add3A_1604 : i32 to index
        %get3A_1605 = arith.constant 0 : index
        %get3A_1606 = tpu.vector_load %arg7[%get3A, %get3A_1605] {strides = array<i32>} : memref<200x128xf32, #tpu.memory_space<vmem>>, vector<1x16xf32>,
        %get3A_1607 = vector.shape_cast %get3A_1606 : vector<1x16xf32> to vector<16xf32>
        %add3A_1608 = arith.addf %scan3A_1595, %get3A_1607 : vector<16xf32>
        %get3A_1609 = arith.index_cast %add3A_1604 : i32 to index
        %get3A_1610 = arith.constant 16 : index
        %get3A_1611 = tpu.vector_load %arg7[%get3A_1609, %get3A_1610] {strides = array<i32>} : memref<200x128xf32, #tpu.memory_space<vmem>>, vector<1x16xf32>,
        %get3A_1612 = vector.shape_cast %get3A_1611 : vector<1x16xf32> to vector<16xf32>
        %add3A_1613 = arith.addf %scan3A_1596, %get3A_1612 : vector<16xf32>
        %get3A_1614 = arith.index_cast %add3A_1604 : i32 to index
        %get3A_1615 = arith.constant 32 : index
        %get3A_1616 = tpu.vector_load %arg7[%get3A_1614, %get3A_1615] {strides = array<i32>} : memref<200x128xf32, #tpu.memory_space<vmem>>, vector<1x16xf32>,
        %get3A_1617 = vector.shape_cast %get3A_1616 : vector<1x16xf32> to vector<16xf32>
        %add3A_1618 = arith.addf %scan3A_1597, %get3A_1617 : vector<16xf32>
        %get3A_1619 = arith.index_cast %add3A_1604 : i32 to index
        %get3A_1620 = arith.constant 48 : index
        %get3A_1621 = tpu.vector_load %arg7[%get3A_1619, %get3A_1620] {strides = array<i32>} : memref<200x128xf32, #tpu.memory_space<vmem>>, vector<1x16xf32>,
        %get3A_1622 = vector.shape_cast %get3A_1621 : vector<1x16xf32> to vector<16xf32>
        %add3A_1623 = arith.addf %scan3A_1598, %get3A_1622 : vector<16xf32>
        %get3A_1624 = arith.index_cast %add3A_1604 : i32 to index
        %get3A_1625 = arith.constant 64 : index
        %get3A_1626 = tpu.vector_load %arg7[%get3A_1624, %get3A_1625] {strides = array<i32>} : memref<200x128xf32, #tpu.memory_space<vmem>>, vector<1x16xf32>,
        %get3A_1627 = vector.shape_cast %get3A_1626 : vector<1x16xf32> to vector<16xf32>
        %add3A_1628 = arith.addf %scan3A_1599, %get3A_1627 : vector<16xf32>
        %get3A_1629 = arith.index_cast %add3A_1604 : i32 to index
        %get3A_1630 = arith.constant 80 : index
        %get3A_1631 = tpu.vector_load %arg7[%get3A_1629, %get3A_1630] {strides = array<i32>} : memref<200x128xf32, #tpu.memory_space<vmem>>, vector<1x16xf32>,
        %get3A_1632 = vector.shape_cast %get3A_1631 : vector<1x16xf32> to vector<16xf32>
        %add3A_1633 = arith.addf %scan3A_1600, %get3A_1632 : vector<16xf32>
        %get3A_1634 = arith.index_cast %add3A_1604 : i32 to index
        %get3A_1635 = arith.constant 96 : index
        %get3A_1636 = tpu.vector_load %arg7[%get3A_1634, %get3A_1635] {strides = array<i32>} : memref<200x128xf32, #tpu.memory_space<vmem>>, vector<1x16xf32>,
        %get3A_1637 = vector.shape_cast %get3A_1636 : vector<1x16xf32> to vector<16xf32>
        %add3A_1638 = arith.addf %scan3A_1601, %get3A_1637 : vector<16xf32>
        %get3A_1639 = arith.index_cast %add3A_1604 : i32 to index
        %get3A_1640 = arith.constant 112 : index
        %get3A_1641 = tpu.vector_load %arg7[%get3A_1639, %get3A_1640] {strides = array<i32>} : memref<200x128xf32, #tpu.memory_space<vmem>>, vector<1x16xf32>,
        %get3A_1642 = vector.shape_cast %get3A_1641 : vector<1x16xf32> to vector<16xf32>
        %add3A_1643 = arith.addf %scan3A_1602, %get3A_1642 : vector<16xf32>
        scf.yield %add3A_1608, %add3A_1613, %add3A_1618, %add3A_1623, %add3A_1628, %add3A_1633, %add3A_1638, %add3A_1643 : vector<16xf32>, vector<16xf32>, vector<16xf32>, vector<16xf32>, vector<16xf32>, vector<16xf32>, vector<16xf32>, vector<16xf32>
      }
      %scan3A_724 = arith.constant 50 : i32
      %mul3A_725 = arith.constant 4 : i32
      %mul3A_726 = arith.muli %add3A_415, %mul3A_725 : i32
      %add3A_727 = arith.constant 3 : i32
      %add3A_728 = arith.addi %mul3A_726, %add3A_727 : i32
      %swap3A_729 = arith.index_cast %add3A_728 : i32 to index
      %swap3A_730 = arith.constant 0 : index
      %swap3A_731 = tpu.vector_load %arg10[%swap3A_729, %swap3A_730] {strides = array<i32>} : memref<128x128xf32, #tpu.memory_space<vmem>>, vector<1x16xf32>,
      %swap3A_732 = vector.shape_cast %swap3A_731 : vector<1x16xf32> to vector<16xf32>
      %swap3A_733 = vector.shape_cast %scan3A_723#0 : vector<16xf32> to vector<1x16xf32>
      tpu.vector_store %arg10[%swap3A_729, %swap3A_730], %swap3A_733 {strides = array<i32>} : memref<128x128xf32, #tpu.memory_space<vmem>>, vector<1x16xf32>,
      %mul3A_734 = arith.constant 4 : i32
      %mul3A_735 = arith.muli %add3A_415, %mul3A_734 : i32
      %add3A_736 = arith.constant 3 : i32
      %add3A_737 = arith.addi %mul3A_735, %add3A_736 : i32
      %swap3A_738 = arith.index_cast %add3A_737 : i32 to index
      %swap3A_739 = arith.constant 16 : index
      %swap3A_740 = tpu.vector_load %arg10[%swap3A_738, %swap3A_739] {strides = array<i32>} : memref<128x128xf32, #tpu.memory_space<vmem>>, vector<1x16xf32>,
      %swap3A_741 = vector.shape_cast %swap3A_740 : vector<1x16xf32> to vector<16xf32>
      %swap3A_742 = vector.shape_cast %scan3A_723#1 : vector<16xf32> to vector<1x16xf32>
      tpu.vector_store %arg10[%swap3A_738, %swap3A_739], %swap3A_742 {strides = array<i32>} : memref<128x128xf32, #tpu.memory_space<vmem>>, vector<1x16xf32>,
      %mul3A_743 = arith.constant 4 : i32
      %mul3A_744 = arith.muli %add3A_415, %mul3A_743 : i32
      %add3A_745 = arith.constant 3 : i32
      %add3A_746 = arith.addi %mul3A_744, %add3A_745 : i32
      %swap3A_747 = arith.index_cast %add3A_746 : i32 to index
      %swap3A_748 = arith.constant 32 : index
      %swap3A_749 = tpu.vector_load %arg10[%swap3A_747, %swap3A_748] {strides = array<i32>} : memref<128x128xf32, #tpu.memory_space<vmem>>, vector<1x16xf32>,
      %swap3A_750 = vector.shape_cast %swap3A_749 : vector<1x16xf32> to vector<16xf32>
      %swap3A_751 = vector.shape_cast %scan3A_723#2 : vector<16xf32> to vector<1x16xf32>
      tpu.vector_store %arg10[%swap3A_747, %swap3A_748], %swap3A_751 {strides = array<i32>} : memref<128x128xf32, #tpu.memory_space<vmem>>, vector<1x16xf32>,
      %mul3A_752 = arith.constant 4 : i32
      %mul3A_753 = arith.muli %add3A_415, %mul3A_752 : i32
      %add3A_754 = arith.constant 3 : i32
      %add3A_755 = arith.addi %mul3A_753, %add3A_754 : i32
      %swap3A_756 = arith.index_cast %add3A_755 : i32 to index
      %swap3A_757 = arith.constant 48 : index
      %swap3A_758 = tpu.vector_load %arg10[%swap3A_756, %swap3A_757] {strides = array<i32>} : memref<128x128xf32, #tpu.memory_space<vmem>>, vector<1x16xf32>,
      %swap3A_759 = vector.shape_cast %swap3A_758 : vector<1x16xf32> to vector<16xf32>
      %swap3A_760 = vector.shape_cast %scan3A_723#3 : vector<16xf32> to vector<1x16xf32>
      tpu.vector_store %arg10[%swap3A_756, %swap3A_757], %swap3A_760 {strides = array<i32>} : memref<128x128xf32, #tpu.memory_space<vmem>>, vector<1x16xf32>,
      %mul3A_761 = arith.constant 4 : i32
      %mul3A_762 = arith.muli %add3A_415, %mul3A_761 : i32
      %add3A_763 = arith.constant 3 : i32
      %add3A_764 = arith.addi %mul3A_762, %add3A_763 : i32
      %swap3A_765 = arith.index_cast %add3A_764 : i32 to index
      %swap3A_766 = arith.constant 64 : index
      %swap3A_767 = tpu.vector_load %arg10[%swap3A_765, %swap3A_766] {strides = array<i32>} : memref<128x128xf32, #tpu.memory_space<vmem>>, vector<1x16xf32>,
      %swap3A_768 = vector.shape_cast %swap3A_767 : vector<1x16xf32> to vector<16xf32>
      %swap3A_769 = vector.shape_cast %scan3A_723#4 : vector<16xf32> to vector<1x16xf32>
      tpu.vector_store %arg10[%swap3A_765, %swap3A_766], %swap3A_769 {strides = array<i32>} : memref<128x128xf32, #tpu.memory_space<vmem>>, vector<1x16xf32>,
      %mul3A_770 = arith.constant 4 : i32
      %mul3A_771 = arith.muli %add3A_415, %mul3A_770 : i32
      %add3A_772 = arith.constant 3 : i32
      %add3A_773 = arith.addi %mul3A_771, %add3A_772 : i32
      %swap3A_774 = arith.index_cast %add3A_773 : i32 to index
      %swap3A_775 = arith.constant 80 : index
      %swap3A_776 = tpu.vector_load %arg10[%swap3A_774, %swap3A_775] {strides = array<i32>} : memref<128x128xf32, #tpu.memory_space<vmem>>, vector<1x16xf32>,
      %swap3A_777 = vector.shape_cast %swap3A_776 : vector<1x16xf32> to vector<16xf32>
      %swap3A_778 = vector.shape_cast %scan3A_723#5 : vector<16xf32> to vector<1x16xf32>
      tpu.vector_store %arg10[%swap3A_774, %swap3A_775], %swap3A_778 {strides = array<i32>} : memref<128x128xf32, #tpu.memory_space<vmem>>, vector<1x16xf32>,
      %mul3A_779 = arith.constant 4 : i32
      %mul3A_780 = arith.muli %add3A_415, %mul3A_779 : i32
      %add3A_781 = arith.constant 3 : i32
      %add3A_782 = arith.addi %mul3A_780, %add3A_781 : i32
      %swap3A_783 = arith.index_cast %add3A_782 : i32 to index
      %swap3A_784 = arith.constant 96 : index
      %swap3A_785 = tpu.vector_load %arg10[%swap3A_783, %swap3A_784] {strides = array<i32>} : memref<128x128xf32, #tpu.memory_space<vmem>>, vector<1x16xf32>,
      %swap3A_786 = vector.shape_cast %swap3A_785 : vector<1x16xf32> to vector<16xf32>
      %swap3A_787 = vector.shape_cast %scan3A_723#6 : vector<16xf32> to vector<1x16xf32>
      tpu.vector_store %arg10[%swap3A_783, %swap3A_784], %swap3A_787 {strides = array<i32>} : memref<128x128xf32, #tpu.memory_space<vmem>>, vector<1x16xf32>,
      %mul3A_788 = arith.constant 4 : i32
      %mul3A_789 = arith.muli %add3A_415, %mul3A_788 : i32
      %add3A_790 = arith.constant 3 : i32
      %add3A_791 = arith.addi %mul3A_789, %add3A_790 : i32
      %swap3A_792 = arith.index_cast %add3A_791 : i32 to index
      %swap3A_793 = arith.constant 112 : index
      %swap3A_794 = tpu.vector_load %arg10[%swap3A_792, %swap3A_793] {strides = array<i32>} : memref<128x128xf32, #tpu.memory_space<vmem>>, vector<1x16xf32>,
      %swap3A_795 = vector.shape_cast %swap3A_794 : vector<1x16xf32> to vector<16xf32>
      %swap3A_796 = vector.shape_cast %scan3A_723#7 : vector<16xf32> to vector<1x16xf32>
      tpu.vector_store %arg10[%swap3A_792, %swap3A_793], %swap3A_796 {strides = array<i32>} : memref<128x128xf32, #tpu.memory_space<vmem>>, vector<1x16xf32>,
      %add3A_797 = arith.constant 4 : i32
      %add3A_798 = arith.addi %add3A_415, %add3A_797 : i32
      %sub3A_799 = arith.constant 1 : i32
      %sub3A_800 = arith.subi %add3A_798, %sub3A_799 : i32
      %lt3A_801 = arith.constant 32 : i32
      %lt3A_802 = arith.cmpi slt, %sub3A_800, %lt3A_801 : i32
      %convert_element_type3A_803 = arith.extui %lt3A_802 : i1 to i32
      %cond3A_804 = arith.constant 0 : i32
      %cond3A_805 = arith.cmpi ne, %convert_element_type3A_803, %cond3A_804 : i32
      scf.if %cond3A_805 {
        %add3A_1594 = arith.constant 4 : i32
        %add3A_1595 = arith.addi %add3A_415, %add3A_1594 : i32
        %sub3A_1596 = arith.constant 1 : i32
        %sub3A_1597 = arith.subi %add3A_1595, %sub3A_1596 : i32
        %mul3A_1598 = arith.constant 200 : i32
        %mul3A_1599 = arith.muli %sub3A_1597, %mul3A_1598 : i32
        %dma_start3A_1600 = tpu.memref_slice %arg5[%mul3A_1599] : memref<6400xi32, #tpu.memory_space<vmem>> -> memref<200xi32, #tpu.memory_space<vmem>>
        %dma_start3A_1601 = arith.constant 0 : i32
        %dma_start3A_1602 = arith.constant 0 : i32
        %dma_start3A_1603 = tpu.memref_slice %arg2[%dma_start3A_1601, %dma_start3A_1602] : memref<100000x128xf32, #tpu.memory_space<hbm>> -> memref<100000x128xf32, #tpu.memory_space<hbm>>
        tpu.enqueue_indirect_dma source(%dma_start3A_1603 : memref<100000x128xf32, #tpu.memory_space<hbm>>) target(%arg6 : memref<200x128xf32, #tpu.memory_space<vmem>>) offsets(%dma_start3A_1600 : memref<200xi32, #tpu.memory_space<vmem>>) semaphore(%arg11 : memref<!tpu.dma_semaphore, #tpu.memory_space<semaphore_mem>>)
      } else {
      }
      %mul3A_806 = arith.constant 4 : i32
      %mul3A_807 = arith.muli %scan3A_24, %mul3A_806 : i32
      %add3A_808 = arith.constant 2 : i32
      %add3A_809 = arith.addi %mul3A_807, %add3A_808 : i32
      %dma_wait3A_810 = arith.constant 0 : i32
      %dma_wait3A_811 = tpu.memref_slice %arg5[%dma_wait3A_810] : memref<6400xi32, #tpu.memory_space<vmem>> -> memref<200xi32, #tpu.memory_space<vmem>>
      %dma_wait3A_812 = arith.constant 0 : i32
      %dma_wait3A_813 = arith.constant 0 : i32
      %dma_wait3A_814 = tpu.memref_slice %arg2[%dma_wait3A_812, %dma_wait3A_813] : memref<100000x128xf32, #tpu.memory_space<hbm>> -> memref<100000x128xf32, #tpu.memory_space<hbm>>
      tpu.wait_indirect_dma semaphore(%arg13 : memref<!tpu.dma_semaphore, #tpu.memory_space<semaphore_mem>>) src(%dma_wait3A_814 : memref<100000x128xf32, #tpu.memory_space<hbm>>) dst(%arg8 : memref<200x128xf32, #tpu.memory_space<vmem>>)
      %broadcast_in_dim3A_815 = arith.constant 0.000000e+00 : f32
      %broadcast_in_dim3A_816 = vector.broadcast %broadcast_in_dim3A_815 : f32 to vector<16xf32>
      %broadcast_in_dim3A_817 = arith.constant 0.000000e+00 : f32
      %broadcast_in_dim3A_818 = vector.broadcast %broadcast_in_dim3A_817 : f32 to vector<16xf32>
      %broadcast_in_dim3A_819 = arith.constant 0.000000e+00 : f32
      %broadcast_in_dim3A_820 = vector.broadcast %broadcast_in_dim3A_819 : f32 to vector<16xf32>
      %broadcast_in_dim3A_821 = arith.constant 0.000000e+00 : f32
      %broadcast_in_dim3A_822 = vector.broadcast %broadcast_in_dim3A_821 : f32 to vector<16xf32>
      %broadcast_in_dim3A_823 = arith.constant 0.000000e+00 : f32
      %broadcast_in_dim3A_824 = vector.broadcast %broadcast_in_dim3A_823 : f32 to vector<16xf32>
      %broadcast_in_dim3A_825 = arith.constant 0.000000e+00 : f32
      %broadcast_in_dim3A_826 = vector.broadcast %broadcast_in_dim3A_825 : f32 to vector<16xf32>
      %broadcast_in_dim3A_827 = arith.constant 0.000000e+00 : f32
      %broadcast_in_dim3A_828 = vector.broadcast %broadcast_in_dim3A_827 : f32 to vector<16xf32>
      %broadcast_in_dim3A_829 = arith.constant 0.000000e+00 : f32
      %broadcast_in_dim3A_830 = vector.broadcast %broadcast_in_dim3A_829 : f32 to vector<16xf32>
      %scan3A_831 = arith.constant 0 : i32
      %scan3A_832 = arith.constant 50 : i32
      %scan3A_833 = arith.addi %scan3A_831, %scan3A_832 : i32
      %scan3A_834 = arith.constant 1 : i32
      %scan3A_835:8 = scf.for %scan3A_1594 = %scan3A_831 to %scan3A_833 step %scan3A_834 iter_args(%scan3A_1595 = %broadcast_in_dim3A_816, %scan3A_1596 = %broadcast_in_dim3A_818, %scan3A_1597 = %broadcast_in_dim3A_820, %scan3A_1598 = %broadcast_in_dim3A_822, %scan3A_1599 = %broadcast_in_dim3A_824, %scan3A_1600 = %broadcast_in_dim3A_826, %scan3A_1601 = %broadcast_in_dim3A_828, %scan3A_1602 = %broadcast_in_dim3A_830) -> (vector<16xf32>, vector<16xf32>, vector<16xf32>, vector<16xf32>, vector<16xf32>, vector<16xf32>, vector<16xf32>, vector<16xf32>)  : i32 {
        %add3A_1603 = arith.constant 0 : i32
        %add3A_1604 = arith.addi %add3A_1603, %scan3A_1594 : i32
        %get3A = arith.index_cast %add3A_1604 : i32 to index
        %get3A_1605 = arith.constant 0 : index
        %get3A_1606 = tpu.vector_load %arg8[%get3A, %get3A_1605] {strides = array<i32>} : memref<200x128xf32, #tpu.memory_space<vmem>>, vector<1x16xf32>,
        %get3A_1607 = vector.shape_cast %get3A_1606 : vector<1x16xf32> to vector<16xf32>
        %add3A_1608 = arith.addf %scan3A_1595, %get3A_1607 : vector<16xf32>
        %get3A_1609 = arith.index_cast %add3A_1604 : i32 to index
        %get3A_1610 = arith.constant 16 : index
        %get3A_1611 = tpu.vector_load %arg8[%get3A_1609, %get3A_1610] {strides = array<i32>} : memref<200x128xf32, #tpu.memory_space<vmem>>, vector<1x16xf32>,
        %get3A_1612 = vector.shape_cast %get3A_1611 : vector<1x16xf32> to vector<16xf32>
        %add3A_1613 = arith.addf %scan3A_1596, %get3A_1612 : vector<16xf32>
        %get3A_1614 = arith.index_cast %add3A_1604 : i32 to index
        %get3A_1615 = arith.constant 32 : index
        %get3A_1616 = tpu.vector_load %arg8[%get3A_1614, %get3A_1615] {strides = array<i32>} : memref<200x128xf32, #tpu.memory_space<vmem>>, vector<1x16xf32>,
        %get3A_1617 = vector.shape_cast %get3A_1616 : vector<1x16xf32> to vector<16xf32>
        %add3A_1618 = arith.addf %scan3A_1597, %get3A_1617 : vector<16xf32>
        %get3A_1619 = arith.index_cast %add3A_1604 : i32 to index
        %get3A_1620 = arith.constant 48 : index
        %get3A_1621 = tpu.vector_load %arg8[%get3A_1619, %get3A_1620] {strides = array<i32>} : memref<200x128xf32, #tpu.memory_space<vmem>>, vector<1x16xf32>,
        %get3A_1622 = vector.shape_cast %get3A_1621 : vector<1x16xf32> to vector<16xf32>
        %add3A_1623 = arith.addf %scan3A_1598, %get3A_1622 : vector<16xf32>
        %get3A_1624 = arith.index_cast %add3A_1604 : i32 to index
        %get3A_1625 = arith.constant 64 : index
        %get3A_1626 = tpu.vector_load %arg8[%get3A_1624, %get3A_1625] {strides = array<i32>} : memref<200x128xf32, #tpu.memory_space<vmem>>, vector<1x16xf32>,
        %get3A_1627 = vector.shape_cast %get3A_1626 : vector<1x16xf32> to vector<16xf32>
        %add3A_1628 = arith.addf %scan3A_1599, %get3A_1627 : vector<16xf32>
        %get3A_1629 = arith.index_cast %add3A_1604 : i32 to index
        %get3A_1630 = arith.constant 80 : index
        %get3A_1631 = tpu.vector_load %arg8[%get3A_1629, %get3A_1630] {strides = array<i32>} : memref<200x128xf32, #tpu.memory_space<vmem>>, vector<1x16xf32>,
        %get3A_1632 = vector.shape_cast %get3A_1631 : vector<1x16xf32> to vector<16xf32>
        %add3A_1633 = arith.addf %scan3A_1600, %get3A_1632 : vector<16xf32>
        %get3A_1634 = arith.index_cast %add3A_1604 : i32 to index
        %get3A_1635 = arith.constant 96 : index
        %get3A_1636 = tpu.vector_load %arg8[%get3A_1634, %get3A_1635] {strides = array<i32>} : memref<200x128xf32, #tpu.memory_space<vmem>>, vector<1x16xf32>,
        %get3A_1637 = vector.shape_cast %get3A_1636 : vector<1x16xf32> to vector<16xf32>
        %add3A_1638 = arith.addf %scan3A_1601, %get3A_1637 : vector<16xf32>
        %get3A_1639 = arith.index_cast %add3A_1604 : i32 to index
        %get3A_1640 = arith.constant 112 : index
        %get3A_1641 = tpu.vector_load %arg8[%get3A_1639, %get3A_1640] {strides = array<i32>} : memref<200x128xf32, #tpu.memory_space<vmem>>, vector<1x16xf32>,
        %get3A_1642 = vector.shape_cast %get3A_1641 : vector<1x16xf32> to vector<16xf32>
        %add3A_1643 = arith.addf %scan3A_1602, %get3A_1642 : vector<16xf32>
        scf.yield %add3A_1608, %add3A_1613, %add3A_1618, %add3A_1623, %add3A_1628, %add3A_1633, %add3A_1638, %add3A_1643 : vector<16xf32>, vector<16xf32>, vector<16xf32>, vector<16xf32>, vector<16xf32>, vector<16xf32>, vector<16xf32>, vector<16xf32>
      }
      %scan3A_836 = arith.constant 50 : i32
      %mul3A_837 = arith.constant 4 : i32
      %mul3A_838 = arith.muli %add3A_809, %mul3A_837 : i32
      %add3A_839 = arith.constant 0 : i32
      %add3A_840 = arith.addi %mul3A_838, %add3A_839 : i32
      %swap3A_841 = arith.index_cast %add3A_840 : i32 to index
      %swap3A_842 = arith.constant 0 : index
      %swap3A_843 = tpu.vector_load %arg10[%swap3A_841, %swap3A_842] {strides = array<i32>} : memref<128x128xf32, #tpu.memory_space<vmem>>, vector<1x16xf32>,
      %swap3A_844 = vector.shape_cast %swap3A_843 : vector<1x16xf32> to vector<16xf32>
      %swap3A_845 = vector.shape_cast %scan3A_835#0 : vector<16xf32> to vector<1x16xf32>
      tpu.vector_store %arg10[%swap3A_841, %swap3A_842], %swap3A_845 {strides = array<i32>} : memref<128x128xf32, #tpu.memory_space<vmem>>, vector<1x16xf32>,
      %mul3A_846 = arith.constant 4 : i32
      %mul3A_847 = arith.muli %add3A_809, %mul3A_846 : i32
      %add3A_848 = arith.constant 0 : i32
      %add3A_849 = arith.addi %mul3A_847, %add3A_848 : i32
      %swap3A_850 = arith.index_cast %add3A_849 : i32 to index
      %swap3A_851 = arith.constant 16 : index
      %swap3A_852 = tpu.vector_load %arg10[%swap3A_850, %swap3A_851] {strides = array<i32>} : memref<128x128xf32, #tpu.memory_space<vmem>>, vector<1x16xf32>,
      %swap3A_853 = vector.shape_cast %swap3A_852 : vector<1x16xf32> to vector<16xf32>
      %swap3A_854 = vector.shape_cast %scan3A_835#1 : vector<16xf32> to vector<1x16xf32>
      tpu.vector_store %arg10[%swap3A_850, %swap3A_851], %swap3A_854 {strides = array<i32>} : memref<128x128xf32, #tpu.memory_space<vmem>>, vector<1x16xf32>,
      %mul3A_855 = arith.constant 4 : i32
      %mul3A_856 = arith.muli %add3A_809, %mul3A_855 : i32
      %add3A_857 = arith.constant 0 : i32
      %add3A_858 = arith.addi %mul3A_856, %add3A_857 : i32
      %swap3A_859 = arith.index_cast %add3A_858 : i32 to index
      %swap3A_860 = arith.constant 32 : index
      %swap3A_861 = tpu.vector_load %arg10[%swap3A_859, %swap3A_860] {strides = array<i32>} : memref<128x128xf32, #tpu.memory_space<vmem>>, vector<1x16xf32>,
      %swap3A_862 = vector.shape_cast %swap3A_861 : vector<1x16xf32> to vector<16xf32>
      %swap3A_863 = vector.shape_cast %scan3A_835#2 : vector<16xf32> to vector<1x16xf32>
      tpu.vector_store %arg10[%swap3A_859, %swap3A_860], %swap3A_863 {strides = array<i32>} : memref<128x128xf32, #tpu.memory_space<vmem>>, vector<1x16xf32>,
      %mul3A_864 = arith.constant 4 : i32
      %mul3A_865 = arith.muli %add3A_809, %mul3A_864 : i32
      %add3A_866 = arith.constant 0 : i32
      %add3A_867 = arith.addi %mul3A_865, %add3A_866 : i32
      %swap3A_868 = arith.index_cast %add3A_867 : i32 to index
      %swap3A_869 = arith.constant 48 : index
      %swap3A_870 = tpu.vector_load %arg10[%swap3A_868, %swap3A_869] {strides = array<i32>} : memref<128x128xf32, #tpu.memory_space<vmem>>, vector<1x16xf32>,
      %swap3A_871 = vector.shape_cast %swap3A_870 : vector<1x16xf32> to vector<16xf32>
      %swap3A_872 = vector.shape_cast %scan3A_835#3 : vector<16xf32> to vector<1x16xf32>
      tpu.vector_store %arg10[%swap3A_868, %swap3A_869], %swap3A_872 {strides = array<i32>} : memref<128x128xf32, #tpu.memory_space<vmem>>, vector<1x16xf32>,
      %mul3A_873 = arith.constant 4 : i32
      %mul3A_874 = arith.muli %add3A_809, %mul3A_873 : i32
      %add3A_875 = arith.constant 0 : i32
      %add3A_876 = arith.addi %mul3A_874, %add3A_875 : i32
      %swap3A_877 = arith.index_cast %add3A_876 : i32 to index
      %swap3A_878 = arith.constant 64 : index
      %swap3A_879 = tpu.vector_load %arg10[%swap3A_877, %swap3A_878] {strides = array<i32>} : memref<128x128xf32, #tpu.memory_space<vmem>>, vector<1x16xf32>,
      %swap3A_880 = vector.shape_cast %swap3A_879 : vector<1x16xf32> to vector<16xf32>
      %swap3A_881 = vector.shape_cast %scan3A_835#4 : vector<16xf32> to vector<1x16xf32>
      tpu.vector_store %arg10[%swap3A_877, %swap3A_878], %swap3A_881 {strides = array<i32>} : memref<128x128xf32, #tpu.memory_space<vmem>>, vector<1x16xf32>,
      %mul3A_882 = arith.constant 4 : i32
      %mul3A_883 = arith.muli %add3A_809, %mul3A_882 : i32
      %add3A_884 = arith.constant 0 : i32
      %add3A_885 = arith.addi %mul3A_883, %add3A_884 : i32
      %swap3A_886 = arith.index_cast %add3A_885 : i32 to index
      %swap3A_887 = arith.constant 80 : index
      %swap3A_888 = tpu.vector_load %arg10[%swap3A_886, %swap3A_887] {strides = array<i32>} : memref<128x128xf32, #tpu.memory_space<vmem>>, vector<1x16xf32>,
      %swap3A_889 = vector.shape_cast %swap3A_888 : vector<1x16xf32> to vector<16xf32>
      %swap3A_890 = vector.shape_cast %scan3A_835#5 : vector<16xf32> to vector<1x16xf32>
      tpu.vector_store %arg10[%swap3A_886, %swap3A_887], %swap3A_890 {strides = array<i32>} : memref<128x128xf32, #tpu.memory_space<vmem>>, vector<1x16xf32>,
      %mul3A_891 = arith.constant 4 : i32
      %mul3A_892 = arith.muli %add3A_809, %mul3A_891 : i32
      %add3A_893 = arith.constant 0 : i32
      %add3A_894 = arith.addi %mul3A_892, %add3A_893 : i32
      %swap3A_895 = arith.index_cast %add3A_894 : i32 to index
      %swap3A_896 = arith.constant 96 : index
      %swap3A_897 = tpu.vector_load %arg10[%swap3A_895, %swap3A_896] {strides = array<i32>} : memref<128x128xf32, #tpu.memory_space<vmem>>, vector<1x16xf32>,
      %swap3A_898 = vector.shape_cast %swap3A_897 : vector<1x16xf32> to vector<16xf32>
      %swap3A_899 = vector.shape_cast %scan3A_835#6 : vector<16xf32> to vector<1x16xf32>
      tpu.vector_store %arg10[%swap3A_895, %swap3A_896], %swap3A_899 {strides = array<i32>} : memref<128x128xf32, #tpu.memory_space<vmem>>, vector<1x16xf32>,
      %mul3A_900 = arith.constant 4 : i32
      %mul3A_901 = arith.muli %add3A_809, %mul3A_900 : i32
      %add3A_902 = arith.constant 0 : i32
      %add3A_903 = arith.addi %mul3A_901, %add3A_902 : i32
      %swap3A_904 = arith.index_cast %add3A_903 : i32 to index
      %swap3A_905 = arith.constant 112 : index
      %swap3A_906 = tpu.vector_load %arg10[%swap3A_904, %swap3A_905] {strides = array<i32>} : memref<128x128xf32, #tpu.memory_space<vmem>>, vector<1x16xf32>,
      %swap3A_907 = vector.shape_cast %swap3A_906 : vector<1x16xf32> to vector<16xf32>
      %swap3A_908 = vector.shape_cast %scan3A_835#7 : vector<16xf32> to vector<1x16xf32>
      tpu.vector_store %arg10[%swap3A_904, %swap3A_905], %swap3A_908 {strides = array<i32>} : memref<128x128xf32, #tpu.memory_space<vmem>>, vector<1x16xf32>,
      %broadcast_in_dim3A_909 = arith.constant 0.000000e+00 : f32
      %broadcast_in_dim3A_910 = vector.broadcast %broadcast_in_dim3A_909 : f32 to vector<16xf32>
      %broadcast_in_dim3A_911 = arith.constant 0.000000e+00 : f32
      %broadcast_in_dim3A_912 = vector.broadcast %broadcast_in_dim3A_911 : f32 to vector<16xf32>
      %broadcast_in_dim3A_913 = arith.constant 0.000000e+00 : f32
      %broadcast_in_dim3A_914 = vector.broadcast %broadcast_in_dim3A_913 : f32 to vector<16xf32>
      %broadcast_in_dim3A_915 = arith.constant 0.000000e+00 : f32
      %broadcast_in_dim3A_916 = vector.broadcast %broadcast_in_dim3A_915 : f32 to vector<16xf32>
      %broadcast_in_dim3A_917 = arith.constant 0.000000e+00 : f32
      %broadcast_in_dim3A_918 = vector.broadcast %broadcast_in_dim3A_917 : f32 to vector<16xf32>
      %broadcast_in_dim3A_919 = arith.constant 0.000000e+00 : f32
      %broadcast_in_dim3A_920 = vector.broadcast %broadcast_in_dim3A_919 : f32 to vector<16xf32>
      %broadcast_in_dim3A_921 = arith.constant 0.000000e+00 : f32
      %broadcast_in_dim3A_922 = vector.broadcast %broadcast_in_dim3A_921 : f32 to vector<16xf32>
      %broadcast_in_dim3A_923 = arith.constant 0.000000e+00 : f32
      %broadcast_in_dim3A_924 = vector.broadcast %broadcast_in_dim3A_923 : f32 to vector<16xf32>
      %scan3A_925 = arith.constant 0 : i32
      %scan3A_926 = arith.constant 50 : i32
      %scan3A_927 = arith.addi %scan3A_925, %scan3A_926 : i32
      %scan3A_928 = arith.constant 1 : i32
      %scan3A_929:8 = scf.for %scan3A_1594 = %scan3A_925 to %scan3A_927 step %scan3A_928 iter_args(%scan3A_1595 = %broadcast_in_dim3A_910, %scan3A_1596 = %broadcast_in_dim3A_912, %scan3A_1597 = %broadcast_in_dim3A_914, %scan3A_1598 = %broadcast_in_dim3A_916, %scan3A_1599 = %broadcast_in_dim3A_918, %scan3A_1600 = %broadcast_in_dim3A_920, %scan3A_1601 = %broadcast_in_dim3A_922, %scan3A_1602 = %broadcast_in_dim3A_924) -> (vector<16xf32>, vector<16xf32>, vector<16xf32>, vector<16xf32>, vector<16xf32>, vector<16xf32>, vector<16xf32>, vector<16xf32>)  : i32 {
        %add3A_1603 = arith.constant 50 : i32
        %add3A_1604 = arith.addi %add3A_1603, %scan3A_1594 : i32
        %get3A = arith.index_cast %add3A_1604 : i32 to index
        %get3A_1605 = arith.constant 0 : index
        %get3A_1606 = tpu.vector_load %arg8[%get3A, %get3A_1605] {strides = array<i32>} : memref<200x128xf32, #tpu.memory_space<vmem>>, vector<1x16xf32>,
        %get3A_1607 = vector.shape_cast %get3A_1606 : vector<1x16xf32> to vector<16xf32>
        %add3A_1608 = arith.addf %scan3A_1595, %get3A_1607 : vector<16xf32>
        %get3A_1609 = arith.index_cast %add3A_1604 : i32 to index
        %get3A_1610 = arith.constant 16 : index
        %get3A_1611 = tpu.vector_load %arg8[%get3A_1609, %get3A_1610] {strides = array<i32>} : memref<200x128xf32, #tpu.memory_space<vmem>>, vector<1x16xf32>,
        %get3A_1612 = vector.shape_cast %get3A_1611 : vector<1x16xf32> to vector<16xf32>
        %add3A_1613 = arith.addf %scan3A_1596, %get3A_1612 : vector<16xf32>
        %get3A_1614 = arith.index_cast %add3A_1604 : i32 to index
        %get3A_1615 = arith.constant 32 : index
        %get3A_1616 = tpu.vector_load %arg8[%get3A_1614, %get3A_1615] {strides = array<i32>} : memref<200x128xf32, #tpu.memory_space<vmem>>, vector<1x16xf32>,
        %get3A_1617 = vector.shape_cast %get3A_1616 : vector<1x16xf32> to vector<16xf32>
        %add3A_1618 = arith.addf %scan3A_1597, %get3A_1617 : vector<16xf32>
        %get3A_1619 = arith.index_cast %add3A_1604 : i32 to index
        %get3A_1620 = arith.constant 48 : index
        %get3A_1621 = tpu.vector_load %arg8[%get3A_1619, %get3A_1620] {strides = array<i32>} : memref<200x128xf32, #tpu.memory_space<vmem>>, vector<1x16xf32>,
        %get3A_1622 = vector.shape_cast %get3A_1621 : vector<1x16xf32> to vector<16xf32>
        %add3A_1623 = arith.addf %scan3A_1598, %get3A_1622 : vector<16xf32>
        %get3A_1624 = arith.index_cast %add3A_1604 : i32 to index
        %get3A_1625 = arith.constant 64 : index
        %get3A_1626 = tpu.vector_load %arg8[%get3A_1624, %get3A_1625] {strides = array<i32>} : memref<200x128xf32, #tpu.memory_space<vmem>>, vector<1x16xf32>,
        %get3A_1627 = vector.shape_cast %get3A_1626 : vector<1x16xf32> to vector<16xf32>
        %add3A_1628 = arith.addf %scan3A_1599, %get3A_1627 : vector<16xf32>
        %get3A_1629 = arith.index_cast %add3A_1604 : i32 to index
        %get3A_1630 = arith.constant 80 : index
        %get3A_1631 = tpu.vector_load %arg8[%get3A_1629, %get3A_1630] {strides = array<i32>} : memref<200x128xf32, #tpu.memory_space<vmem>>, vector<1x16xf32>,
        %get3A_1632 = vector.shape_cast %get3A_1631 : vector<1x16xf32> to vector<16xf32>
        %add3A_1633 = arith.addf %scan3A_1600, %get3A_1632 : vector<16xf32>
        %get3A_1634 = arith.index_cast %add3A_1604 : i32 to index
        %get3A_1635 = arith.constant 96 : index
        %get3A_1636 = tpu.vector_load %arg8[%get3A_1634, %get3A_1635] {strides = array<i32>} : memref<200x128xf32, #tpu.memory_space<vmem>>, vector<1x16xf32>,
        %get3A_1637 = vector.shape_cast %get3A_1636 : vector<1x16xf32> to vector<16xf32>
        %add3A_1638 = arith.addf %scan3A_1601, %get3A_1637 : vector<16xf32>
        %get3A_1639 = arith.index_cast %add3A_1604 : i32 to index
        %get3A_1640 = arith.constant 112 : index
        %get3A_1641 = tpu.vector_load %arg8[%get3A_1639, %get3A_1640] {strides = array<i32>} : memref<200x128xf32, #tpu.memory_space<vmem>>, vector<1x16xf32>,
        %get3A_1642 = vector.shape_cast %get3A_1641 : vector<1x16xf32> to vector<16xf32>
        %add3A_1643 = arith.addf %scan3A_1602, %get3A_1642 : vector<16xf32>
        scf.yield %add3A_1608, %add3A_1613, %add3A_1618, %add3A_1623, %add3A_1628, %add3A_1633, %add3A_1638, %add3A_1643 : vector<16xf32>, vector<16xf32>, vector<16xf32>, vector<16xf32>, vector<16xf32>, vector<16xf32>, vector<16xf32>, vector<16xf32>
      }
      %scan3A_930 = arith.constant 50 : i32
      %mul3A_931 = arith.constant 4 : i32
      %mul3A_932 = arith.muli %add3A_809, %mul3A_931 : i32
      %add3A_933 = arith.constant 1 : i32
      %add3A_934 = arith.addi %mul3A_932, %add3A_933 : i32
      %swap3A_935 = arith.index_cast %add3A_934 : i32 to index
      %swap3A_936 = arith.constant 0 : index
      %swap3A_937 = tpu.vector_load %arg10[%swap3A_935, %swap3A_936] {strides = array<i32>} : memref<128x128xf32, #tpu.memory_space<vmem>>, vector<1x16xf32>,
      %swap3A_938 = vector.shape_cast %swap3A_937 : vector<1x16xf32> to vector<16xf32>
      %swap3A_939 = vector.shape_cast %scan3A_929#0 : vector<16xf32> to vector<1x16xf32>
      tpu.vector_store %arg10[%swap3A_935, %swap3A_936], %swap3A_939 {strides = array<i32>} : memref<128x128xf32, #tpu.memory_space<vmem>>, vector<1x16xf32>,
      %mul3A_940 = arith.constant 4 : i32
      %mul3A_941 = arith.muli %add3A_809, %mul3A_940 : i32
      %add3A_942 = arith.constant 1 : i32
      %add3A_943 = arith.addi %mul3A_941, %add3A_942 : i32
      %swap3A_944 = arith.index_cast %add3A_943 : i32 to index
      %swap3A_945 = arith.constant 16 : index
      %swap3A_946 = tpu.vector_load %arg10[%swap3A_944, %swap3A_945] {strides = array<i32>} : memref<128x128xf32, #tpu.memory_space<vmem>>, vector<1x16xf32>,
      %swap3A_947 = vector.shape_cast %swap3A_946 : vector<1x16xf32> to vector<16xf32>
      %swap3A_948 = vector.shape_cast %scan3A_929#1 : vector<16xf32> to vector<1x16xf32>
      tpu.vector_store %arg10[%swap3A_944, %swap3A_945], %swap3A_948 {strides = array<i32>} : memref<128x128xf32, #tpu.memory_space<vmem>>, vector<1x16xf32>,
      %mul3A_949 = arith.constant 4 : i32
      %mul3A_950 = arith.muli %add3A_809, %mul3A_949 : i32
      %add3A_951 = arith.constant 1 : i32
      %add3A_952 = arith.addi %mul3A_950, %add3A_951 : i32
      %swap3A_953 = arith.index_cast %add3A_952 : i32 to index
      %swap3A_954 = arith.constant 32 : index
      %swap3A_955 = tpu.vector_load %arg10[%swap3A_953, %swap3A_954] {strides = array<i32>} : memref<128x128xf32, #tpu.memory_space<vmem>>, vector<1x16xf32>,
      %swap3A_956 = vector.shape_cast %swap3A_955 : vector<1x16xf32> to vector<16xf32>
      %swap3A_957 = vector.shape_cast %scan3A_929#2 : vector<16xf32> to vector<1x16xf32>
      tpu.vector_store %arg10[%swap3A_953, %swap3A_954], %swap3A_957 {strides = array<i32>} : memref<128x128xf32, #tpu.memory_space<vmem>>, vector<1x16xf32>,
      %mul3A_958 = arith.constant 4 : i32
      %mul3A_959 = arith.muli %add3A_809, %mul3A_958 : i32
      %add3A_960 = arith.constant 1 : i32
      %add3A_961 = arith.addi %mul3A_959, %add3A_960 : i32
      %swap3A_962 = arith.index_cast %add3A_961 : i32 to index
      %swap3A_963 = arith.constant 48 : index
      %swap3A_964 = tpu.vector_load %arg10[%swap3A_962, %swap3A_963] {strides = array<i32>} : memref<128x128xf32, #tpu.memory_space<vmem>>, vector<1x16xf32>,
      %swap3A_965 = vector.shape_cast %swap3A_964 : vector<1x16xf32> to vector<16xf32>
      %swap3A_966 = vector.shape_cast %scan3A_929#3 : vector<16xf32> to vector<1x16xf32>
      tpu.vector_store %arg10[%swap3A_962, %swap3A_963], %swap3A_966 {strides = array<i32>} : memref<128x128xf32, #tpu.memory_space<vmem>>, vector<1x16xf32>,
      %mul3A_967 = arith.constant 4 : i32
      %mul3A_968 = arith.muli %add3A_809, %mul3A_967 : i32
      %add3A_969 = arith.constant 1 : i32
      %add3A_970 = arith.addi %mul3A_968, %add3A_969 : i32
      %swap3A_971 = arith.index_cast %add3A_970 : i32 to index
      %swap3A_972 = arith.constant 64 : index
      %swap3A_973 = tpu.vector_load %arg10[%swap3A_971, %swap3A_972] {strides = array<i32>} : memref<128x128xf32, #tpu.memory_space<vmem>>, vector<1x16xf32>,
      %swap3A_974 = vector.shape_cast %swap3A_973 : vector<1x16xf32> to vector<16xf32>
      %swap3A_975 = vector.shape_cast %scan3A_929#4 : vector<16xf32> to vector<1x16xf32>
      tpu.vector_store %arg10[%swap3A_971, %swap3A_972], %swap3A_975 {strides = array<i32>} : memref<128x128xf32, #tpu.memory_space<vmem>>, vector<1x16xf32>,
      %mul3A_976 = arith.constant 4 : i32
      %mul3A_977 = arith.muli %add3A_809, %mul3A_976 : i32
      %add3A_978 = arith.constant 1 : i32
      %add3A_979 = arith.addi %mul3A_977, %add3A_978 : i32
      %swap3A_980 = arith.index_cast %add3A_979 : i32 to index
      %swap3A_981 = arith.constant 80 : index
      %swap3A_982 = tpu.vector_load %arg10[%swap3A_980, %swap3A_981] {strides = array<i32>} : memref<128x128xf32, #tpu.memory_space<vmem>>, vector<1x16xf32>,
      %swap3A_983 = vector.shape_cast %swap3A_982 : vector<1x16xf32> to vector<16xf32>
      %swap3A_984 = vector.shape_cast %scan3A_929#5 : vector<16xf32> to vector<1x16xf32>
      tpu.vector_store %arg10[%swap3A_980, %swap3A_981], %swap3A_984 {strides = array<i32>} : memref<128x128xf32, #tpu.memory_space<vmem>>, vector<1x16xf32>,
      %mul3A_985 = arith.constant 4 : i32
      %mul3A_986 = arith.muli %add3A_809, %mul3A_985 : i32
      %add3A_987 = arith.constant 1 : i32
      %add3A_988 = arith.addi %mul3A_986, %add3A_987 : i32
      %swap3A_989 = arith.index_cast %add3A_988 : i32 to index
      %swap3A_990 = arith.constant 96 : index
      %swap3A_991 = tpu.vector_load %arg10[%swap3A_989, %swap3A_990] {strides = array<i32>} : memref<128x128xf32, #tpu.memory_space<vmem>>, vector<1x16xf32>,
      %swap3A_992 = vector.shape_cast %swap3A_991 : vector<1x16xf32> to vector<16xf32>
      %swap3A_993 = vector.shape_cast %scan3A_929#6 : vector<16xf32> to vector<1x16xf32>
      tpu.vector_store %arg10[%swap3A_989, %swap3A_990], %swap3A_993 {strides = array<i32>} : memref<128x128xf32, #tpu.memory_space<vmem>>, vector<1x16xf32>,
      %mul3A_994 = arith.constant 4 : i32
      %mul3A_995 = arith.muli %add3A_809, %mul3A_994 : i32
      %add3A_996 = arith.constant 1 : i32
      %add3A_997 = arith.addi %mul3A_995, %add3A_996 : i32
      %swap3A_998 = arith.index_cast %add3A_997 : i32 to index
      %swap3A_999 = arith.constant 112 : index
      %swap3A_1000 = tpu.vector_load %arg10[%swap3A_998, %swap3A_999] {strides = array<i32>} : memref<128x128xf32, #tpu.memory_space<vmem>>, vector<1x16xf32>,
      %swap3A_1001 = vector.shape_cast %swap3A_1000 : vector<1x16xf32> to vector<16xf32>
      %swap3A_1002 = vector.shape_cast %scan3A_929#7 : vector<16xf32> to vector<1x16xf32>
      tpu.vector_store %arg10[%swap3A_998, %swap3A_999], %swap3A_1002 {strides = array<i32>} : memref<128x128xf32, #tpu.memory_space<vmem>>, vector<1x16xf32>,
      %broadcast_in_dim3A_1003 = arith.constant 0.000000e+00 : f32
      %broadcast_in_dim3A_1004 = vector.broadcast %broadcast_in_dim3A_1003 : f32 to vector<16xf32>
      %broadcast_in_dim3A_1005 = arith.constant 0.000000e+00 : f32
      %broadcast_in_dim3A_1006 = vector.broadcast %broadcast_in_dim3A_1005 : f32 to vector<16xf32>
      %broadcast_in_dim3A_1007 = arith.constant 0.000000e+00 : f32
      %broadcast_in_dim3A_1008 = vector.broadcast %broadcast_in_dim3A_1007 : f32 to vector<16xf32>
      %broadcast_in_dim3A_1009 = arith.constant 0.000000e+00 : f32
      %broadcast_in_dim3A_1010 = vector.broadcast %broadcast_in_dim3A_1009 : f32 to vector<16xf32>
      %broadcast_in_dim3A_1011 = arith.constant 0.000000e+00 : f32
      %broadcast_in_dim3A_1012 = vector.broadcast %broadcast_in_dim3A_1011 : f32 to vector<16xf32>
      %broadcast_in_dim3A_1013 = arith.constant 0.000000e+00 : f32
      %broadcast_in_dim3A_1014 = vector.broadcast %broadcast_in_dim3A_1013 : f32 to vector<16xf32>
      %broadcast_in_dim3A_1015 = arith.constant 0.000000e+00 : f32
      %broadcast_in_dim3A_1016 = vector.broadcast %broadcast_in_dim3A_1015 : f32 to vector<16xf32>
      %broadcast_in_dim3A_1017 = arith.constant 0.000000e+00 : f32
      %broadcast_in_dim3A_1018 = vector.broadcast %broadcast_in_dim3A_1017 : f32 to vector<16xf32>
      %scan3A_1019 = arith.constant 0 : i32
      %scan3A_1020 = arith.constant 50 : i32
      %scan3A_1021 = arith.addi %scan3A_1019, %scan3A_1020 : i32
      %scan3A_1022 = arith.constant 1 : i32
      %scan3A_1023:8 = scf.for %scan3A_1594 = %scan3A_1019 to %scan3A_1021 step %scan3A_1022 iter_args(%scan3A_1595 = %broadcast_in_dim3A_1004, %scan3A_1596 = %broadcast_in_dim3A_1006, %scan3A_1597 = %broadcast_in_dim3A_1008, %scan3A_1598 = %broadcast_in_dim3A_1010, %scan3A_1599 = %broadcast_in_dim3A_1012, %scan3A_1600 = %broadcast_in_dim3A_1014, %scan3A_1601 = %broadcast_in_dim3A_1016, %scan3A_1602 = %broadcast_in_dim3A_1018) -> (vector<16xf32>, vector<16xf32>, vector<16xf32>, vector<16xf32>, vector<16xf32>, vector<16xf32>, vector<16xf32>, vector<16xf32>)  : i32 {
        %add3A_1603 = arith.constant 100 : i32
        %add3A_1604 = arith.addi %add3A_1603, %scan3A_1594 : i32
        %get3A = arith.index_cast %add3A_1604 : i32 to index
        %get3A_1605 = arith.constant 0 : index
        %get3A_1606 = tpu.vector_load %arg8[%get3A, %get3A_1605] {strides = array<i32>} : memref<200x128xf32, #tpu.memory_space<vmem>>, vector<1x16xf32>,
        %get3A_1607 = vector.shape_cast %get3A_1606 : vector<1x16xf32> to vector<16xf32>
        %add3A_1608 = arith.addf %scan3A_1595, %get3A_1607 : vector<16xf32>
        %get3A_1609 = arith.index_cast %add3A_1604 : i32 to index
        %get3A_1610 = arith.constant 16 : index
        %get3A_1611 = tpu.vector_load %arg8[%get3A_1609, %get3A_1610] {strides = array<i32>} : memref<200x128xf32, #tpu.memory_space<vmem>>, vector<1x16xf32>,
        %get3A_1612 = vector.shape_cast %get3A_1611 : vector<1x16xf32> to vector<16xf32>
        %add3A_1613 = arith.addf %scan3A_1596, %get3A_1612 : vector<16xf32>
        %get3A_1614 = arith.index_cast %add3A_1604 : i32 to index
        %get3A_1615 = arith.constant 32 : index
        %get3A_1616 = tpu.vector_load %arg8[%get3A_1614, %get3A_1615] {strides = array<i32>} : memref<200x128xf32, #tpu.memory_space<vmem>>, vector<1x16xf32>,
        %get3A_1617 = vector.shape_cast %get3A_1616 : vector<1x16xf32> to vector<16xf32>
        %add3A_1618 = arith.addf %scan3A_1597, %get3A_1617 : vector<16xf32>
        %get3A_1619 = arith.index_cast %add3A_1604 : i32 to index
        %get3A_1620 = arith.constant 48 : index
        %get3A_1621 = tpu.vector_load %arg8[%get3A_1619, %get3A_1620] {strides = array<i32>} : memref<200x128xf32, #tpu.memory_space<vmem>>, vector<1x16xf32>,
        %get3A_1622 = vector.shape_cast %get3A_1621 : vector<1x16xf32> to vector<16xf32>
        %add3A_1623 = arith.addf %scan3A_1598, %get3A_1622 : vector<16xf32>
        %get3A_1624 = arith.index_cast %add3A_1604 : i32 to index
        %get3A_1625 = arith.constant 64 : index
        %get3A_1626 = tpu.vector_load %arg8[%get3A_1624, %get3A_1625] {strides = array<i32>} : memref<200x128xf32, #tpu.memory_space<vmem>>, vector<1x16xf32>,
        %get3A_1627 = vector.shape_cast %get3A_1626 : vector<1x16xf32> to vector<16xf32>
        %add3A_1628 = arith.addf %scan3A_1599, %get3A_1627 : vector<16xf32>
        %get3A_1629 = arith.index_cast %add3A_1604 : i32 to index
        %get3A_1630 = arith.constant 80 : index
        %get3A_1631 = tpu.vector_load %arg8[%get3A_1629, %get3A_1630] {strides = array<i32>} : memref<200x128xf32, #tpu.memory_space<vmem>>, vector<1x16xf32>,
        %get3A_1632 = vector.shape_cast %get3A_1631 : vector<1x16xf32> to vector<16xf32>
        %add3A_1633 = arith.addf %scan3A_1600, %get3A_1632 : vector<16xf32>
        %get3A_1634 = arith.index_cast %add3A_1604 : i32 to index
        %get3A_1635 = arith.constant 96 : index
        %get3A_1636 = tpu.vector_load %arg8[%get3A_1634, %get3A_1635] {strides = array<i32>} : memref<200x128xf32, #tpu.memory_space<vmem>>, vector<1x16xf32>,
        %get3A_1637 = vector.shape_cast %get3A_1636 : vector<1x16xf32> to vector<16xf32>
        %add3A_1638 = arith.addf %scan3A_1601, %get3A_1637 : vector<16xf32>
        %get3A_1639 = arith.index_cast %add3A_1604 : i32 to index
        %get3A_1640 = arith.constant 112 : index
        %get3A_1641 = tpu.vector_load %arg8[%get3A_1639, %get3A_1640] {strides = array<i32>} : memref<200x128xf32, #tpu.memory_space<vmem>>, vector<1x16xf32>,
        %get3A_1642 = vector.shape_cast %get3A_1641 : vector<1x16xf32> to vector<16xf32>
        %add3A_1643 = arith.addf %scan3A_1602, %get3A_1642 : vector<16xf32>
        scf.yield %add3A_1608, %add3A_1613, %add3A_1618, %add3A_1623, %add3A_1628, %add3A_1633, %add3A_1638, %add3A_1643 : vector<16xf32>, vector<16xf32>, vector<16xf32>, vector<16xf32>, vector<16xf32>, vector<16xf32>, vector<16xf32>, vector<16xf32>
      }
      %scan3A_1024 = arith.constant 50 : i32
      %mul3A_1025 = arith.constant 4 : i32
      %mul3A_1026 = arith.muli %add3A_809, %mul3A_1025 : i32
      %add3A_1027 = arith.constant 2 : i32
      %add3A_1028 = arith.addi %mul3A_1026, %add3A_1027 : i32
      %swap3A_1029 = arith.index_cast %add3A_1028 : i32 to index
      %swap3A_1030 = arith.constant 0 : index
      %swap3A_1031 = tpu.vector_load %arg10[%swap3A_1029, %swap3A_1030] {strides = array<i32>} : memref<128x128xf32, #tpu.memory_space<vmem>>, vector<1x16xf32>,
      %swap3A_1032 = vector.shape_cast %swap3A_1031 : vector<1x16xf32> to vector<16xf32>
      %swap3A_1033 = vector.shape_cast %scan3A_1023#0 : vector<16xf32> to vector<1x16xf32>
      tpu.vector_store %arg10[%swap3A_1029, %swap3A_1030], %swap3A_1033 {strides = array<i32>} : memref<128x128xf32, #tpu.memory_space<vmem>>, vector<1x16xf32>,
      %mul3A_1034 = arith.constant 4 : i32
      %mul3A_1035 = arith.muli %add3A_809, %mul3A_1034 : i32
      %add3A_1036 = arith.constant 2 : i32
      %add3A_1037 = arith.addi %mul3A_1035, %add3A_1036 : i32
      %swap3A_1038 = arith.index_cast %add3A_1037 : i32 to index
      %swap3A_1039 = arith.constant 16 : index
      %swap3A_1040 = tpu.vector_load %arg10[%swap3A_1038, %swap3A_1039] {strides = array<i32>} : memref<128x128xf32, #tpu.memory_space<vmem>>, vector<1x16xf32>,
      %swap3A_1041 = vector.shape_cast %swap3A_1040 : vector<1x16xf32> to vector<16xf32>
      %swap3A_1042 = vector.shape_cast %scan3A_1023#1 : vector<16xf32> to vector<1x16xf32>
      tpu.vector_store %arg10[%swap3A_1038, %swap3A_1039], %swap3A_1042 {strides = array<i32>} : memref<128x128xf32, #tpu.memory_space<vmem>>, vector<1x16xf32>,
      %mul3A_1043 = arith.constant 4 : i32
      %mul3A_1044 = arith.muli %add3A_809, %mul3A_1043 : i32
      %add3A_1045 = arith.constant 2 : i32
      %add3A_1046 = arith.addi %mul3A_1044, %add3A_1045 : i32
      %swap3A_1047 = arith.index_cast %add3A_1046 : i32 to index
      %swap3A_1048 = arith.constant 32 : index
      %swap3A_1049 = tpu.vector_load %arg10[%swap3A_1047, %swap3A_1048] {strides = array<i32>} : memref<128x128xf32, #tpu.memory_space<vmem>>, vector<1x16xf32>,
      %swap3A_1050 = vector.shape_cast %swap3A_1049 : vector<1x16xf32> to vector<16xf32>
      %swap3A_1051 = vector.shape_cast %scan3A_1023#2 : vector<16xf32> to vector<1x16xf32>
      tpu.vector_store %arg10[%swap3A_1047, %swap3A_1048], %swap3A_1051 {strides = array<i32>} : memref<128x128xf32, #tpu.memory_space<vmem>>, vector<1x16xf32>,
      %mul3A_1052 = arith.constant 4 : i32
      %mul3A_1053 = arith.muli %add3A_809, %mul3A_1052 : i32
      %add3A_1054 = arith.constant 2 : i32
      %add3A_1055 = arith.addi %mul3A_1053, %add3A_1054 : i32
      %swap3A_1056 = arith.index_cast %add3A_1055 : i32 to index
      %swap3A_1057 = arith.constant 48 : index
      %swap3A_1058 = tpu.vector_load %arg10[%swap3A_1056, %swap3A_1057] {strides = array<i32>} : memref<128x128xf32, #tpu.memory_space<vmem>>, vector<1x16xf32>,
      %swap3A_1059 = vector.shape_cast %swap3A_1058 : vector<1x16xf32> to vector<16xf32>
      %swap3A_1060 = vector.shape_cast %scan3A_1023#3 : vector<16xf32> to vector<1x16xf32>
      tpu.vector_store %arg10[%swap3A_1056, %swap3A_1057], %swap3A_1060 {strides = array<i32>} : memref<128x128xf32, #tpu.memory_space<vmem>>, vector<1x16xf32>,
      %mul3A_1061 = arith.constant 4 : i32
      %mul3A_1062 = arith.muli %add3A_809, %mul3A_1061 : i32
      %add3A_1063 = arith.constant 2 : i32
      %add3A_1064 = arith.addi %mul3A_1062, %add3A_1063 : i32
      %swap3A_1065 = arith.index_cast %add3A_1064 : i32 to index
      %swap3A_1066 = arith.constant 64 : index
      %swap3A_1067 = tpu.vector_load %arg10[%swap3A_1065, %swap3A_1066] {strides = array<i32>} : memref<128x128xf32, #tpu.memory_space<vmem>>, vector<1x16xf32>,
      %swap3A_1068 = vector.shape_cast %swap3A_1067 : vector<1x16xf32> to vector<16xf32>
      %swap3A_1069 = vector.shape_cast %scan3A_1023#4 : vector<16xf32> to vector<1x16xf32>
      tpu.vector_store %arg10[%swap3A_1065, %swap3A_1066], %swap3A_1069 {strides = array<i32>} : memref<128x128xf32, #tpu.memory_space<vmem>>, vector<1x16xf32>,
      %mul3A_1070 = arith.constant 4 : i32
      %mul3A_1071 = arith.muli %add3A_809, %mul3A_1070 : i32
      %add3A_1072 = arith.constant 2 : i32
      %add3A_1073 = arith.addi %mul3A_1071, %add3A_1072 : i32
      %swap3A_1074 = arith.index_cast %add3A_1073 : i32 to index
      %swap3A_1075 = arith.constant 80 : index
      %swap3A_1076 = tpu.vector_load %arg10[%swap3A_1074, %swap3A_1075] {strides = array<i32>} : memref<128x128xf32, #tpu.memory_space<vmem>>, vector<1x16xf32>,
      %swap3A_1077 = vector.shape_cast %swap3A_1076 : vector<1x16xf32> to vector<16xf32>
      %swap3A_1078 = vector.shape_cast %scan3A_1023#5 : vector<16xf32> to vector<1x16xf32>
      tpu.vector_store %arg10[%swap3A_1074, %swap3A_1075], %swap3A_1078 {strides = array<i32>} : memref<128x128xf32, #tpu.memory_space<vmem>>, vector<1x16xf32>,
      %mul3A_1079 = arith.constant 4 : i32
      %mul3A_1080 = arith.muli %add3A_809, %mul3A_1079 : i32
      %add3A_1081 = arith.constant 2 : i32
      %add3A_1082 = arith.addi %mul3A_1080, %add3A_1081 : i32
      %swap3A_1083 = arith.index_cast %add3A_1082 : i32 to index
      %swap3A_1084 = arith.constant 96 : index
      %swap3A_1085 = tpu.vector_load %arg10[%swap3A_1083, %swap3A_1084] {strides = array<i32>} : memref<128x128xf32, #tpu.memory_space<vmem>>, vector<1x16xf32>,
      %swap3A_1086 = vector.shape_cast %swap3A_1085 : vector<1x16xf32> to vector<16xf32>
      %swap3A_1087 = vector.shape_cast %scan3A_1023#6 : vector<16xf32> to vector<1x16xf32>
      tpu.vector_store %arg10[%swap3A_1083, %swap3A_1084], %swap3A_1087 {strides = array<i32>} : memref<128x128xf32, #tpu.memory_space<vmem>>, vector<1x16xf32>,
      %mul3A_1088 = arith.constant 4 : i32
      %mul3A_1089 = arith.muli %add3A_809, %mul3A_1088 : i32
      %add3A_1090 = arith.constant 2 : i32
      %add3A_1091 = arith.addi %mul3A_1089, %add3A_1090 : i32
      %swap3A_1092 = arith.index_cast %add3A_1091 : i32 to index
      %swap3A_1093 = arith.constant 112 : index
      %swap3A_1094 = tpu.vector_load %arg10[%swap3A_1092, %swap3A_1093] {strides = array<i32>} : memref<128x128xf32, #tpu.memory_space<vmem>>, vector<1x16xf32>,
      %swap3A_1095 = vector.shape_cast %swap3A_1094 : vector<1x16xf32> to vector<16xf32>
      %swap3A_1096 = vector.shape_cast %scan3A_1023#7 : vector<16xf32> to vector<1x16xf32>
      tpu.vector_store %arg10[%swap3A_1092, %swap3A_1093], %swap3A_1096 {strides = array<i32>} : memref<128x128xf32, #tpu.memory_space<vmem>>, vector<1x16xf32>,
      %broadcast_in_dim3A_1097 = arith.constant 0.000000e+00 : f32
      %broadcast_in_dim3A_1098 = vector.broadcast %broadcast_in_dim3A_1097 : f32 to vector<16xf32>
      %broadcast_in_dim3A_1099 = arith.constant 0.000000e+00 : f32
      %broadcast_in_dim3A_1100 = vector.broadcast %broadcast_in_dim3A_1099 : f32 to vector<16xf32>
      %broadcast_in_dim3A_1101 = arith.constant 0.000000e+00 : f32
      %broadcast_in_dim3A_1102 = vector.broadcast %broadcast_in_dim3A_1101 : f32 to vector<16xf32>
      %broadcast_in_dim3A_1103 = arith.constant 0.000000e+00 : f32
      %broadcast_in_dim3A_1104 = vector.broadcast %broadcast_in_dim3A_1103 : f32 to vector<16xf32>
      %broadcast_in_dim3A_1105 = arith.constant 0.000000e+00 : f32
      %broadcast_in_dim3A_1106 = vector.broadcast %broadcast_in_dim3A_1105 : f32 to vector<16xf32>
      %broadcast_in_dim3A_1107 = arith.constant 0.000000e+00 : f32
      %broadcast_in_dim3A_1108 = vector.broadcast %broadcast_in_dim3A_1107 : f32 to vector<16xf32>
      %broadcast_in_dim3A_1109 = arith.constant 0.000000e+00 : f32
      %broadcast_in_dim3A_1110 = vector.broadcast %broadcast_in_dim3A_1109 : f32 to vector<16xf32>
      %broadcast_in_dim3A_1111 = arith.constant 0.000000e+00 : f32
      %broadcast_in_dim3A_1112 = vector.broadcast %broadcast_in_dim3A_1111 : f32 to vector<16xf32>
      %scan3A_1113 = arith.constant 0 : i32
      %scan3A_1114 = arith.constant 50 : i32
      %scan3A_1115 = arith.addi %scan3A_1113, %scan3A_1114 : i32
      %scan3A_1116 = arith.constant 1 : i32
      %scan3A_1117:8 = scf.for %scan3A_1594 = %scan3A_1113 to %scan3A_1115 step %scan3A_1116 iter_args(%scan3A_1595 = %broadcast_in_dim3A_1098, %scan3A_1596 = %broadcast_in_dim3A_1100, %scan3A_1597 = %broadcast_in_dim3A_1102, %scan3A_1598 = %broadcast_in_dim3A_1104, %scan3A_1599 = %broadcast_in_dim3A_1106, %scan3A_1600 = %broadcast_in_dim3A_1108, %scan3A_1601 = %broadcast_in_dim3A_1110, %scan3A_1602 = %broadcast_in_dim3A_1112) -> (vector<16xf32>, vector<16xf32>, vector<16xf32>, vector<16xf32>, vector<16xf32>, vector<16xf32>, vector<16xf32>, vector<16xf32>)  : i32 {
        %add3A_1603 = arith.constant 150 : i32
        %add3A_1604 = arith.addi %add3A_1603, %scan3A_1594 : i32
        %get3A = arith.index_cast %add3A_1604 : i32 to index
        %get3A_1605 = arith.constant 0 : index
        %get3A_1606 = tpu.vector_load %arg8[%get3A, %get3A_1605] {strides = array<i32>} : memref<200x128xf32, #tpu.memory_space<vmem>>, vector<1x16xf32>,
        %get3A_1607 = vector.shape_cast %get3A_1606 : vector<1x16xf32> to vector<16xf32>
        %add3A_1608 = arith.addf %scan3A_1595, %get3A_1607 : vector<16xf32>
        %get3A_1609 = arith.index_cast %add3A_1604 : i32 to index
        %get3A_1610 = arith.constant 16 : index
        %get3A_1611 = tpu.vector_load %arg8[%get3A_1609, %get3A_1610] {strides = array<i32>} : memref<200x128xf32, #tpu.memory_space<vmem>>, vector<1x16xf32>,
        %get3A_1612 = vector.shape_cast %get3A_1611 : vector<1x16xf32> to vector<16xf32>
        %add3A_1613 = arith.addf %scan3A_1596, %get3A_1612 : vector<16xf32>
        %get3A_1614 = arith.index_cast %add3A_1604 : i32 to index
        %get3A_1615 = arith.constant 32 : index
        %get3A_1616 = tpu.vector_load %arg8[%get3A_1614, %get3A_1615] {strides = array<i32>} : memref<200x128xf32, #tpu.memory_space<vmem>>, vector<1x16xf32>,
        %get3A_1617 = vector.shape_cast %get3A_1616 : vector<1x16xf32> to vector<16xf32>
        %add3A_1618 = arith.addf %scan3A_1597, %get3A_1617 : vector<16xf32>
        %get3A_1619 = arith.index_cast %add3A_1604 : i32 to index
        %get3A_1620 = arith.constant 48 : index
        %get3A_1621 = tpu.vector_load %arg8[%get3A_1619, %get3A_1620] {strides = array<i32>} : memref<200x128xf32, #tpu.memory_space<vmem>>, vector<1x16xf32>,
        %get3A_1622 = vector.shape_cast %get3A_1621 : vector<1x16xf32> to vector<16xf32>
        %add3A_1623 = arith.addf %scan3A_1598, %get3A_1622 : vector<16xf32>
        %get3A_1624 = arith.index_cast %add3A_1604 : i32 to index
        %get3A_1625 = arith.constant 64 : index
        %get3A_1626 = tpu.vector_load %arg8[%get3A_1624, %get3A_1625] {strides = array<i32>} : memref<200x128xf32, #tpu.memory_space<vmem>>, vector<1x16xf32>,
        %get3A_1627 = vector.shape_cast %get3A_1626 : vector<1x16xf32> to vector<16xf32>
        %add3A_1628 = arith.addf %scan3A_1599, %get3A_1627 : vector<16xf32>
        %get3A_1629 = arith.index_cast %add3A_1604 : i32 to index
        %get3A_1630 = arith.constant 80 : index
        %get3A_1631 = tpu.vector_load %arg8[%get3A_1629, %get3A_1630] {strides = array<i32>} : memref<200x128xf32, #tpu.memory_space<vmem>>, vector<1x16xf32>,
        %get3A_1632 = vector.shape_cast %get3A_1631 : vector<1x16xf32> to vector<16xf32>
        %add3A_1633 = arith.addf %scan3A_1600, %get3A_1632 : vector<16xf32>
        %get3A_1634 = arith.index_cast %add3A_1604 : i32 to index
        %get3A_1635 = arith.constant 96 : index
        %get3A_1636 = tpu.vector_load %arg8[%get3A_1634, %get3A_1635] {strides = array<i32>} : memref<200x128xf32, #tpu.memory_space<vmem>>, vector<1x16xf32>,
        %get3A_1637 = vector.shape_cast %get3A_1636 : vector<1x16xf32> to vector<16xf32>
        %add3A_1638 = arith.addf %scan3A_1601, %get3A_1637 : vector<16xf32>
        %get3A_1639 = arith.index_cast %add3A_1604 : i32 to index
        %get3A_1640 = arith.constant 112 : index
        %get3A_1641 = tpu.vector_load %arg8[%get3A_1639, %get3A_1640] {strides = array<i32>} : memref<200x128xf32, #tpu.memory_space<vmem>>, vector<1x16xf32>,
        %get3A_1642 = vector.shape_cast %get3A_1641 : vector<1x16xf32> to vector<16xf32>
        %add3A_1643 = arith.addf %scan3A_1602, %get3A_1642 : vector<16xf32>
        scf.yield %add3A_1608, %add3A_1613, %add3A_1618, %add3A_1623, %add3A_1628, %add3A_1633, %add3A_1638, %add3A_1643 : vector<16xf32>, vector<16xf32>, vector<16xf32>, vector<16xf32>, vector<16xf32>, vector<16xf32>, vector<16xf32>, vector<16xf32>
      }
      %scan3A_1118 = arith.constant 50 : i32
      %mul3A_1119 = arith.constant 4 : i32
      %mul3A_1120 = arith.muli %add3A_809, %mul3A_1119 : i32
      %add3A_1121 = arith.constant 3 : i32
      %add3A_1122 = arith.addi %mul3A_1120, %add3A_1121 : i32
      %swap3A_1123 = arith.index_cast %add3A_1122 : i32 to index
      %swap3A_1124 = arith.constant 0 : index
      %swap3A_1125 = tpu.vector_load %arg10[%swap3A_1123, %swap3A_1124] {strides = array<i32>} : memref<128x128xf32, #tpu.memory_space<vmem>>, vector<1x16xf32>,
      %swap3A_1126 = vector.shape_cast %swap3A_1125 : vector<1x16xf32> to vector<16xf32>
      %swap3A_1127 = vector.shape_cast %scan3A_1117#0 : vector<16xf32> to vector<1x16xf32>
      tpu.vector_store %arg10[%swap3A_1123, %swap3A_1124], %swap3A_1127 {strides = array<i32>} : memref<128x128xf32, #tpu.memory_space<vmem>>, vector<1x16xf32>,
      %mul3A_1128 = arith.constant 4 : i32
      %mul3A_1129 = arith.muli %add3A_809, %mul3A_1128 : i32
      %add3A_1130 = arith.constant 3 : i32
      %add3A_1131 = arith.addi %mul3A_1129, %add3A_1130 : i32
      %swap3A_1132 = arith.index_cast %add3A_1131 : i32 to index
      %swap3A_1133 = arith.constant 16 : index
      %swap3A_1134 = tpu.vector_load %arg10[%swap3A_1132, %swap3A_1133] {strides = array<i32>} : memref<128x128xf32, #tpu.memory_space<vmem>>, vector<1x16xf32>,
      %swap3A_1135 = vector.shape_cast %swap3A_1134 : vector<1x16xf32> to vector<16xf32>
      %swap3A_1136 = vector.shape_cast %scan3A_1117#1 : vector<16xf32> to vector<1x16xf32>
      tpu.vector_store %arg10[%swap3A_1132, %swap3A_1133], %swap3A_1136 {strides = array<i32>} : memref<128x128xf32, #tpu.memory_space<vmem>>, vector<1x16xf32>,
      %mul3A_1137 = arith.constant 4 : i32
      %mul3A_1138 = arith.muli %add3A_809, %mul3A_1137 : i32
      %add3A_1139 = arith.constant 3 : i32
      %add3A_1140 = arith.addi %mul3A_1138, %add3A_1139 : i32
      %swap3A_1141 = arith.index_cast %add3A_1140 : i32 to index
      %swap3A_1142 = arith.constant 32 : index
      %swap3A_1143 = tpu.vector_load %arg10[%swap3A_1141, %swap3A_1142] {strides = array<i32>} : memref<128x128xf32, #tpu.memory_space<vmem>>, vector<1x16xf32>,
      %swap3A_1144 = vector.shape_cast %swap3A_1143 : vector<1x16xf32> to vector<16xf32>
      %swap3A_1145 = vector.shape_cast %scan3A_1117#2 : vector<16xf32> to vector<1x16xf32>
      tpu.vector_store %arg10[%swap3A_1141, %swap3A_1142], %swap3A_1145 {strides = array<i32>} : memref<128x128xf32, #tpu.memory_space<vmem>>, vector<1x16xf32>,
      %mul3A_1146 = arith.constant 4 : i32
      %mul3A_1147 = arith.muli %add3A_809, %mul3A_1146 : i32
      %add3A_1148 = arith.constant 3 : i32
      %add3A_1149 = arith.addi %mul3A_1147, %add3A_1148 : i32
      %swap3A_1150 = arith.index_cast %add3A_1149 : i32 to index
      %swap3A_1151 = arith.constant 48 : index
      %swap3A_1152 = tpu.vector_load %arg10[%swap3A_1150, %swap3A_1151] {strides = array<i32>} : memref<128x128xf32, #tpu.memory_space<vmem>>, vector<1x16xf32>,
      %swap3A_1153 = vector.shape_cast %swap3A_1152 : vector<1x16xf32> to vector<16xf32>
      %swap3A_1154 = vector.shape_cast %scan3A_1117#3 : vector<16xf32> to vector<1x16xf32>
      tpu.vector_store %arg10[%swap3A_1150, %swap3A_1151], %swap3A_1154 {strides = array<i32>} : memref<128x128xf32, #tpu.memory_space<vmem>>, vector<1x16xf32>,
      %mul3A_1155 = arith.constant 4 : i32
      %mul3A_1156 = arith.muli %add3A_809, %mul3A_1155 : i32
      %add3A_1157 = arith.constant 3 : i32
      %add3A_1158 = arith.addi %mul3A_1156, %add3A_1157 : i32
      %swap3A_1159 = arith.index_cast %add3A_1158 : i32 to index
      %swap3A_1160 = arith.constant 64 : index
      %swap3A_1161 = tpu.vector_load %arg10[%swap3A_1159, %swap3A_1160] {strides = array<i32>} : memref<128x128xf32, #tpu.memory_space<vmem>>, vector<1x16xf32>,
      %swap3A_1162 = vector.shape_cast %swap3A_1161 : vector<1x16xf32> to vector<16xf32>
      %swap3A_1163 = vector.shape_cast %scan3A_1117#4 : vector<16xf32> to vector<1x16xf32>
      tpu.vector_store %arg10[%swap3A_1159, %swap3A_1160], %swap3A_1163 {strides = array<i32>} : memref<128x128xf32, #tpu.memory_space<vmem>>, vector<1x16xf32>,
      %mul3A_1164 = arith.constant 4 : i32
      %mul3A_1165 = arith.muli %add3A_809, %mul3A_1164 : i32
      %add3A_1166 = arith.constant 3 : i32
      %add3A_1167 = arith.addi %mul3A_1165, %add3A_1166 : i32
      %swap3A_1168 = arith.index_cast %add3A_1167 : i32 to index
      %swap3A_1169 = arith.constant 80 : index
      %swap3A_1170 = tpu.vector_load %arg10[%swap3A_1168, %swap3A_1169] {strides = array<i32>} : memref<128x128xf32, #tpu.memory_space<vmem>>, vector<1x16xf32>,
      %swap3A_1171 = vector.shape_cast %swap3A_1170 : vector<1x16xf32> to vector<16xf32>
      %swap3A_1172 = vector.shape_cast %scan3A_1117#5 : vector<16xf32> to vector<1x16xf32>
      tpu.vector_store %arg10[%swap3A_1168, %swap3A_1169], %swap3A_1172 {strides = array<i32>} : memref<128x128xf32, #tpu.memory_space<vmem>>, vector<1x16xf32>,
      %mul3A_1173 = arith.constant 4 : i32
      %mul3A_1174 = arith.muli %add3A_809, %mul3A_1173 : i32
      %add3A_1175 = arith.constant 3 : i32
      %add3A_1176 = arith.addi %mul3A_1174, %add3A_1175 : i32
      %swap3A_1177 = arith.index_cast %add3A_1176 : i32 to index
      %swap3A_1178 = arith.constant 96 : index
      %swap3A_1179 = tpu.vector_load %arg10[%swap3A_1177, %swap3A_1178] {strides = array<i32>} : memref<128x128xf32, #tpu.memory_space<vmem>>, vector<1x16xf32>,
      %swap3A_1180 = vector.shape_cast %swap3A_1179 : vector<1x16xf32> to vector<16xf32>
      %swap3A_1181 = vector.shape_cast %scan3A_1117#6 : vector<16xf32> to vector<1x16xf32>
      tpu.vector_store %arg10[%swap3A_1177, %swap3A_1178], %swap3A_1181 {strides = array<i32>} : memref<128x128xf32, #tpu.memory_space<vmem>>, vector<1x16xf32>,
      %mul3A_1182 = arith.constant 4 : i32
      %mul3A_1183 = arith.muli %add3A_809, %mul3A_1182 : i32
      %add3A_1184 = arith.constant 3 : i32
      %add3A_1185 = arith.addi %mul3A_1183, %add3A_1184 : i32
      %swap3A_1186 = arith.index_cast %add3A_1185 : i32 to index
      %swap3A_1187 = arith.constant 112 : index
      %swap3A_1188 = tpu.vector_load %arg10[%swap3A_1186, %swap3A_1187] {strides = array<i32>} : memref<128x128xf32, #tpu.memory_space<vmem>>, vector<1x16xf32>,
      %swap3A_1189 = vector.shape_cast %swap3A_1188 : vector<1x16xf32> to vector<16xf32>
      %swap3A_1190 = vector.shape_cast %scan3A_1117#7 : vector<16xf32> to vector<1x16xf32>
      tpu.vector_store %arg10[%swap3A_1186, %swap3A_1187], %swap3A_1190 {strides = array<i32>} : memref<128x128xf32, #tpu.memory_space<vmem>>, vector<1x16xf32>,
      %add3A_1191 = arith.constant 4 : i32
      %add3A_1192 = arith.addi %add3A_809, %add3A_1191 : i32
      %sub3A_1193 = arith.constant 1 : i32
      %sub3A_1194 = arith.subi %add3A_1192, %sub3A_1193 : i32
      %lt3A_1195 = arith.constant 32 : i32
      %lt3A_1196 = arith.cmpi slt, %sub3A_1194, %lt3A_1195 : i32
      %convert_element_type3A_1197 = arith.extui %lt3A_1196 : i1 to i32
      %cond3A_1198 = arith.constant 0 : i32
      %cond3A_1199 = arith.cmpi ne, %convert_element_type3A_1197, %cond3A_1198 : i32
      scf.if %cond3A_1199 {
        %add3A_1594 = arith.constant 4 : i32
        %add3A_1595 = arith.addi %add3A_809, %add3A_1594 : i32
        %sub3A_1596 = arith.constant 1 : i32
        %sub3A_1597 = arith.subi %add3A_1595, %sub3A_1596 : i32
        %mul3A_1598 = arith.constant 200 : i32
        %mul3A_1599 = arith.muli %sub3A_1597, %mul3A_1598 : i32
        %dma_start3A_1600 = tpu.memref_slice %arg5[%mul3A_1599] : memref<6400xi32, #tpu.memory_space<vmem>> -> memref<200xi32, #tpu.memory_space<vmem>>
        %dma_start3A_1601 = arith.constant 0 : i32
        %dma_start3A_1602 = arith.constant 0 : i32
        %dma_start3A_1603 = tpu.memref_slice %arg2[%dma_start3A_1601, %dma_start3A_1602] : memref<100000x128xf32, #tpu.memory_space<hbm>> -> memref<100000x128xf32, #tpu.memory_space<hbm>>
        tpu.enqueue_indirect_dma source(%dma_start3A_1603 : memref<100000x128xf32, #tpu.memory_space<hbm>>) target(%arg7 : memref<200x128xf32, #tpu.memory_space<vmem>>) offsets(%dma_start3A_1600 : memref<200xi32, #tpu.memory_space<vmem>>) semaphore(%arg12 : memref<!tpu.dma_semaphore, #tpu.memory_space<semaphore_mem>>)
      } else {
      }
      %mul3A_1200 = arith.constant 4 : i32
      %mul3A_1201 = arith.muli %scan3A_24, %mul3A_1200 : i32
      %add3A_1202 = arith.constant 3 : i32
      %add3A_1203 = arith.addi %mul3A_1201, %add3A_1202 : i32
      %dma_wait3A_1204 = arith.constant 0 : i32
      %dma_wait3A_1205 = tpu.memref_slice %arg5[%dma_wait3A_1204] : memref<6400xi32, #tpu.memory_space<vmem>> -> memref<200xi32, #tpu.memory_space<vmem>>
      %dma_wait3A_1206 = arith.constant 0 : i32
      %dma_wait3A_1207 = arith.constant 0 : i32
      %dma_wait3A_1208 = tpu.memref_slice %arg2[%dma_wait3A_1206, %dma_wait3A_1207] : memref<100000x128xf32, #tpu.memory_space<hbm>> -> memref<100000x128xf32, #tpu.memory_space<hbm>>
      tpu.wait_indirect_dma semaphore(%arg14 : memref<!tpu.dma_semaphore, #tpu.memory_space<semaphore_mem>>) src(%dma_wait3A_1208 : memref<100000x128xf32, #tpu.memory_space<hbm>>) dst(%arg9 : memref<200x128xf32, #tpu.memory_space<vmem>>)
      %broadcast_in_dim3A_1209 = arith.constant 0.000000e+00 : f32
      %broadcast_in_dim3A_1210 = vector.broadcast %broadcast_in_dim3A_1209 : f32 to vector<16xf32>
      %broadcast_in_dim3A_1211 = arith.constant 0.000000e+00 : f32
      %broadcast_in_dim3A_1212 = vector.broadcast %broadcast_in_dim3A_1211 : f32 to vector<16xf32>
      %broadcast_in_dim3A_1213 = arith.constant 0.000000e+00 : f32
      %broadcast_in_dim3A_1214 = vector.broadcast %broadcast_in_dim3A_1213 : f32 to vector<16xf32>
      %broadcast_in_dim3A_1215 = arith.constant 0.000000e+00 : f32
      %broadcast_in_dim3A_1216 = vector.broadcast %broadcast_in_dim3A_1215 : f32 to vector<16xf32>
      %broadcast_in_dim3A_1217 = arith.constant 0.000000e+00 : f32
      %broadcast_in_dim3A_1218 = vector.broadcast %broadcast_in_dim3A_1217 : f32 to vector<16xf32>
      %broadcast_in_dim3A_1219 = arith.constant 0.000000e+00 : f32
      %broadcast_in_dim3A_1220 = vector.broadcast %broadcast_in_dim3A_1219 : f32 to vector<16xf32>
      %broadcast_in_dim3A_1221 = arith.constant 0.000000e+00 : f32
      %broadcast_in_dim3A_1222 = vector.broadcast %broadcast_in_dim3A_1221 : f32 to vector<16xf32>
      %broadcast_in_dim3A_1223 = arith.constant 0.000000e+00 : f32
      %broadcast_in_dim3A_1224 = vector.broadcast %broadcast_in_dim3A_1223 : f32 to vector<16xf32>
      %scan3A_1225 = arith.constant 0 : i32
      %scan3A_1226 = arith.constant 50 : i32
      %scan3A_1227 = arith.addi %scan3A_1225, %scan3A_1226 : i32
      %scan3A_1228 = arith.constant 1 : i32
      %scan3A_1229:8 = scf.for %scan3A_1594 = %scan3A_1225 to %scan3A_1227 step %scan3A_1228 iter_args(%scan3A_1595 = %broadcast_in_dim3A_1210, %scan3A_1596 = %broadcast_in_dim3A_1212, %scan3A_1597 = %broadcast_in_dim3A_1214, %scan3A_1598 = %broadcast_in_dim3A_1216, %scan3A_1599 = %broadcast_in_dim3A_1218, %scan3A_1600 = %broadcast_in_dim3A_1220, %scan3A_1601 = %broadcast_in_dim3A_1222, %scan3A_1602 = %broadcast_in_dim3A_1224) -> (vector<16xf32>, vector<16xf32>, vector<16xf32>, vector<16xf32>, vector<16xf32>, vector<16xf32>, vector<16xf32>, vector<16xf32>)  : i32 {
        %add3A_1603 = arith.constant 0 : i32
        %add3A_1604 = arith.addi %add3A_1603, %scan3A_1594 : i32
        %get3A = arith.index_cast %add3A_1604 : i32 to index
        %get3A_1605 = arith.constant 0 : index
        %get3A_1606 = tpu.vector_load %arg9[%get3A, %get3A_1605] {strides = array<i32>} : memref<200x128xf32, #tpu.memory_space<vmem>>, vector<1x16xf32>,
        %get3A_1607 = vector.shape_cast %get3A_1606 : vector<1x16xf32> to vector<16xf32>
        %add3A_1608 = arith.addf %scan3A_1595, %get3A_1607 : vector<16xf32>
        %get3A_1609 = arith.index_cast %add3A_1604 : i32 to index
        %get3A_1610 = arith.constant 16 : index
        %get3A_1611 = tpu.vector_load %arg9[%get3A_1609, %get3A_1610] {strides = array<i32>} : memref<200x128xf32, #tpu.memory_space<vmem>>, vector<1x16xf32>,
        %get3A_1612 = vector.shape_cast %get3A_1611 : vector<1x16xf32> to vector<16xf32>
        %add3A_1613 = arith.addf %scan3A_1596, %get3A_1612 : vector<16xf32>
        %get3A_1614 = arith.index_cast %add3A_1604 : i32 to index
        %get3A_1615 = arith.constant 32 : index
        %get3A_1616 = tpu.vector_load %arg9[%get3A_1614, %get3A_1615] {strides = array<i32>} : memref<200x128xf32, #tpu.memory_space<vmem>>, vector<1x16xf32>,
        %get3A_1617 = vector.shape_cast %get3A_1616 : vector<1x16xf32> to vector<16xf32>
        %add3A_1618 = arith.addf %scan3A_1597, %get3A_1617 : vector<16xf32>
        %get3A_1619 = arith.index_cast %add3A_1604 : i32 to index
        %get3A_1620 = arith.constant 48 : index
        %get3A_1621 = tpu.vector_load %arg9[%get3A_1619, %get3A_1620] {strides = array<i32>} : memref<200x128xf32, #tpu.memory_space<vmem>>, vector<1x16xf32>,
        %get3A_1622 = vector.shape_cast %get3A_1621 : vector<1x16xf32> to vector<16xf32>
        %add3A_1623 = arith.addf %scan3A_1598, %get3A_1622 : vector<16xf32>
        %get3A_1624 = arith.index_cast %add3A_1604 : i32 to index
        %get3A_1625 = arith.constant 64 : index
        %get3A_1626 = tpu.vector_load %arg9[%get3A_1624, %get3A_1625] {strides = array<i32>} : memref<200x128xf32, #tpu.memory_space<vmem>>, vector<1x16xf32>,
        %get3A_1627 = vector.shape_cast %get3A_1626 : vector<1x16xf32> to vector<16xf32>
        %add3A_1628 = arith.addf %scan3A_1599, %get3A_1627 : vector<16xf32>
        %get3A_1629 = arith.index_cast %add3A_1604 : i32 to index
        %get3A_1630 = arith.constant 80 : index
        %get3A_1631 = tpu.vector_load %arg9[%get3A_1629, %get3A_1630] {strides = array<i32>} : memref<200x128xf32, #tpu.memory_space<vmem>>, vector<1x16xf32>,
        %get3A_1632 = vector.shape_cast %get3A_1631 : vector<1x16xf32> to vector<16xf32>
        %add3A_1633 = arith.addf %scan3A_1600, %get3A_1632 : vector<16xf32>
        %get3A_1634 = arith.index_cast %add3A_1604 : i32 to index
        %get3A_1635 = arith.constant 96 : index
        %get3A_1636 = tpu.vector_load %arg9[%get3A_1634, %get3A_1635] {strides = array<i32>} : memref<200x128xf32, #tpu.memory_space<vmem>>, vector<1x16xf32>,
        %get3A_1637 = vector.shape_cast %get3A_1636 : vector<1x16xf32> to vector<16xf32>
        %add3A_1638 = arith.addf %scan3A_1601, %get3A_1637 : vector<16xf32>
        %get3A_1639 = arith.index_cast %add3A_1604 : i32 to index
        %get3A_1640 = arith.constant 112 : index
        %get3A_1641 = tpu.vector_load %arg9[%get3A_1639, %get3A_1640] {strides = array<i32>} : memref<200x128xf32, #tpu.memory_space<vmem>>, vector<1x16xf32>,
        %get3A_1642 = vector.shape_cast %get3A_1641 : vector<1x16xf32> to vector<16xf32>
        %add3A_1643 = arith.addf %scan3A_1602, %get3A_1642 : vector<16xf32>
        scf.yield %add3A_1608, %add3A_1613, %add3A_1618, %add3A_1623, %add3A_1628, %add3A_1633, %add3A_1638, %add3A_1643 : vector<16xf32>, vector<16xf32>, vector<16xf32>, vector<16xf32>, vector<16xf32>, vector<16xf32>, vector<16xf32>, vector<16xf32>
      }
      %scan3A_1230 = arith.constant 50 : i32
      %mul3A_1231 = arith.constant 4 : i32
      %mul3A_1232 = arith.muli %add3A_1203, %mul3A_1231 : i32
      %add3A_1233 = arith.constant 0 : i32
      %add3A_1234 = arith.addi %mul3A_1232, %add3A_1233 : i32
      %swap3A_1235 = arith.index_cast %add3A_1234 : i32 to index
      %swap3A_1236 = arith.constant 0 : index
      %swap3A_1237 = tpu.vector_load %arg10[%swap3A_1235, %swap3A_1236] {strides = array<i32>} : memref<128x128xf32, #tpu.memory_space<vmem>>, vector<1x16xf32>,
      %swap3A_1238 = vector.shape_cast %swap3A_1237 : vector<1x16xf32> to vector<16xf32>
      %swap3A_1239 = vector.shape_cast %scan3A_1229#0 : vector<16xf32> to vector<1x16xf32>
      tpu.vector_store %arg10[%swap3A_1235, %swap3A_1236], %swap3A_1239 {strides = array<i32>} : memref<128x128xf32, #tpu.memory_space<vmem>>, vector<1x16xf32>,
      %mul3A_1240 = arith.constant 4 : i32
      %mul3A_1241 = arith.muli %add3A_1203, %mul3A_1240 : i32
      %add3A_1242 = arith.constant 0 : i32
      %add3A_1243 = arith.addi %mul3A_1241, %add3A_1242 : i32
      %swap3A_1244 = arith.index_cast %add3A_1243 : i32 to index
      %swap3A_1245 = arith.constant 16 : index
      %swap3A_1246 = tpu.vector_load %arg10[%swap3A_1244, %swap3A_1245] {strides = array<i32>} : memref<128x128xf32, #tpu.memory_space<vmem>>, vector<1x16xf32>,
      %swap3A_1247 = vector.shape_cast %swap3A_1246 : vector<1x16xf32> to vector<16xf32>
      %swap3A_1248 = vector.shape_cast %scan3A_1229#1 : vector<16xf32> to vector<1x16xf32>
      tpu.vector_store %arg10[%swap3A_1244, %swap3A_1245], %swap3A_1248 {strides = array<i32>} : memref<128x128xf32, #tpu.memory_space<vmem>>, vector<1x16xf32>,
      %mul3A_1249 = arith.constant 4 : i32
      %mul3A_1250 = arith.muli %add3A_1203, %mul3A_1249 : i32
      %add3A_1251 = arith.constant 0 : i32
      %add3A_1252 = arith.addi %mul3A_1250, %add3A_1251 : i32
      %swap3A_1253 = arith.index_cast %add3A_1252 : i32 to index
      %swap3A_1254 = arith.constant 32 : index
      %swap3A_1255 = tpu.vector_load %arg10[%swap3A_1253, %swap3A_1254] {strides = array<i32>} : memref<128x128xf32, #tpu.memory_space<vmem>>, vector<1x16xf32>,
      %swap3A_1256 = vector.shape_cast %swap3A_1255 : vector<1x16xf32> to vector<16xf32>
      %swap3A_1257 = vector.shape_cast %scan3A_1229#2 : vector<16xf32> to vector<1x16xf32>
      tpu.vector_store %arg10[%swap3A_1253, %swap3A_1254], %swap3A_1257 {strides = array<i32>} : memref<128x128xf32, #tpu.memory_space<vmem>>, vector<1x16xf32>,
      %mul3A_1258 = arith.constant 4 : i32
      %mul3A_1259 = arith.muli %add3A_1203, %mul3A_1258 : i32
      %add3A_1260 = arith.constant 0 : i32
      %add3A_1261 = arith.addi %mul3A_1259, %add3A_1260 : i32
      %swap3A_1262 = arith.index_cast %add3A_1261 : i32 to index
      %swap3A_1263 = arith.constant 48 : index
      %swap3A_1264 = tpu.vector_load %arg10[%swap3A_1262, %swap3A_1263] {strides = array<i32>} : memref<128x128xf32, #tpu.memory_space<vmem>>, vector<1x16xf32>,
      %swap3A_1265 = vector.shape_cast %swap3A_1264 : vector<1x16xf32> to vector<16xf32>
      %swap3A_1266 = vector.shape_cast %scan3A_1229#3 : vector<16xf32> to vector<1x16xf32>
      tpu.vector_store %arg10[%swap3A_1262, %swap3A_1263], %swap3A_1266 {strides = array<i32>} : memref<128x128xf32, #tpu.memory_space<vmem>>, vector<1x16xf32>,
      %mul3A_1267 = arith.constant 4 : i32
      %mul3A_1268 = arith.muli %add3A_1203, %mul3A_1267 : i32
      %add3A_1269 = arith.constant 0 : i32
      %add3A_1270 = arith.addi %mul3A_1268, %add3A_1269 : i32
      %swap3A_1271 = arith.index_cast %add3A_1270 : i32 to index
      %swap3A_1272 = arith.constant 64 : index
      %swap3A_1273 = tpu.vector_load %arg10[%swap3A_1271, %swap3A_1272] {strides = array<i32>} : memref<128x128xf32, #tpu.memory_space<vmem>>, vector<1x16xf32>,
      %swap3A_1274 = vector.shape_cast %swap3A_1273 : vector<1x16xf32> to vector<16xf32>
      %swap3A_1275 = vector.shape_cast %scan3A_1229#4 : vector<16xf32> to vector<1x16xf32>
      tpu.vector_store %arg10[%swap3A_1271, %swap3A_1272], %swap3A_1275 {strides = array<i32>} : memref<128x128xf32, #tpu.memory_space<vmem>>, vector<1x16xf32>,
      %mul3A_1276 = arith.constant 4 : i32
      %mul3A_1277 = arith.muli %add3A_1203, %mul3A_1276 : i32
      %add3A_1278 = arith.constant 0 : i32
      %add3A_1279 = arith.addi %mul3A_1277, %add3A_1278 : i32
      %swap3A_1280 = arith.index_cast %add3A_1279 : i32 to index
      %swap3A_1281 = arith.constant 80 : index
      %swap3A_1282 = tpu.vector_load %arg10[%swap3A_1280, %swap3A_1281] {strides = array<i32>} : memref<128x128xf32, #tpu.memory_space<vmem>>, vector<1x16xf32>,
      %swap3A_1283 = vector.shape_cast %swap3A_1282 : vector<1x16xf32> to vector<16xf32>
      %swap3A_1284 = vector.shape_cast %scan3A_1229#5 : vector<16xf32> to vector<1x16xf32>
      tpu.vector_store %arg10[%swap3A_1280, %swap3A_1281], %swap3A_1284 {strides = array<i32>} : memref<128x128xf32, #tpu.memory_space<vmem>>, vector<1x16xf32>,
      %mul3A_1285 = arith.constant 4 : i32
      %mul3A_1286 = arith.muli %add3A_1203, %mul3A_1285 : i32
      %add3A_1287 = arith.constant 0 : i32
      %add3A_1288 = arith.addi %mul3A_1286, %add3A_1287 : i32
      %swap3A_1289 = arith.index_cast %add3A_1288 : i32 to index
      %swap3A_1290 = arith.constant 96 : index
      %swap3A_1291 = tpu.vector_load %arg10[%swap3A_1289, %swap3A_1290] {strides = array<i32>} : memref<128x128xf32, #tpu.memory_space<vmem>>, vector<1x16xf32>,
      %swap3A_1292 = vector.shape_cast %swap3A_1291 : vector<1x16xf32> to vector<16xf32>
      %swap3A_1293 = vector.shape_cast %scan3A_1229#6 : vector<16xf32> to vector<1x16xf32>
      tpu.vector_store %arg10[%swap3A_1289, %swap3A_1290], %swap3A_1293 {strides = array<i32>} : memref<128x128xf32, #tpu.memory_space<vmem>>, vector<1x16xf32>,
      %mul3A_1294 = arith.constant 4 : i32
      %mul3A_1295 = arith.muli %add3A_1203, %mul3A_1294 : i32
      %add3A_1296 = arith.constant 0 : i32
      %add3A_1297 = arith.addi %mul3A_1295, %add3A_1296 : i32
      %swap3A_1298 = arith.index_cast %add3A_1297 : i32 to index
      %swap3A_1299 = arith.constant 112 : index
      %swap3A_1300 = tpu.vector_load %arg10[%swap3A_1298, %swap3A_1299] {strides = array<i32>} : memref<128x128xf32, #tpu.memory_space<vmem>>, vector<1x16xf32>,
      %swap3A_1301 = vector.shape_cast %swap3A_1300 : vector<1x16xf32> to vector<16xf32>
      %swap3A_1302 = vector.shape_cast %scan3A_1229#7 : vector<16xf32> to vector<1x16xf32>
      tpu.vector_store %arg10[%swap3A_1298, %swap3A_1299], %swap3A_1302 {strides = array<i32>} : memref<128x128xf32, #tpu.memory_space<vmem>>, vector<1x16xf32>,
      %broadcast_in_dim3A_1303 = arith.constant 0.000000e+00 : f32
      %broadcast_in_dim3A_1304 = vector.broadcast %broadcast_in_dim3A_1303 : f32 to vector<16xf32>
      %broadcast_in_dim3A_1305 = arith.constant 0.000000e+00 : f32
      %broadcast_in_dim3A_1306 = vector.broadcast %broadcast_in_dim3A_1305 : f32 to vector<16xf32>
      %broadcast_in_dim3A_1307 = arith.constant 0.000000e+00 : f32
      %broadcast_in_dim3A_1308 = vector.broadcast %broadcast_in_dim3A_1307 : f32 to vector<16xf32>
      %broadcast_in_dim3A_1309 = arith.constant 0.000000e+00 : f32
      %broadcast_in_dim3A_1310 = vector.broadcast %broadcast_in_dim3A_1309 : f32 to vector<16xf32>
      %broadcast_in_dim3A_1311 = arith.constant 0.000000e+00 : f32
      %broadcast_in_dim3A_1312 = vector.broadcast %broadcast_in_dim3A_1311 : f32 to vector<16xf32>
      %broadcast_in_dim3A_1313 = arith.constant 0.000000e+00 : f32
      %broadcast_in_dim3A_1314 = vector.broadcast %broadcast_in_dim3A_1313 : f32 to vector<16xf32>
      %broadcast_in_dim3A_1315 = arith.constant 0.000000e+00 : f32
      %broadcast_in_dim3A_1316 = vector.broadcast %broadcast_in_dim3A_1315 : f32 to vector<16xf32>
      %broadcast_in_dim3A_1317 = arith.constant 0.000000e+00 : f32
      %broadcast_in_dim3A_1318 = vector.broadcast %broadcast_in_dim3A_1317 : f32 to vector<16xf32>
      %scan3A_1319 = arith.constant 0 : i32
      %scan3A_1320 = arith.constant 50 : i32
      %scan3A_1321 = arith.addi %scan3A_1319, %scan3A_1320 : i32
      %scan3A_1322 = arith.constant 1 : i32
      %scan3A_1323:8 = scf.for %scan3A_1594 = %scan3A_1319 to %scan3A_1321 step %scan3A_1322 iter_args(%scan3A_1595 = %broadcast_in_dim3A_1304, %scan3A_1596 = %broadcast_in_dim3A_1306, %scan3A_1597 = %broadcast_in_dim3A_1308, %scan3A_1598 = %broadcast_in_dim3A_1310, %scan3A_1599 = %broadcast_in_dim3A_1312, %scan3A_1600 = %broadcast_in_dim3A_1314, %scan3A_1601 = %broadcast_in_dim3A_1316, %scan3A_1602 = %broadcast_in_dim3A_1318) -> (vector<16xf32>, vector<16xf32>, vector<16xf32>, vector<16xf32>, vector<16xf32>, vector<16xf32>, vector<16xf32>, vector<16xf32>)  : i32 {
        %add3A_1603 = arith.constant 50 : i32
        %add3A_1604 = arith.addi %add3A_1603, %scan3A_1594 : i32
        %get3A = arith.index_cast %add3A_1604 : i32 to index
        %get3A_1605 = arith.constant 0 : index
        %get3A_1606 = tpu.vector_load %arg9[%get3A, %get3A_1605] {strides = array<i32>} : memref<200x128xf32, #tpu.memory_space<vmem>>, vector<1x16xf32>,
        %get3A_1607 = vector.shape_cast %get3A_1606 : vector<1x16xf32> to vector<16xf32>
        %add3A_1608 = arith.addf %scan3A_1595, %get3A_1607 : vector<16xf32>
        %get3A_1609 = arith.index_cast %add3A_1604 : i32 to index
        %get3A_1610 = arith.constant 16 : index
        %get3A_1611 = tpu.vector_load %arg9[%get3A_1609, %get3A_1610] {strides = array<i32>} : memref<200x128xf32, #tpu.memory_space<vmem>>, vector<1x16xf32>,
        %get3A_1612 = vector.shape_cast %get3A_1611 : vector<1x16xf32> to vector<16xf32>
        %add3A_1613 = arith.addf %scan3A_1596, %get3A_1612 : vector<16xf32>
        %get3A_1614 = arith.index_cast %add3A_1604 : i32 to index
        %get3A_1615 = arith.constant 32 : index
        %get3A_1616 = tpu.vector_load %arg9[%get3A_1614, %get3A_1615] {strides = array<i32>} : memref<200x128xf32, #tpu.memory_space<vmem>>, vector<1x16xf32>,
        %get3A_1617 = vector.shape_cast %get3A_1616 : vector<1x16xf32> to vector<16xf32>
        %add3A_1618 = arith.addf %scan3A_1597, %get3A_1617 : vector<16xf32>
        %get3A_1619 = arith.index_cast %add3A_1604 : i32 to index
        %get3A_1620 = arith.constant 48 : index
        %get3A_1621 = tpu.vector_load %arg9[%get3A_1619, %get3A_1620] {strides = array<i32>} : memref<200x128xf32, #tpu.memory_space<vmem>>, vector<1x16xf32>,
        %get3A_1622 = vector.shape_cast %get3A_1621 : vector<1x16xf32> to vector<16xf32>
        %add3A_1623 = arith.addf %scan3A_1598, %get3A_1622 : vector<16xf32>
        %get3A_1624 = arith.index_cast %add3A_1604 : i32 to index
        %get3A_1625 = arith.constant 64 : index
        %get3A_1626 = tpu.vector_load %arg9[%get3A_1624, %get3A_1625] {strides = array<i32>} : memref<200x128xf32, #tpu.memory_space<vmem>>, vector<1x16xf32>,
        %get3A_1627 = vector.shape_cast %get3A_1626 : vector<1x16xf32> to vector<16xf32>
        %add3A_1628 = arith.addf %scan3A_1599, %get3A_1627 : vector<16xf32>
        %get3A_1629 = arith.index_cast %add3A_1604 : i32 to index
        %get3A_1630 = arith.constant 80 : index
        %get3A_1631 = tpu.vector_load %arg9[%get3A_1629, %get3A_1630] {strides = array<i32>} : memref<200x128xf32, #tpu.memory_space<vmem>>, vector<1x16xf32>,
        %get3A_1632 = vector.shape_cast %get3A_1631 : vector<1x16xf32> to vector<16xf32>
        %add3A_1633 = arith.addf %scan3A_1600, %get3A_1632 : vector<16xf32>
        %get3A_1634 = arith.index_cast %add3A_1604 : i32 to index
        %get3A_1635 = arith.constant 96 : index
        %get3A_1636 = tpu.vector_load %arg9[%get3A_1634, %get3A_1635] {strides = array<i32>} : memref<200x128xf32, #tpu.memory_space<vmem>>, vector<1x16xf32>,
        %get3A_1637 = vector.shape_cast %get3A_1636 : vector<1x16xf32> to vector<16xf32>
        %add3A_1638 = arith.addf %scan3A_1601, %get3A_1637 : vector<16xf32>
        %get3A_1639 = arith.index_cast %add3A_1604 : i32 to index
        %get3A_1640 = arith.constant 112 : index
        %get3A_1641 = tpu.vector_load %arg9[%get3A_1639, %get3A_1640] {strides = array<i32>} : memref<200x128xf32, #tpu.memory_space<vmem>>, vector<1x16xf32>,
        %get3A_1642 = vector.shape_cast %get3A_1641 : vector<1x16xf32> to vector<16xf32>
        %add3A_1643 = arith.addf %scan3A_1602, %get3A_1642 : vector<16xf32>
        scf.yield %add3A_1608, %add3A_1613, %add3A_1618, %add3A_1623, %add3A_1628, %add3A_1633, %add3A_1638, %add3A_1643 : vector<16xf32>, vector<16xf32>, vector<16xf32>, vector<16xf32>, vector<16xf32>, vector<16xf32>, vector<16xf32>, vector<16xf32>
      }
      %scan3A_1324 = arith.constant 50 : i32
      %mul3A_1325 = arith.constant 4 : i32
      %mul3A_1326 = arith.muli %add3A_1203, %mul3A_1325 : i32
      %add3A_1327 = arith.constant 1 : i32
      %add3A_1328 = arith.addi %mul3A_1326, %add3A_1327 : i32
      %swap3A_1329 = arith.index_cast %add3A_1328 : i32 to index
      %swap3A_1330 = arith.constant 0 : index
      %swap3A_1331 = tpu.vector_load %arg10[%swap3A_1329, %swap3A_1330] {strides = array<i32>} : memref<128x128xf32, #tpu.memory_space<vmem>>, vector<1x16xf32>,
      %swap3A_1332 = vector.shape_cast %swap3A_1331 : vector<1x16xf32> to vector<16xf32>
      %swap3A_1333 = vector.shape_cast %scan3A_1323#0 : vector<16xf32> to vector<1x16xf32>
      tpu.vector_store %arg10[%swap3A_1329, %swap3A_1330], %swap3A_1333 {strides = array<i32>} : memref<128x128xf32, #tpu.memory_space<vmem>>, vector<1x16xf32>,
      %mul3A_1334 = arith.constant 4 : i32
      %mul3A_1335 = arith.muli %add3A_1203, %mul3A_1334 : i32
      %add3A_1336 = arith.constant 1 : i32
      %add3A_1337 = arith.addi %mul3A_1335, %add3A_1336 : i32
      %swap3A_1338 = arith.index_cast %add3A_1337 : i32 to index
      %swap3A_1339 = arith.constant 16 : index
      %swap3A_1340 = tpu.vector_load %arg10[%swap3A_1338, %swap3A_1339] {strides = array<i32>} : memref<128x128xf32, #tpu.memory_space<vmem>>, vector<1x16xf32>,
      %swap3A_1341 = vector.shape_cast %swap3A_1340 : vector<1x16xf32> to vector<16xf32>
      %swap3A_1342 = vector.shape_cast %scan3A_1323#1 : vector<16xf32> to vector<1x16xf32>
      tpu.vector_store %arg10[%swap3A_1338, %swap3A_1339], %swap3A_1342 {strides = array<i32>} : memref<128x128xf32, #tpu.memory_space<vmem>>, vector<1x16xf32>,
      %mul3A_1343 = arith.constant 4 : i32
      %mul3A_1344 = arith.muli %add3A_1203, %mul3A_1343 : i32
      %add3A_1345 = arith.constant 1 : i32
      %add3A_1346 = arith.addi %mul3A_1344, %add3A_1345 : i32
      %swap3A_1347 = arith.index_cast %add3A_1346 : i32 to index
      %swap3A_1348 = arith.constant 32 : index
      %swap3A_1349 = tpu.vector_load %arg10[%swap3A_1347, %swap3A_1348] {strides = array<i32>} : memref<128x128xf32, #tpu.memory_space<vmem>>, vector<1x16xf32>,
      %swap3A_1350 = vector.shape_cast %swap3A_1349 : vector<1x16xf32> to vector<16xf32>
      %swap3A_1351 = vector.shape_cast %scan3A_1323#2 : vector<16xf32> to vector<1x16xf32>
      tpu.vector_store %arg10[%swap3A_1347, %swap3A_1348], %swap3A_1351 {strides = array<i32>} : memref<128x128xf32, #tpu.memory_space<vmem>>, vector<1x16xf32>,
      %mul3A_1352 = arith.constant 4 : i32
      %mul3A_1353 = arith.muli %add3A_1203, %mul3A_1352 : i32
      %add3A_1354 = arith.constant 1 : i32
      %add3A_1355 = arith.addi %mul3A_1353, %add3A_1354 : i32
      %swap3A_1356 = arith.index_cast %add3A_1355 : i32 to index
      %swap3A_1357 = arith.constant 48 : index
      %swap3A_1358 = tpu.vector_load %arg10[%swap3A_1356, %swap3A_1357] {strides = array<i32>} : memref<128x128xf32, #tpu.memory_space<vmem>>, vector<1x16xf32>,
      %swap3A_1359 = vector.shape_cast %swap3A_1358 : vector<1x16xf32> to vector<16xf32>
      %swap3A_1360 = vector.shape_cast %scan3A_1323#3 : vector<16xf32> to vector<1x16xf32>
      tpu.vector_store %arg10[%swap3A_1356, %swap3A_1357], %swap3A_1360 {strides = array<i32>} : memref<128x128xf32, #tpu.memory_space<vmem>>, vector<1x16xf32>,
      %mul3A_1361 = arith.constant 4 : i32
      %mul3A_1362 = arith.muli %add3A_1203, %mul3A_1361 : i32
      %add3A_1363 = arith.constant 1 : i32
      %add3A_1364 = arith.addi %mul3A_1362, %add3A_1363 : i32
      %swap3A_1365 = arith.index_cast %add3A_1364 : i32 to index
      %swap3A_1366 = arith.constant 64 : index
      %swap3A_1367 = tpu.vector_load %arg10[%swap3A_1365, %swap3A_1366] {strides = array<i32>} : memref<128x128xf32, #tpu.memory_space<vmem>>, vector<1x16xf32>,
      %swap3A_1368 = vector.shape_cast %swap3A_1367 : vector<1x16xf32> to vector<16xf32>
      %swap3A_1369 = vector.shape_cast %scan3A_1323#4 : vector<16xf32> to vector<1x16xf32>
      tpu.vector_store %arg10[%swap3A_1365, %swap3A_1366], %swap3A_1369 {strides = array<i32>} : memref<128x128xf32, #tpu.memory_space<vmem>>, vector<1x16xf32>,
      %mul3A_1370 = arith.constant 4 : i32
      %mul3A_1371 = arith.muli %add3A_1203, %mul3A_1370 : i32
      %add3A_1372 = arith.constant 1 : i32
      %add3A_1373 = arith.addi %mul3A_1371, %add3A_1372 : i32
      %swap3A_1374 = arith.index_cast %add3A_1373 : i32 to index
      %swap3A_1375 = arith.constant 80 : index
      %swap3A_1376 = tpu.vector_load %arg10[%swap3A_1374, %swap3A_1375] {strides = array<i32>} : memref<128x128xf32, #tpu.memory_space<vmem>>, vector<1x16xf32>,
      %swap3A_1377 = vector.shape_cast %swap3A_1376 : vector<1x16xf32> to vector<16xf32>
      %swap3A_1378 = vector.shape_cast %scan3A_1323#5 : vector<16xf32> to vector<1x16xf32>
      tpu.vector_store %arg10[%swap3A_1374, %swap3A_1375], %swap3A_1378 {strides = array<i32>} : memref<128x128xf32, #tpu.memory_space<vmem>>, vector<1x16xf32>,
      %mul3A_1379 = arith.constant 4 : i32
      %mul3A_1380 = arith.muli %add3A_1203, %mul3A_1379 : i32
      %add3A_1381 = arith.constant 1 : i32
      %add3A_1382 = arith.addi %mul3A_1380, %add3A_1381 : i32
      %swap3A_1383 = arith.index_cast %add3A_1382 : i32 to index
      %swap3A_1384 = arith.constant 96 : index
      %swap3A_1385 = tpu.vector_load %arg10[%swap3A_1383, %swap3A_1384] {strides = array<i32>} : memref<128x128xf32, #tpu.memory_space<vmem>>, vector<1x16xf32>,
      %swap3A_1386 = vector.shape_cast %swap3A_1385 : vector<1x16xf32> to vector<16xf32>
      %swap3A_1387 = vector.shape_cast %scan3A_1323#6 : vector<16xf32> to vector<1x16xf32>
      tpu.vector_store %arg10[%swap3A_1383, %swap3A_1384], %swap3A_1387 {strides = array<i32>} : memref<128x128xf32, #tpu.memory_space<vmem>>, vector<1x16xf32>,
      %mul3A_1388 = arith.constant 4 : i32
      %mul3A_1389 = arith.muli %add3A_1203, %mul3A_1388 : i32
      %add3A_1390 = arith.constant 1 : i32
      %add3A_1391 = arith.addi %mul3A_1389, %add3A_1390 : i32
      %swap3A_1392 = arith.index_cast %add3A_1391 : i32 to index
      %swap3A_1393 = arith.constant 112 : index
      %swap3A_1394 = tpu.vector_load %arg10[%swap3A_1392, %swap3A_1393] {strides = array<i32>} : memref<128x128xf32, #tpu.memory_space<vmem>>, vector<1x16xf32>,
      %swap3A_1395 = vector.shape_cast %swap3A_1394 : vector<1x16xf32> to vector<16xf32>
      %swap3A_1396 = vector.shape_cast %scan3A_1323#7 : vector<16xf32> to vector<1x16xf32>
      tpu.vector_store %arg10[%swap3A_1392, %swap3A_1393], %swap3A_1396 {strides = array<i32>} : memref<128x128xf32, #tpu.memory_space<vmem>>, vector<1x16xf32>,
      %broadcast_in_dim3A_1397 = arith.constant 0.000000e+00 : f32
      %broadcast_in_dim3A_1398 = vector.broadcast %broadcast_in_dim3A_1397 : f32 to vector<16xf32>
      %broadcast_in_dim3A_1399 = arith.constant 0.000000e+00 : f32
      %broadcast_in_dim3A_1400 = vector.broadcast %broadcast_in_dim3A_1399 : f32 to vector<16xf32>
      %broadcast_in_dim3A_1401 = arith.constant 0.000000e+00 : f32
      %broadcast_in_dim3A_1402 = vector.broadcast %broadcast_in_dim3A_1401 : f32 to vector<16xf32>
      %broadcast_in_dim3A_1403 = arith.constant 0.000000e+00 : f32
      %broadcast_in_dim3A_1404 = vector.broadcast %broadcast_in_dim3A_1403 : f32 to vector<16xf32>
      %broadcast_in_dim3A_1405 = arith.constant 0.000000e+00 : f32
      %broadcast_in_dim3A_1406 = vector.broadcast %broadcast_in_dim3A_1405 : f32 to vector<16xf32>
      %broadcast_in_dim3A_1407 = arith.constant 0.000000e+00 : f32
      %broadcast_in_dim3A_1408 = vector.broadcast %broadcast_in_dim3A_1407 : f32 to vector<16xf32>
      %broadcast_in_dim3A_1409 = arith.constant 0.000000e+00 : f32
      %broadcast_in_dim3A_1410 = vector.broadcast %broadcast_in_dim3A_1409 : f32 to vector<16xf32>
      %broadcast_in_dim3A_1411 = arith.constant 0.000000e+00 : f32
      %broadcast_in_dim3A_1412 = vector.broadcast %broadcast_in_dim3A_1411 : f32 to vector<16xf32>
      %scan3A_1413 = arith.constant 0 : i32
      %scan3A_1414 = arith.constant 50 : i32
      %scan3A_1415 = arith.addi %scan3A_1413, %scan3A_1414 : i32
      %scan3A_1416 = arith.constant 1 : i32
      %scan3A_1417:8 = scf.for %scan3A_1594 = %scan3A_1413 to %scan3A_1415 step %scan3A_1416 iter_args(%scan3A_1595 = %broadcast_in_dim3A_1398, %scan3A_1596 = %broadcast_in_dim3A_1400, %scan3A_1597 = %broadcast_in_dim3A_1402, %scan3A_1598 = %broadcast_in_dim3A_1404, %scan3A_1599 = %broadcast_in_dim3A_1406, %scan3A_1600 = %broadcast_in_dim3A_1408, %scan3A_1601 = %broadcast_in_dim3A_1410, %scan3A_1602 = %broadcast_in_dim3A_1412) -> (vector<16xf32>, vector<16xf32>, vector<16xf32>, vector<16xf32>, vector<16xf32>, vector<16xf32>, vector<16xf32>, vector<16xf32>)  : i32 {
        %add3A_1603 = arith.constant 100 : i32
        %add3A_1604 = arith.addi %add3A_1603, %scan3A_1594 : i32
        %get3A = arith.index_cast %add3A_1604 : i32 to index
        %get3A_1605 = arith.constant 0 : index
        %get3A_1606 = tpu.vector_load %arg9[%get3A, %get3A_1605] {strides = array<i32>} : memref<200x128xf32, #tpu.memory_space<vmem>>, vector<1x16xf32>,
        %get3A_1607 = vector.shape_cast %get3A_1606 : vector<1x16xf32> to vector<16xf32>
        %add3A_1608 = arith.addf %scan3A_1595, %get3A_1607 : vector<16xf32>
        %get3A_1609 = arith.index_cast %add3A_1604 : i32 to index
        %get3A_1610 = arith.constant 16 : index
        %get3A_1611 = tpu.vector_load %arg9[%get3A_1609, %get3A_1610] {strides = array<i32>} : memref<200x128xf32, #tpu.memory_space<vmem>>, vector<1x16xf32>,
        %get3A_1612 = vector.shape_cast %get3A_1611 : vector<1x16xf32> to vector<16xf32>
        %add3A_1613 = arith.addf %scan3A_1596, %get3A_1612 : vector<16xf32>
        %get3A_1614 = arith.index_cast %add3A_1604 : i32 to index
        %get3A_1615 = arith.constant 32 : index
        %get3A_1616 = tpu.vector_load %arg9[%get3A_1614, %get3A_1615] {strides = array<i32>} : memref<200x128xf32, #tpu.memory_space<vmem>>, vector<1x16xf32>,
        %get3A_1617 = vector.shape_cast %get3A_1616 : vector<1x16xf32> to vector<16xf32>
        %add3A_1618 = arith.addf %scan3A_1597, %get3A_1617 : vector<16xf32>
        %get3A_1619 = arith.index_cast %add3A_1604 : i32 to index
        %get3A_1620 = arith.constant 48 : index
        %get3A_1621 = tpu.vector_load %arg9[%get3A_1619, %get3A_1620] {strides = array<i32>} : memref<200x128xf32, #tpu.memory_space<vmem>>, vector<1x16xf32>,
        %get3A_1622 = vector.shape_cast %get3A_1621 : vector<1x16xf32> to vector<16xf32>
        %add3A_1623 = arith.addf %scan3A_1598, %get3A_1622 : vector<16xf32>
        %get3A_1624 = arith.index_cast %add3A_1604 : i32 to index
        %get3A_1625 = arith.constant 64 : index
        %get3A_1626 = tpu.vector_load %arg9[%get3A_1624, %get3A_1625] {strides = array<i32>} : memref<200x128xf32, #tpu.memory_space<vmem>>, vector<1x16xf32>,
        %get3A_1627 = vector.shape_cast %get3A_1626 : vector<1x16xf32> to vector<16xf32>
        %add3A_1628 = arith.addf %scan3A_1599, %get3A_1627 : vector<16xf32>
        %get3A_1629 = arith.index_cast %add3A_1604 : i32 to index
        %get3A_1630 = arith.constant 80 : index
        %get3A_1631 = tpu.vector_load %arg9[%get3A_1629, %get3A_1630] {strides = array<i32>} : memref<200x128xf32, #tpu.memory_space<vmem>>, vector<1x16xf32>,
        %get3A_1632 = vector.shape_cast %get3A_1631 : vector<1x16xf32> to vector<16xf32>
        %add3A_1633 = arith.addf %scan3A_1600, %get3A_1632 : vector<16xf32>
        %get3A_1634 = arith.index_cast %add3A_1604 : i32 to index
        %get3A_1635 = arith.constant 96 : index
        %get3A_1636 = tpu.vector_load %arg9[%get3A_1634, %get3A_1635] {strides = array<i32>} : memref<200x128xf32, #tpu.memory_space<vmem>>, vector<1x16xf32>,
        %get3A_1637 = vector.shape_cast %get3A_1636 : vector<1x16xf32> to vector<16xf32>
        %add3A_1638 = arith.addf %scan3A_1601, %get3A_1637 : vector<16xf32>
        %get3A_1639 = arith.index_cast %add3A_1604 : i32 to index
        %get3A_1640 = arith.constant 112 : index
        %get3A_1641 = tpu.vector_load %arg9[%get3A_1639, %get3A_1640] {strides = array<i32>} : memref<200x128xf32, #tpu.memory_space<vmem>>, vector<1x16xf32>,
        %get3A_1642 = vector.shape_cast %get3A_1641 : vector<1x16xf32> to vector<16xf32>
        %add3A_1643 = arith.addf %scan3A_1602, %get3A_1642 : vector<16xf32>
        scf.yield %add3A_1608, %add3A_1613, %add3A_1618, %add3A_1623, %add3A_1628, %add3A_1633, %add3A_1638, %add3A_1643 : vector<16xf32>, vector<16xf32>, vector<16xf32>, vector<16xf32>, vector<16xf32>, vector<16xf32>, vector<16xf32>, vector<16xf32>
      }
      %scan3A_1418 = arith.constant 50 : i32
      %mul3A_1419 = arith.constant 4 : i32
      %mul3A_1420 = arith.muli %add3A_1203, %mul3A_1419 : i32
      %add3A_1421 = arith.constant 2 : i32
      %add3A_1422 = arith.addi %mul3A_1420, %add3A_1421 : i32
      %swap3A_1423 = arith.index_cast %add3A_1422 : i32 to index
      %swap3A_1424 = arith.constant 0 : index
      %swap3A_1425 = tpu.vector_load %arg10[%swap3A_1423, %swap3A_1424] {strides = array<i32>} : memref<128x128xf32, #tpu.memory_space<vmem>>, vector<1x16xf32>,
      %swap3A_1426 = vector.shape_cast %swap3A_1425 : vector<1x16xf32> to vector<16xf32>
      %swap3A_1427 = vector.shape_cast %scan3A_1417#0 : vector<16xf32> to vector<1x16xf32>
      tpu.vector_store %arg10[%swap3A_1423, %swap3A_1424], %swap3A_1427 {strides = array<i32>} : memref<128x128xf32, #tpu.memory_space<vmem>>, vector<1x16xf32>,
      %mul3A_1428 = arith.constant 4 : i32
      %mul3A_1429 = arith.muli %add3A_1203, %mul3A_1428 : i32
      %add3A_1430 = arith.constant 2 : i32
      %add3A_1431 = arith.addi %mul3A_1429, %add3A_1430 : i32
      %swap3A_1432 = arith.index_cast %add3A_1431 : i32 to index
      %swap3A_1433 = arith.constant 16 : index
      %swap3A_1434 = tpu.vector_load %arg10[%swap3A_1432, %swap3A_1433] {strides = array<i32>} : memref<128x128xf32, #tpu.memory_space<vmem>>, vector<1x16xf32>,
      %swap3A_1435 = vector.shape_cast %swap3A_1434 : vector<1x16xf32> to vector<16xf32>
      %swap3A_1436 = vector.shape_cast %scan3A_1417#1 : vector<16xf32> to vector<1x16xf32>
      tpu.vector_store %arg10[%swap3A_1432, %swap3A_1433], %swap3A_1436 {strides = array<i32>} : memref<128x128xf32, #tpu.memory_space<vmem>>, vector<1x16xf32>,
      %mul3A_1437 = arith.constant 4 : i32
      %mul3A_1438 = arith.muli %add3A_1203, %mul3A_1437 : i32
      %add3A_1439 = arith.constant 2 : i32
      %add3A_1440 = arith.addi %mul3A_1438, %add3A_1439 : i32
      %swap3A_1441 = arith.index_cast %add3A_1440 : i32 to index
      %swap3A_1442 = arith.constant 32 : index
      %swap3A_1443 = tpu.vector_load %arg10[%swap3A_1441, %swap3A_1442] {strides = array<i32>} : memref<128x128xf32, #tpu.memory_space<vmem>>, vector<1x16xf32>,
      %swap3A_1444 = vector.shape_cast %swap3A_1443 : vector<1x16xf32> to vector<16xf32>
      %swap3A_1445 = vector.shape_cast %scan3A_1417#2 : vector<16xf32> to vector<1x16xf32>
      tpu.vector_store %arg10[%swap3A_1441, %swap3A_1442], %swap3A_1445 {strides = array<i32>} : memref<128x128xf32, #tpu.memory_space<vmem>>, vector<1x16xf32>,
      %mul3A_1446 = arith.constant 4 : i32
      %mul3A_1447 = arith.muli %add3A_1203, %mul3A_1446 : i32
      %add3A_1448 = arith.constant 2 : i32
      %add3A_1449 = arith.addi %mul3A_1447, %add3A_1448 : i32
      %swap3A_1450 = arith.index_cast %add3A_1449 : i32 to index
      %swap3A_1451 = arith.constant 48 : index
      %swap3A_1452 = tpu.vector_load %arg10[%swap3A_1450, %swap3A_1451] {strides = array<i32>} : memref<128x128xf32, #tpu.memory_space<vmem>>, vector<1x16xf32>,
      %swap3A_1453 = vector.shape_cast %swap3A_1452 : vector<1x16xf32> to vector<16xf32>
      %swap3A_1454 = vector.shape_cast %scan3A_1417#3 : vector<16xf32> to vector<1x16xf32>
      tpu.vector_store %arg10[%swap3A_1450, %swap3A_1451], %swap3A_1454 {strides = array<i32>} : memref<128x128xf32, #tpu.memory_space<vmem>>, vector<1x16xf32>,
      %mul3A_1455 = arith.constant 4 : i32
      %mul3A_1456 = arith.muli %add3A_1203, %mul3A_1455 : i32
      %add3A_1457 = arith.constant 2 : i32
      %add3A_1458 = arith.addi %mul3A_1456, %add3A_1457 : i32
      %swap3A_1459 = arith.index_cast %add3A_1458 : i32 to index
      %swap3A_1460 = arith.constant 64 : index
      %swap3A_1461 = tpu.vector_load %arg10[%swap3A_1459, %swap3A_1460] {strides = array<i32>} : memref<128x128xf32, #tpu.memory_space<vmem>>, vector<1x16xf32>,
      %swap3A_1462 = vector.shape_cast %swap3A_1461 : vector<1x16xf32> to vector<16xf32>
      %swap3A_1463 = vector.shape_cast %scan3A_1417#4 : vector<16xf32> to vector<1x16xf32>
      tpu.vector_store %arg10[%swap3A_1459, %swap3A_1460], %swap3A_1463 {strides = array<i32>} : memref<128x128xf32, #tpu.memory_space<vmem>>, vector<1x16xf32>,
      %mul3A_1464 = arith.constant 4 : i32
      %mul3A_1465 = arith.muli %add3A_1203, %mul3A_1464 : i32
      %add3A_1466 = arith.constant 2 : i32
      %add3A_1467 = arith.addi %mul3A_1465, %add3A_1466 : i32
      %swap3A_1468 = arith.index_cast %add3A_1467 : i32 to index
      %swap3A_1469 = arith.constant 80 : index
      %swap3A_1470 = tpu.vector_load %arg10[%swap3A_1468, %swap3A_1469] {strides = array<i32>} : memref<128x128xf32, #tpu.memory_space<vmem>>, vector<1x16xf32>,
      %swap3A_1471 = vector.shape_cast %swap3A_1470 : vector<1x16xf32> to vector<16xf32>
      %swap3A_1472 = vector.shape_cast %scan3A_1417#5 : vector<16xf32> to vector<1x16xf32>
      tpu.vector_store %arg10[%swap3A_1468, %swap3A_1469], %swap3A_1472 {strides = array<i32>} : memref<128x128xf32, #tpu.memory_space<vmem>>, vector<1x16xf32>,
      %mul3A_1473 = arith.constant 4 : i32
      %mul3A_1474 = arith.muli %add3A_1203, %mul3A_1473 : i32
      %add3A_1475 = arith.constant 2 : i32
      %add3A_1476 = arith.addi %mul3A_1474, %add3A_1475 : i32
      %swap3A_1477 = arith.index_cast %add3A_1476 : i32 to index
      %swap3A_1478 = arith.constant 96 : index
      %swap3A_1479 = tpu.vector_load %arg10[%swap3A_1477, %swap3A_1478] {strides = array<i32>} : memref<128x128xf32, #tpu.memory_space<vmem>>, vector<1x16xf32>,
      %swap3A_1480 = vector.shape_cast %swap3A_1479 : vector<1x16xf32> to vector<16xf32>
      %swap3A_1481 = vector.shape_cast %scan3A_1417#6 : vector<16xf32> to vector<1x16xf32>
      tpu.vector_store %arg10[%swap3A_1477, %swap3A_1478], %swap3A_1481 {strides = array<i32>} : memref<128x128xf32, #tpu.memory_space<vmem>>, vector<1x16xf32>,
      %mul3A_1482 = arith.constant 4 : i32
      %mul3A_1483 = arith.muli %add3A_1203, %mul3A_1482 : i32
      %add3A_1484 = arith.constant 2 : i32
      %add3A_1485 = arith.addi %mul3A_1483, %add3A_1484 : i32
      %swap3A_1486 = arith.index_cast %add3A_1485 : i32 to index
      %swap3A_1487 = arith.constant 112 : index
      %swap3A_1488 = tpu.vector_load %arg10[%swap3A_1486, %swap3A_1487] {strides = array<i32>} : memref<128x128xf32, #tpu.memory_space<vmem>>, vector<1x16xf32>,
      %swap3A_1489 = vector.shape_cast %swap3A_1488 : vector<1x16xf32> to vector<16xf32>
      %swap3A_1490 = vector.shape_cast %scan3A_1417#7 : vector<16xf32> to vector<1x16xf32>
      tpu.vector_store %arg10[%swap3A_1486, %swap3A_1487], %swap3A_1490 {strides = array<i32>} : memref<128x128xf32, #tpu.memory_space<vmem>>, vector<1x16xf32>,
      %broadcast_in_dim3A_1491 = arith.constant 0.000000e+00 : f32
      %broadcast_in_dim3A_1492 = vector.broadcast %broadcast_in_dim3A_1491 : f32 to vector<16xf32>
      %broadcast_in_dim3A_1493 = arith.constant 0.000000e+00 : f32
      %broadcast_in_dim3A_1494 = vector.broadcast %broadcast_in_dim3A_1493 : f32 to vector<16xf32>
      %broadcast_in_dim3A_1495 = arith.constant 0.000000e+00 : f32
      %broadcast_in_dim3A_1496 = vector.broadcast %broadcast_in_dim3A_1495 : f32 to vector<16xf32>
      %broadcast_in_dim3A_1497 = arith.constant 0.000000e+00 : f32
      %broadcast_in_dim3A_1498 = vector.broadcast %broadcast_in_dim3A_1497 : f32 to vector<16xf32>
      %broadcast_in_dim3A_1499 = arith.constant 0.000000e+00 : f32
      %broadcast_in_dim3A_1500 = vector.broadcast %broadcast_in_dim3A_1499 : f32 to vector<16xf32>
      %broadcast_in_dim3A_1501 = arith.constant 0.000000e+00 : f32
      %broadcast_in_dim3A_1502 = vector.broadcast %broadcast_in_dim3A_1501 : f32 to vector<16xf32>
      %broadcast_in_dim3A_1503 = arith.constant 0.000000e+00 : f32
      %broadcast_in_dim3A_1504 = vector.broadcast %broadcast_in_dim3A_1503 : f32 to vector<16xf32>
      %broadcast_in_dim3A_1505 = arith.constant 0.000000e+00 : f32
      %broadcast_in_dim3A_1506 = vector.broadcast %broadcast_in_dim3A_1505 : f32 to vector<16xf32>
      %scan3A_1507 = arith.constant 0 : i32
      %scan3A_1508 = arith.constant 50 : i32
      %scan3A_1509 = arith.addi %scan3A_1507, %scan3A_1508 : i32
      %scan3A_1510 = arith.constant 1 : i32
      %scan3A_1511:8 = scf.for %scan3A_1594 = %scan3A_1507 to %scan3A_1509 step %scan3A_1510 iter_args(%scan3A_1595 = %broadcast_in_dim3A_1492, %scan3A_1596 = %broadcast_in_dim3A_1494, %scan3A_1597 = %broadcast_in_dim3A_1496, %scan3A_1598 = %broadcast_in_dim3A_1498, %scan3A_1599 = %broadcast_in_dim3A_1500, %scan3A_1600 = %broadcast_in_dim3A_1502, %scan3A_1601 = %broadcast_in_dim3A_1504, %scan3A_1602 = %broadcast_in_dim3A_1506) -> (vector<16xf32>, vector<16xf32>, vector<16xf32>, vector<16xf32>, vector<16xf32>, vector<16xf32>, vector<16xf32>, vector<16xf32>)  : i32 {
        %add3A_1603 = arith.constant 150 : i32
        %add3A_1604 = arith.addi %add3A_1603, %scan3A_1594 : i32
        %get3A = arith.index_cast %add3A_1604 : i32 to index
        %get3A_1605 = arith.constant 0 : index
        %get3A_1606 = tpu.vector_load %arg9[%get3A, %get3A_1605] {strides = array<i32>} : memref<200x128xf32, #tpu.memory_space<vmem>>, vector<1x16xf32>,
        %get3A_1607 = vector.shape_cast %get3A_1606 : vector<1x16xf32> to vector<16xf32>
        %add3A_1608 = arith.addf %scan3A_1595, %get3A_1607 : vector<16xf32>
        %get3A_1609 = arith.index_cast %add3A_1604 : i32 to index
        %get3A_1610 = arith.constant 16 : index
        %get3A_1611 = tpu.vector_load %arg9[%get3A_1609, %get3A_1610] {strides = array<i32>} : memref<200x128xf32, #tpu.memory_space<vmem>>, vector<1x16xf32>,
        %get3A_1612 = vector.shape_cast %get3A_1611 : vector<1x16xf32> to vector<16xf32>
        %add3A_1613 = arith.addf %scan3A_1596, %get3A_1612 : vector<16xf32>
        %get3A_1614 = arith.index_cast %add3A_1604 : i32 to index
        %get3A_1615 = arith.constant 32 : index
        %get3A_1616 = tpu.vector_load %arg9[%get3A_1614, %get3A_1615] {strides = array<i32>} : memref<200x128xf32, #tpu.memory_space<vmem>>, vector<1x16xf32>,
        %get3A_1617 = vector.shape_cast %get3A_1616 : vector<1x16xf32> to vector<16xf32>
        %add3A_1618 = arith.addf %scan3A_1597, %get3A_1617 : vector<16xf32>
        %get3A_1619 = arith.index_cast %add3A_1604 : i32 to index
        %get3A_1620 = arith.constant 48 : index
        %get3A_1621 = tpu.vector_load %arg9[%get3A_1619, %get3A_1620] {strides = array<i32>} : memref<200x128xf32, #tpu.memory_space<vmem>>, vector<1x16xf32>,
        %get3A_1622 = vector.shape_cast %get3A_1621 : vector<1x16xf32> to vector<16xf32>
        %add3A_1623 = arith.addf %scan3A_1598, %get3A_1622 : vector<16xf32>
        %get3A_1624 = arith.index_cast %add3A_1604 : i32 to index
        %get3A_1625 = arith.constant 64 : index
        %get3A_1626 = tpu.vector_load %arg9[%get3A_1624, %get3A_1625] {strides = array<i32>} : memref<200x128xf32, #tpu.memory_space<vmem>>, vector<1x16xf32>,
        %get3A_1627 = vector.shape_cast %get3A_1626 : vector<1x16xf32> to vector<16xf32>
        %add3A_1628 = arith.addf %scan3A_1599, %get3A_1627 : vector<16xf32>
        %get3A_1629 = arith.index_cast %add3A_1604 : i32 to index
        %get3A_1630 = arith.constant 80 : index
        %get3A_1631 = tpu.vector_load %arg9[%get3A_1629, %get3A_1630] {strides = array<i32>} : memref<200x128xf32, #tpu.memory_space<vmem>>, vector<1x16xf32>,
        %get3A_1632 = vector.shape_cast %get3A_1631 : vector<1x16xf32> to vector<16xf32>
        %add3A_1633 = arith.addf %scan3A_1600, %get3A_1632 : vector<16xf32>
        %get3A_1634 = arith.index_cast %add3A_1604 : i32 to index
        %get3A_1635 = arith.constant 96 : index
        %get3A_1636 = tpu.vector_load %arg9[%get3A_1634, %get3A_1635] {strides = array<i32>} : memref<200x128xf32, #tpu.memory_space<vmem>>, vector<1x16xf32>,
        %get3A_1637 = vector.shape_cast %get3A_1636 : vector<1x16xf32> to vector<16xf32>
        %add3A_1638 = arith.addf %scan3A_1601, %get3A_1637 : vector<16xf32>
        %get3A_1639 = arith.index_cast %add3A_1604 : i32 to index
        %get3A_1640 = arith.constant 112 : index
        %get3A_1641 = tpu.vector_load %arg9[%get3A_1639, %get3A_1640] {strides = array<i32>} : memref<200x128xf32, #tpu.memory_space<vmem>>, vector<1x16xf32>,
        %get3A_1642 = vector.shape_cast %get3A_1641 : vector<1x16xf32> to vector<16xf32>
        %add3A_1643 = arith.addf %scan3A_1602, %get3A_1642 : vector<16xf32>
        scf.yield %add3A_1608, %add3A_1613, %add3A_1618, %add3A_1623, %add3A_1628, %add3A_1633, %add3A_1638, %add3A_1643 : vector<16xf32>, vector<16xf32>, vector<16xf32>, vector<16xf32>, vector<16xf32>, vector<16xf32>, vector<16xf32>, vector<16xf32>
      }
      %scan3A_1512 = arith.constant 50 : i32
      %mul3A_1513 = arith.constant 4 : i32
      %mul3A_1514 = arith.muli %add3A_1203, %mul3A_1513 : i32
      %add3A_1515 = arith.constant 3 : i32
      %add3A_1516 = arith.addi %mul3A_1514, %add3A_1515 : i32
      %swap3A_1517 = arith.index_cast %add3A_1516 : i32 to index
      %swap3A_1518 = arith.constant 0 : index
      %swap3A_1519 = tpu.vector_load %arg10[%swap3A_1517, %swap3A_1518] {strides = array<i32>} : memref<128x128xf32, #tpu.memory_space<vmem>>, vector<1x16xf32>,
      %swap3A_1520 = vector.shape_cast %swap3A_1519 : vector<1x16xf32> to vector<16xf32>
      %swap3A_1521 = vector.shape_cast %scan3A_1511#0 : vector<16xf32> to vector<1x16xf32>
      tpu.vector_store %arg10[%swap3A_1517, %swap3A_1518], %swap3A_1521 {strides = array<i32>} : memref<128x128xf32, #tpu.memory_space<vmem>>, vector<1x16xf32>,
      %mul3A_1522 = arith.constant 4 : i32
      %mul3A_1523 = arith.muli %add3A_1203, %mul3A_1522 : i32
      %add3A_1524 = arith.constant 3 : i32
      %add3A_1525 = arith.addi %mul3A_1523, %add3A_1524 : i32
      %swap3A_1526 = arith.index_cast %add3A_1525 : i32 to index
      %swap3A_1527 = arith.constant 16 : index
      %swap3A_1528 = tpu.vector_load %arg10[%swap3A_1526, %swap3A_1527] {strides = array<i32>} : memref<128x128xf32, #tpu.memory_space<vmem>>, vector<1x16xf32>,
      %swap3A_1529 = vector.shape_cast %swap3A_1528 : vector<1x16xf32> to vector<16xf32>
      %swap3A_1530 = vector.shape_cast %scan3A_1511#1 : vector<16xf32> to vector<1x16xf32>
      tpu.vector_store %arg10[%swap3A_1526, %swap3A_1527], %swap3A_1530 {strides = array<i32>} : memref<128x128xf32, #tpu.memory_space<vmem>>, vector<1x16xf32>,
      %mul3A_1531 = arith.constant 4 : i32
      %mul3A_1532 = arith.muli %add3A_1203, %mul3A_1531 : i32
      %add3A_1533 = arith.constant 3 : i32
      %add3A_1534 = arith.addi %mul3A_1532, %add3A_1533 : i32
      %swap3A_1535 = arith.index_cast %add3A_1534 : i32 to index
      %swap3A_1536 = arith.constant 32 : index
      %swap3A_1537 = tpu.vector_load %arg10[%swap3A_1535, %swap3A_1536] {strides = array<i32>} : memref<128x128xf32, #tpu.memory_space<vmem>>, vector<1x16xf32>,
      %swap3A_1538 = vector.shape_cast %swap3A_1537 : vector<1x16xf32> to vector<16xf32>
      %swap3A_1539 = vector.shape_cast %scan3A_1511#2 : vector<16xf32> to vector<1x16xf32>
      tpu.vector_store %arg10[%swap3A_1535, %swap3A_1536], %swap3A_1539 {strides = array<i32>} : memref<128x128xf32, #tpu.memory_space<vmem>>, vector<1x16xf32>,
      %mul3A_1540 = arith.constant 4 : i32
      %mul3A_1541 = arith.muli %add3A_1203, %mul3A_1540 : i32
      %add3A_1542 = arith.constant 3 : i32
      %add3A_1543 = arith.addi %mul3A_1541, %add3A_1542 : i32
      %swap3A_1544 = arith.index_cast %add3A_1543 : i32 to index
      %swap3A_1545 = arith.constant 48 : index
      %swap3A_1546 = tpu.vector_load %arg10[%swap3A_1544, %swap3A_1545] {strides = array<i32>} : memref<128x128xf32, #tpu.memory_space<vmem>>, vector<1x16xf32>,
      %swap3A_1547 = vector.shape_cast %swap3A_1546 : vector<1x16xf32> to vector<16xf32>
      %swap3A_1548 = vector.shape_cast %scan3A_1511#3 : vector<16xf32> to vector<1x16xf32>
      tpu.vector_store %arg10[%swap3A_1544, %swap3A_1545], %swap3A_1548 {strides = array<i32>} : memref<128x128xf32, #tpu.memory_space<vmem>>, vector<1x16xf32>,
      %mul3A_1549 = arith.constant 4 : i32
      %mul3A_1550 = arith.muli %add3A_1203, %mul3A_1549 : i32
      %add3A_1551 = arith.constant 3 : i32
      %add3A_1552 = arith.addi %mul3A_1550, %add3A_1551 : i32
      %swap3A_1553 = arith.index_cast %add3A_1552 : i32 to index
      %swap3A_1554 = arith.constant 64 : index
      %swap3A_1555 = tpu.vector_load %arg10[%swap3A_1553, %swap3A_1554] {strides = array<i32>} : memref<128x128xf32, #tpu.memory_space<vmem>>, vector<1x16xf32>,
      %swap3A_1556 = vector.shape_cast %swap3A_1555 : vector<1x16xf32> to vector<16xf32>
      %swap3A_1557 = vector.shape_cast %scan3A_1511#4 : vector<16xf32> to vector<1x16xf32>
      tpu.vector_store %arg10[%swap3A_1553, %swap3A_1554], %swap3A_1557 {strides = array<i32>} : memref<128x128xf32, #tpu.memory_space<vmem>>, vector<1x16xf32>,
      %mul3A_1558 = arith.constant 4 : i32
      %mul3A_1559 = arith.muli %add3A_1203, %mul3A_1558 : i32
      %add3A_1560 = arith.constant 3 : i32
      %add3A_1561 = arith.addi %mul3A_1559, %add3A_1560 : i32
      %swap3A_1562 = arith.index_cast %add3A_1561 : i32 to index
      %swap3A_1563 = arith.constant 80 : index
      %swap3A_1564 = tpu.vector_load %arg10[%swap3A_1562, %swap3A_1563] {strides = array<i32>} : memref<128x128xf32, #tpu.memory_space<vmem>>, vector<1x16xf32>,
      %swap3A_1565 = vector.shape_cast %swap3A_1564 : vector<1x16xf32> to vector<16xf32>
      %swap3A_1566 = vector.shape_cast %scan3A_1511#5 : vector<16xf32> to vector<1x16xf32>
      tpu.vector_store %arg10[%swap3A_1562, %swap3A_1563], %swap3A_1566 {strides = array<i32>} : memref<128x128xf32, #tpu.memory_space<vmem>>, vector<1x16xf32>,
      %mul3A_1567 = arith.constant 4 : i32
      %mul3A_1568 = arith.muli %add3A_1203, %mul3A_1567 : i32
      %add3A_1569 = arith.constant 3 : i32
      %add3A_1570 = arith.addi %mul3A_1568, %add3A_1569 : i32
      %swap3A_1571 = arith.index_cast %add3A_1570 : i32 to index
      %swap3A_1572 = arith.constant 96 : index
      %swap3A_1573 = tpu.vector_load %arg10[%swap3A_1571, %swap3A_1572] {strides = array<i32>} : memref<128x128xf32, #tpu.memory_space<vmem>>, vector<1x16xf32>,
      %swap3A_1574 = vector.shape_cast %swap3A_1573 : vector<1x16xf32> to vector<16xf32>
      %swap3A_1575 = vector.shape_cast %scan3A_1511#6 : vector<16xf32> to vector<1x16xf32>
      tpu.vector_store %arg10[%swap3A_1571, %swap3A_1572], %swap3A_1575 {strides = array<i32>} : memref<128x128xf32, #tpu.memory_space<vmem>>, vector<1x16xf32>,
      %mul3A_1576 = arith.constant 4 : i32
      %mul3A_1577 = arith.muli %add3A_1203, %mul3A_1576 : i32
      %add3A_1578 = arith.constant 3 : i32
      %add3A_1579 = arith.addi %mul3A_1577, %add3A_1578 : i32
      %swap3A_1580 = arith.index_cast %add3A_1579 : i32 to index
      %swap3A_1581 = arith.constant 112 : index
      %swap3A_1582 = tpu.vector_load %arg10[%swap3A_1580, %swap3A_1581] {strides = array<i32>} : memref<128x128xf32, #tpu.memory_space<vmem>>, vector<1x16xf32>,
      %swap3A_1583 = vector.shape_cast %swap3A_1582 : vector<1x16xf32> to vector<16xf32>
      %swap3A_1584 = vector.shape_cast %scan3A_1511#7 : vector<16xf32> to vector<1x16xf32>
      tpu.vector_store %arg10[%swap3A_1580, %swap3A_1581], %swap3A_1584 {strides = array<i32>} : memref<128x128xf32, #tpu.memory_space<vmem>>, vector<1x16xf32>,
      %add3A_1585 = arith.constant 4 : i32
      %add3A_1586 = arith.addi %add3A_1203, %add3A_1585 : i32
      %sub3A_1587 = arith.constant 1 : i32
      %sub3A_1588 = arith.subi %add3A_1586, %sub3A_1587 : i32
      %lt3A_1589 = arith.constant 32 : i32
      %lt3A_1590 = arith.cmpi slt, %sub3A_1588, %lt3A_1589 : i32
      %convert_element_type3A_1591 = arith.extui %lt3A_1590 : i1 to i32
      %cond3A_1592 = arith.constant 0 : i32
      %cond3A_1593 = arith.cmpi ne, %convert_element_type3A_1591, %cond3A_1592 : i32
      scf.if %cond3A_1593 {
        %add3A_1594 = arith.constant 4 : i32
        %add3A_1595 = arith.addi %add3A_1203, %add3A_1594 : i32
        %sub3A_1596 = arith.constant 1 : i32
        %sub3A_1597 = arith.subi %add3A_1595, %sub3A_1596 : i32
        %mul3A_1598 = arith.constant 200 : i32
        %mul3A_1599 = arith.muli %sub3A_1597, %mul3A_1598 : i32
        %dma_start3A_1600 = tpu.memref_slice %arg5[%mul3A_1599] : memref<6400xi32, #tpu.memory_space<vmem>> -> memref<200xi32, #tpu.memory_space<vmem>>
        %dma_start3A_1601 = arith.constant 0 : i32
        %dma_start3A_1602 = arith.constant 0 : i32
        %dma_start3A_1603 = tpu.memref_slice %arg2[%dma_start3A_1601, %dma_start3A_1602] : memref<100000x128xf32, #tpu.memory_space<hbm>> -> memref<100000x128xf32, #tpu.memory_space<hbm>>
        tpu.enqueue_indirect_dma source(%dma_start3A_1603 : memref<100000x128xf32, #tpu.memory_space<hbm>>) target(%arg8 : memref<200x128xf32, #tpu.memory_space<vmem>>) offsets(%dma_start3A_1600 : memref<200xi32, #tpu.memory_space<vmem>>) semaphore(%arg13 : memref<!tpu.dma_semaphore, #tpu.memory_space<semaphore_mem>>)
      } else {
      }
    }
    %scan3A_23 = arith.constant 8 : i32
    "tpu.region"() ({
      %run_scoped3A = tpu.sem_alloc : memref<!tpu.dma_semaphore, #tpu.memory_space<semaphore_mem>>
      %dma_start3A_24 = arith.constant 0 : i32
      %dma_start3A_25 = tpu.memref_slice %arg4[%mul3A_2, %dma_start3A_24] : memref<4096x128xf32, #tpu.memory_space<hbm>> -> memref<128x128xf32, #tpu.memory_space<hbm>>
      %dma_start3A_26 = arith.constant 0 : i32
      %dma_start3A_27 = tpu.memref_slice %arg4[%mul3A_2, %dma_start3A_26] : memref<4096x128xf32, #tpu.memory_space<hbm>> -> memref<128x128xf32, #tpu.memory_space<hbm>>
      tpu.enqueue_dma source(%arg10 : memref<128x128xf32, #tpu.memory_space<vmem>>) target(%dma_start3A_27 : memref<128x128xf32, #tpu.memory_space<hbm>>) target_semaphore(%run_scoped3A : memref<!tpu.dma_semaphore, #tpu.memory_space<semaphore_mem>>)
      %dma_wait3A = arith.constant 0 : i32
      %dma_wait3A_28 = tpu.memref_slice %arg4[%mul3A_2, %dma_wait3A] : memref<4096x128xf32, #tpu.memory_space<hbm>> -> memref<128x128xf32, #tpu.memory_space<hbm>>
      %dma_wait3A_29 = arith.constant 0 : i32
      %dma_wait3A_30 = tpu.memref_slice %arg4[%mul3A_2, %dma_wait3A_29] : memref<4096x128xf32, #tpu.memory_space<hbm>> -> memref<128x128xf32, #tpu.memory_space<hbm>>
      tpu.wait_dma2 semaphore(%run_scoped3A : memref<!tpu.dma_semaphore, #tpu.memory_space<semaphore_mem>>) src(%arg10 : memref<128x128xf32, #tpu.memory_space<vmem>>) dst(%dma_wait3A_30 : memref<128x128xf32, #tpu.memory_space<hbm>>)
      tpu.yield
    }) : () -> ()
    return
  }
}

module attributes {stable_mosaic.version = 14 : i64} {
  func.func @_mlp_body(%arg0: i32, %arg1: memref<512x128xf32, #tpu.memory_space<vmem>>, %arg2: memref<128x512xf32, #tpu.memory_space<vmem>>, %arg3: memref<512xf32, #tpu.memory_space<vmem>>, %arg4: memref<512x1xf32, #tpu.memory_space<vmem>>, %arg5: memref<1xf32, #tpu.memory_space<vmem>>, %arg6: memref<512x1xf32, #tpu.memory_space<vmem>>) attributes {dimension_semantics = [#tpu.dimension_semantics<arbitrary>], iteration_bounds = array<i64: 8>, scalar_prefetch = 0 : i64, scratch_operands = 0 : i64, tpu.core_type = #tpu.core_type<tc>, window_params = [{transform_indices = @transform_0, window_bounds = array<i64: 512, 128>}, {pipeline_mode = #tpu.pipeline_mode<synchronous>, transform_indices = @transform_1, window_bounds = array<i64: 128, 512>}, {pipeline_mode = #tpu.pipeline_mode<synchronous>, transform_indices = @transform_2, window_bounds = array<i64: 512>}, {pipeline_mode = #tpu.pipeline_mode<synchronous>, transform_indices = @transform_3, window_bounds = array<i64: 512, 1>}, {pipeline_mode = #tpu.pipeline_mode<synchronous>, transform_indices = @transform_4, window_bounds = array<i64: 1>}, {transform_indices = @transform_5, window_bounds = array<i64: 512, 1>}]} {
    %get3A = arith.constant 0 : index
    %get3A_0 = arith.constant 0 : index
    %get3A_1 = vector.load %arg1[%get3A, %get3A_0] : memref<512x128xf32, #tpu.memory_space<vmem>>, vector<512x128xf32>
    %mul3A = arith.constant 2.000000e-02 : f32
    %mul3A_2 = vector.broadcast %mul3A : f32 to vector<512x128xf32>
    %mul3A_3 = arith.mulf %get3A_1, %mul3A_2 : vector<512x128xf32>
    %get3A_4 = arith.constant 0 : index
    %get3A_5 = arith.constant 0 : index
    %get3A_6 = vector.load %arg2[%get3A_4, %get3A_5] : memref<128x512xf32, #tpu.memory_space<vmem>>, vector<128x512xf32>
    %dot_general3A = arith.constant dense<0.000000e+00> : vector<512x512xf32>
    %dot_general3A_7 = tpu.matmul %mul3A_3, %get3A_6, %dot_general3A {dimension_numbers = #tpu.dot_dimension_numbers<[1], [0], [0], [1], [0, 0, 1, 1], [], []>, transpose_lhs_hint = false} : vector<512x128xf32>, vector<128x512xf32>, vector<512x512xf32> -> vector<512x512xf32>
    %get3A_8 = arith.constant 0 : index
    %get3A_9 = vector.load %arg3[%get3A_8] : memref<512xf32, #tpu.memory_space<vmem>>, vector<512xf32>
    %broadcast_in_dim3A = vector.shape_cast %get3A_9 : vector<512xf32> to vector<1x512xf32>
    %add3A = vector.broadcast %broadcast_in_dim3A : vector<1x512xf32> to vector<512x512xf32>
    %add3A_10 = arith.addf %dot_general3A_7, %add3A : vector<512x512xf32>
    %max3A = arith.constant 0.000000e+00 : f32
    %max3A_11 = vector.broadcast %max3A : f32 to vector<512x512xf32>
    %max3A_12 = arith.maximumf %add3A_10, %max3A_11 : vector<512x512xf32>
    %get3A_13 = arith.constant 0 : index
    %get3A_14 = arith.constant 0 : index
    %get3A_15 = vector.load %arg4[%get3A_13, %get3A_14] : memref<512x1xf32, #tpu.memory_space<vmem>>, vector<512x1xf32>
    %dot_general3A_16 = arith.constant dense<0.000000e+00> : vector<512x1xf32>
    %dot_general3A_17 = tpu.matmul %max3A_12, %get3A_15, %dot_general3A_16 {dimension_numbers = #tpu.dot_dimension_numbers<[1], [0], [0], [1], [0, 0, 1, 1], [], []>, transpose_lhs_hint = false} : vector<512x512xf32>, vector<512x1xf32>, vector<512x1xf32> -> vector<512x1xf32>
    %get3A_18 = arith.constant 0 : index
    %get3A_19 = vector.load %arg5[%get3A_18] : memref<1xf32, #tpu.memory_space<vmem>>, vector<1xf32>
    %broadcast_in_dim3A_20 = vector.shape_cast %get3A_19 : vector<1xf32> to vector<1x1xf32>
    %add3A_21 = vector.broadcast %broadcast_in_dim3A_20 : vector<1x1xf32> to vector<512x1xf32>
    %add3A_22 = arith.addf %dot_general3A_17, %add3A_21 : vector<512x1xf32>
    %neg3A = arith.constant 0.000000e+00 : f32
    %neg3A_23 = vector.broadcast %neg3A : f32 to vector<512x1xf32>
    %neg3A_24 = arith.subf %neg3A_23, %add3A_22 : vector<512x1xf32>
    %exp3A = math.exp %neg3A_24 : vector<512x1xf32>
    %add3A_25 = arith.constant 1.000000e+00 : f32
    %add3A_26 = vector.broadcast %add3A_25 : f32 to vector<512x1xf32>
    %add3A_27 = arith.addf %add3A_26, %exp3A : vector<512x1xf32>
    %div3A = arith.constant 1.000000e+00 : f32
    %div3A_28 = vector.broadcast %div3A : f32 to vector<512x1xf32>
    %div3A_29 = arith.divf %div3A_28, %add3A_27 : vector<512x1xf32>
    %swap3A = arith.constant 0 : index
    %swap3A_30 = arith.constant 0 : index
    %swap3A_31 = vector.load %arg6[%swap3A, %swap3A_30] : memref<512x1xf32, #tpu.memory_space<vmem>>, vector<512x1xf32>
    tpu.vector_store %arg6[%swap3A, %swap3A_30], %div3A_29 {strides = array<i32>} : memref<512x1xf32, #tpu.memory_space<vmem>>, vector<512x1xf32>,
    return
  }
  func.func @transform_0(%arg0: i32) -> (i32, i32) {
    %c0_i32 = arith.constant 0 : i32
    %c0_i32_0 = arith.constant 0 : i32
    return %arg0, %c0_i32 : i32, i32
  }
  func.func @transform_1(%arg0: i32) -> (i32, i32) {
    %c0_i32 = arith.constant 0 : i32
    %c0_i32_0 = arith.constant 0 : i32
    %c0_i32_1 = arith.constant 0 : i32
    return %c0_i32, %c0_i32_0 : i32, i32
  }
  func.func @transform_2(%arg0: i32) -> i32 {
    %c0_i32 = arith.constant 0 : i32
    %c0_i32_0 = arith.constant 0 : i32
    return %c0_i32 : i32
  }
  func.func @transform_3(%arg0: i32) -> (i32, i32) {
    %c0_i32 = arith.constant 0 : i32
    %c0_i32_0 = arith.constant 0 : i32
    %c0_i32_1 = arith.constant 0 : i32
    return %c0_i32, %c0_i32_0 : i32, i32
  }
  func.func @transform_4(%arg0: i32) -> i32 {
    %c0_i32 = arith.constant 0 : i32
    %c0_i32_0 = arith.constant 0 : i32
    return %c0_i32 : i32
  }
  func.func @transform_5(%arg0: i32) -> (i32, i32) {
    %c0_i32 = arith.constant 0 : i32
    %c0_i32_0 = arith.constant 0 : i32
    return %arg0, %c0_i32 : i32, i32
  }
}

</mosaic_0001>

<sc_bundles>
// kernel: kernel.4.cloned.1.call-start
scs
__scs_entry_jumppad:
0x0: {  	(pc) =	sbr.rel $0x88, $3  }
0x1: {  	(tag) =	ssettag $0x0;
	lr =	simm.s32 $0x1  }
0x2: {  	[smem:$0x3F9B] =	sst lr;
	_ =	strace $0xD0000000  }
0x3: {  	_ = 	snop  }
0x4: {  	_ = 	snop  }
0x5: {  	_ = 	snop  }
0x6: {  	_ = 	snop  }
0x7: {  	_ = 	snop  }
__scs_overlays_trampoline_lowered:
0x8: {  	[smem:$0x3FAA] =	sst s0  }
0x9: {  	[smem:$0x3FAB] =	sst s1  }
0xa: {  	[smem:$0x3FAC] =	sst s2  }
0xb: {  	[smem:$0x3FAD] =	sst s3  }
0xc: {  	[smem:$0x3FAE] =	sst s4  }
0xd: {  	[smem:$0x3FAF] =	sst s5  }
0xe: {  	[smem:$0x3FB0] =	sst s6  }
0xf: {  	[smem:$0x3FB1] =	sst s7  }
0x10: {  	[smem:$0x3FB2] =	sst s8  }
0x11: {  	[smem:$0x3FB3] =	sst s9;
	s0 =	simm.s32 @!p0 $0x0  }
0x12: {  	s1 =	sld [smem:$0x3F99];
	s0 =	simm.s32 @p0 $0x1  }
0x13: {  	[smem:$0x3FB4] =	sst s0;
	s0 =	simm.s32 @!p1 $0x0  }
0x14: {  	s2 =	sld [smem:$0x3F98];
	s0 =	simm.s32 @p1 $0x1  }
0x15: {  	[smem:$0x3FB5] =	sst s0;
	s0 =	simm.s32 @!p2 $0x0  }
0x16: {  	s3 =	sld [smem:$0x3FDB];
	s0 =	simm.s32 @p2 $0x1  }
0x17: {  	s4 =	simm.s32 $0x1BF5;
	[smem:$0x3FB7] =	sst s0  }
0x18: {  	s0 =	sld [smem:$0x3F9A];
	_ =	swait.ge [sflag:s4], $0x0  }
0x19: {  	s7 =	sld [smem:$0x3F9B]  }
0x1a: {  	s8 =	sadd.s32 $0xFFFFE003, lr  }
0x1b: {  	s9 =	sadd.s32 $0xFFFFFEF7, lr;
	s5 =	simm.s32 $0xFFFFFFFF;
	p2 =	slt.u32 s8, $0xFFFFF086  }
0x1c: {  	p1 =	slt.u32 s9, $0xF7A;
	s5 =	simm.s32 @!p2 $0x0  }
0x1d: {  	s5 =	simm.s32 @p1 $0x1;
	p0 =	seq.s32 s7, s2  }
0x1e: {  	s7 =	smul.u32 @!p0 $0xF7A, s2;
	p2 =	seq.s32 @!p0 s5, $0x0  }
0x1f: {  	s9 =	smul.u32 $0xF7A, s1;
	s8 =	simm.s32 @!p0 $0x1BF5;
	p2 =	por !p2, p0  }
0x20: {  	[sflag:s8] =	ssyncset.s32 @!p0 $0xFFFFF086;
	s6 =	sadd.s32 @!p0 s3, s7;
	s7 =	simm.s32 @!p0 $0x108  }
0x21: {  	s3 =	sadd.s32 s3, s9;
	s6 =	sadd.s32 @!p0 $0x88, s6;
	s7 =	simm.s32 @p2 $0x1082  }
0x22: {  	[simem:s7], [sflag:s8] =	dma.local @!p0 [hbm:s6], $0xF7A  }
0x23: {  	s9 =	sor.u32 $0xD0000000, s2;
	s6 =	simm.s32 $0x108;
	_ =	swait.ge @!p0 [sflag:s8], $0x0  }
0x24: {  	s3 =	sadd.s32 $0x88, s3;
	s6 =	simm.s32 @!p1 $0x1082;
	[sflag:s4] =	ssyncset.s32 $0xFFFFF086  }
0x25: {  	[simem:s6], [sflag:s4] =	dma.local [hbm:s3], $0xF7A  }
0x26: {  	[smem:$0x3F9B] =	sst s1;
	(tag) =	ssettag s2;
	_ =	strace s9  }
0x27: {  	s1 =	sld [smem:$0x3FAB]  }
0x28: {  	s2 =	sld [smem:$0x3FAC]  }
0x29: {  	s4 =	sld [smem:$0x3FAE]  }
0x2a: {  	p0 =	seq.s32 s5, $0x0;
	s5 =	sld [smem:$0x3FAF]  }
0x2b: {  	s6 =	sld [smem:$0x3FB0]  }
0x2c: {  	s7 =	sld [smem:$0x3FB1]  }
0x2d: {  	s3 =	simm.s32 $0x108;
	s8 =	sld [smem:$0x3FB2]  }
0x2e: {  	s3 =	simm.s32 @!p0 $0x1082;
	s9 =	sld [smem:$0x3FB3]  }
0x2f: {  	lr =	sadd.s32 s0, s3;
	s0 =	sld [smem:$0x3FAA]  }
0x30: {  	s3 =	sld [smem:$0x3FAD]  }
0x31: {  	[smem:$0x3FB6] =	sst s10  }
0x32: {  	s10 =	sld [smem:$0x3FB4];
	_ =	sdelay $0x3  }
0x33: {  	p0 =	seq.s32 s10, $0x1;
	s10 =	sld [smem:$0x3FB6];
	_ =	sdelay $0x3  }
0x34: {  	[smem:$0x3FB6] =	sst s10  }
0x35: {  	s10 =	sld [smem:$0x3FB5];
	_ =	sdelay $0x3  }
0x36: {  	p1 =	seq.s32 s10, $0x1;
	s10 =	sld [smem:$0x3FB6];
	_ =	sdelay $0x3  }
0x37: {  	[smem:$0x3FB6] =	sst s10  }
0x38: {  	s10 =	sld [smem:$0x3FB7]  }
0x39: {  	_ = 	snop;
	(pc) =	sbr.ind lr, $3  }
0x3a: {  	_ = 	snop  }
0x3b: {  	_ = 	snop  }
0x3c: {  	p2 =	seq.s32 s10, $0x1;
	s10 =	sld [smem:$0x3FB6]  }
0x3d: {  	_ =	shalt  }
0x3e: {  	_ =	shalt  }
0x3f: {  	_ =	shalt  }
0x40: {  	_ =	shalt  }
0x41: {  	_ =	shalt  }
0x42: {  	_ =	shalt  }
0x43: {  	_ =	shalt  }
0x44: {  	_ =	shalt  }
0x45: {  	_ =	shalt  }
0x46: {  	_ =	shalt  }
0x47: {  	_ =	shalt  }
0x48: {  	_ =	shalt  }
0x49: {  	_ =	shalt  }
0x4a: {  	_ =	shalt  }
0x4b: {  	_ =	shalt  }
0x4c: {  	_ =	shalt  }
0x4d: {  	_ =	shalt  }
0x4e: {  	_ =	shalt  }
0x4f: {  	_ =	shalt  }
0x50: {  	_ =	shalt  }
0x51: {  	_ =	shalt  }
0x52: {  	_ =	shalt  }
0x53: {  	_ =	shalt  }
0x54: {  	_ =	shalt  }
0x55: {  	_ =	shalt  }
0x56: {  	_ =	shalt  }
0x57: {  	_ =	shalt  }
0x58: {  	_ =	shalt  }
0x59: {  	_ =	shalt  }
0x5a: {  	_ =	shalt  }
0x5b: {  	_ =	shalt  }
0x5c: {  	_ =	shalt  }
0x5d: {  	_ =	shalt  }
0x5e: {  	_ =	shalt  }
0x5f: {  	_ =	shalt  }
0x60: {  	_ =	shalt  }
0x61: {  	_ =	shalt  }
0x62: {  	_ =	shalt  }
0x63: {  	_ =	shalt  }
0x64: {  	_ =	shalt  }
0x65: {  	_ =	shalt  }
0x66: {  	_ =	shalt  }
0x67: {  	_ =	shalt  }
0x68: {  	_ =	shalt  }
0x69: {  	_ =	shalt  }
0x6a: {  	_ =	shalt  }
0x6b: {  	_ =	shalt  }
0x6c: {  	_ =	shalt  }
0x6d: {  	_ =	shalt  }
0x6e: {  	_ =	shalt  }
0x6f: {  	_ =	shalt  }
0x70: {  	_ =	shalt  }
0x71: {  	_ =	shalt  }
0x72: {  	_ =	shalt  }
0x73: {  	_ =	shalt  }
0x74: {  	_ =	shalt  }
0x75: {  	_ =	shalt  }
0x76: {  	_ =	shalt  }
0x77: {  	_ =	shalt  }
0x78: {  	_ =	shalt  }
0x79: {  	_ =	shalt  }
0x7a: {  	_ =	shalt  }
0x7b: {  	_ =	shalt  }
0x7c: {  	_ =	shalt  }
0x7d: {  	_ =	shalt  }
0x7e: {  	_ =	shalt  }
0x7f: {  	_ =	shalt  }
0x80: {  	_ =	shalt  }
0x81: {  	_ =	shalt  }
0x82: {  	_ =	shalt  }
0x83: {  	_ =	shalt  }
0x84: {  	_ =	shalt  }
0x85: {  	_ =	shalt  }
0x86: {  	_ =	shalt  }
0x87: {  	_ =	shalt  }
.Lfunc_end0:
.L_simem_size_0:
called_computation_lowered:
.L_overlay_start_0:
0x88: {  	s2 =	sld [smem:$0x3FD9]  }
0x89: {  	s3 =	sld [smem:$0x3FFE];
	_ =	sdelay $0x1  }
0x8a: {  	s1 =	srdreg.scid  }
0x8b: {  	s0 =	sand.u32 $0x1, s1  }
0x8c: {  	s17 =	sshll.u32 s0, $0xA;
	s2 =	sadd.s32 s3, s2  }
0x8d: {  	s2 =	sadd.s32 s2, s17  }
0x8e: {  	[smem:$0x3FC2] =	sst s2  }
0x8f: {  	_ = 	snop  }
0x90: {  	s2 =	sld [smem:$0x3FC8];
	(tm) =	ssettm $0x1  }
0x91: {  	s18 =	sld [smem:$0x3FFB];
	_ =	sdelay $0x3  }
0x92: {  	_ =	strace s18  }
0x93: {  	s3 =	sld [smem:$0x3FFC];
	_ =	sdelay $0x3  }
0x94: {  	_ =	strace s3  }
0x95: {  	s3 =	sld [smem:$0x3FFD];
	_ =	sdelay $0x3  }
0x96: {  	_ =	strace s3  }
0x97: {  	_ =	strace $0x8FFFFFFF  }
0x98: {  	s19 =	sld [smem:$0x3FDB];
	_ =	sdelay $0x1  }
0x99: {  	s4 =	simm.s32 $_scs_section_size  }
0x9a: {  	s5 =	simm.s32 $_size__tile_overlayer_lowered;
	s6 =	simm.s32 $_tile_overlayer_lowered  }
0x9b: {  	s22 =	simm.s32 $0x1BFF;
	s21 =	sshll.u32 s6, $0x1;
	s3 =	sadd.s32 s4, s19  }
0x9c: {  	s7 =	simm.s32 $0x0;
	s20 =	sshll.u32 s5, $0x1;
	s5 =	sadd.s32 s21, s3  }
0x9d: {  	[timem:s7], [sflag:s22] =	dma.local [hbm:s5], s20  }
0x9e: {  	_ =	swait.ge [sflag:s22], s20  }
0x9f: {  	s4 =	ssub.s32 $0x0, s20;
	[sflag:s22] =	ssyncset.done $0x0  }
0xa0: {  	[sflag:s22] =	ssyncadd.s32 s4;
	_ =	sdelay $0x1  }
0xa1: {  	s23 =	simm.s32 $0x1B8B  }
0xa2: {  	_ =	swait.ge [sflag:s23], $0x1  }
0xa3: {  	[sflag:s23] =	ssyncset.done $0x0  }
0xa4: {  	s25 =	simm.s32 $0x1B8E;
	s24 =	sld [smem:$0x3FFE];
	[sflag:s23] =	ssyncadd.s32 $0xFFFFFFFF  }
0xa5: {  	s26 =	simm.s32 $execute0_lowered;
	[smem:$0x3FD2] =	sst s25  }
0xa6: {  	s5 =	sshll.u32 s26, $0x1;
	_ =	strace $0x80000046;
	[dreg:$0x1] =	wrdreg $0xFFFFFFFF  }
0xa7: {  	s28 =	simm.s32 $_size_execute0_lowered;
	s3 =	sadd.s32 s3, s5;
	[dreg:$0x0] =	wrdreg $0x0  }
0xa8: {  	s5 =	sshll.u32 s28, $0x1;
	[dreg:$0x2] =	wrdreg s3  }
0xa9: {  	[dreg:$0x3] =	wrdreg s5  }
0xaa: {  	[dreg:$0x4] =	wrdreg $0xC0  }
0xab: {  	_ =	task [dreg:s7], $0x5FFFF  }
0xac: {  	[dreg:$0x1] =	wrdreg $0xFFFFFFFF  }
0xad: {  	[dreg:$0x0] =	wrdreg $0x60  }
0xae: {  	[dreg:$0x2] =	wrdreg s2  }
0xaf: {  	[dreg:$0x3] =	wrdreg s24  }
0xb0: {  	[dreg:$0x4] =	wrdreg $0x9  }
0xb1: {  	_ =	task.clear_ibuf [dreg:s7], $0x5FFFF;
	_ =	strace $0x90000046  }
0xb2: {  	s29 =	simm.s32 $0x9;
	_ =	strace $0x80000048  }
0xb3: {  	_ =	swait.ge [sflag:s29], $0x1  }
0xb4: {  	[sflag:s29] =	ssyncadd.s32 $0xFFFFFFFF  }
0xb5: {  	_ =	strace $0x90000048  }
0xb6: {  	_ =	sfence  }
0xb7: {  	s30 =	sld [smem:$0x0];
	_ =	sdelay $0x2  }
0xb8: {  	s31 =	sshll.u32 s1, $0xD;
	s1 =	sshrl.u32 s1, $0x2  }
0xb9: {  	s3 =	sand.u32 $0x4000, s31;
	s1 =	sadd.s32 s1, s30  }
0xba: {  	s0 =	sor.u32 s3, s0;
	s1 =	sshll.u32 s1, $0x11  }
0xbb: {  	s0 =	sor.u32 s1, s0  }
0xbc: {  	s0 =	sadd.s32 $0x8F2B, s0  }
0xbd: {  	[sflag:s0] =	ssyncadd.remote.s32 $0x1  }
0xbe: {  	_ =	sfence.sel $0xFFFF  }
0xbf: {  	[dreg:$0x0] =	wrdreg $0xFFFFFFFF;
	(pc) =	sbr.abs _section_cstart, $3  }
0xc0: {  	[dreg:$0x1] =	wrdreg $0xFFFFFFFF  }
0xc1: {  	_ =	task.clear_ibuf [dreg:s7], $0x2FFFF;
	_ =	strace $0x9FFFFFFF  }
0xc2: {  	(tm) =	ssettm $0x7FFFFFFF  }
0xc3: {  	_ =	shalt  }
tec
execute0_lowered:
.L_overlay_start_1:
0x0: {  	(tag) =	ssettag $0x1  }
0x1: {  	s2 =	rddreg [dreg:$0x0];
	s1 =	srdreg.scid  }
0x2: {  	s0 =	stileid.u32;
	s4 =	rddreg [dreg:$0x1];
	s3 =	simm.s32 $0x0  }
0x3: {  	s9 =	simm.s32 $0x1900;
	s10 =	simm.s32 $0x7D00;
	s11 =	simm.s32 $0x190  }
0x4: {  	s12 =	simm.s32 $0xE100;
	s13 =	simm.s32 $0x1;
	s14 =	simm.s32 $0x14500  }
0x5: {  	s15 =	simm.s32 $0x2;
	s16 =	simm.s32 $0x3;
	s17 =	simm.s32 $0x4  }
0x6: {  	s18 =	simm.s32 $0x1A900;
	s5 =	sand.u32 $0x1, s1;
	s1 =	rddreg [dreg:$0x2]  }
0x7: {  	s19 =	simm.s32 $0x0;
	s6 =	sshll.u32 s0, $0x1;
	[smem:$0x7FF] =	sst s3  }
.Ltmp0:
0x8: {  	s6 =	sor.u32 s5, s6;
	s5 =	ssub.s32 $0x2, s5;
	(pc) =	sbr.rel .LBB2_1-.Ltmp0, $4  }
0x9: {  	s7 =	smul.u32 $0x320, s6;
	s6 =	sshll.u32 s6, $0xB;
	s8 =	sshrl.u32 s5, $0x1  }
0xa: {  	_ =	strace $0x80000047;
	s6 =	sadd.s32 s6, s4;
	s8 =	ssub.s32 s5, s8  }
0xb: {  	s7 =	sadd.s32 s7, s4;
	s5 =	sadd.s32 $0x7000, s6;
	s6 =	smax.u32 s8, $0x1  }
0xc: {  	s8 =	simm.s32 $0xC8;
	s4 =	sadd.s32 $0xC00, s7;
	s7 =	simm.s32 $0x5  }
.LBB2_36:
0xd: {  	s19 =	sadd.s32 $0x1, s19  }
0xe: {  	p0 =	sne.s32 s19, s6  }
.Ltmp1:
0xf: {  	_ = 	snop;
	(pc) =	sbr.rel @!p0 .LBB2_37-.Ltmp1, $4  }
0x10: {  	[hbm4b:s5+s3] =	stream.linear.scatter [tilespmem:s18], [sflag:$0x5], $0x4000, $0x38;
	[tilespmem:$0x1E900] =	vst v63  }
0x11: {  	_ =	swait.ge [sflag:s7], $0x4000  }
0x12: {  	[sflag:s7] =	ssyncset.done $0x0  }
0x13: {  	[sflag:s7] =	ssyncadd.s32 $0xFFFFC000  }
.LBB2_1:
0x14: {  	[tilespmem:s3], [sflag:$0x5] =	stream.linear.gather [hbm4b:s4+s3], $0x1900, $0x38;
	[tilespmem:$0x1E900] =	vst v63  }
0x15: {  	_ =	swait.ge [sflag:s7], $0x1900  }
0x16: {  	[sflag:s7] =	ssyncset.done $0x0  }
0x17: {  	[sflag:s7] =	ssyncadd.s32 $0xFFFFE700  }
0x18: {  	[tilespmem:s9], [sflag:$0x1] =	stream.indirect.gather [hbm4b:s2+s8], $0x80, s3, s8, $0xb8;
	[tilespmem:$0x1E900] =	vst v63  }
0x19: {  	_ = 	snop  }
0x1a: {  	[tilespmem:s10], [sflag:$0x2] =	stream.indirect.gather [hbm4b:s2+s8], $0x80, s8, s8, $0xb8;
	[tilespmem:$0x1E900] =	vst v63  }
0x1b: {  	s20 =	simm.s32 $0x0  }
0x1c: {  	[tilespmem:s12], [sflag:$0x3] =	stream.indirect.gather [hbm4b:s2+s8], $0x80, s11, s8, $0xb8;
	[tilespmem:$0x1E900] =	vst v63  }
.LBB2_2:
0x1d: {  	_ =	swait.ge [sflag:s13], $0x6400  }
0x1e: {  	[sflag:s13] =	ssyncset.done $0x0  }
0x1f: {  	s23 =	simm.s32 $0x0;
	[sflag:s13] =	ssyncadd.s32 $0xFFFF9C00  }
0x20: {  	v0 =	vld [tilespmem:s23+$0x1970]  }
0x21: {  	v1 =	vld [tilespmem:s23+$0x1900]  }
0x22: {  	v3 =	vld [tilespmem:s23+$0x1910]  }
0x23: {  	v12 =	vld [tilespmem:s23+$0x1920]  }
0x24: {  	v10 =	vld [tilespmem:s23+$0x1930]  }
0x25: {  	v2 =	vimm.f32 $0.0e+00;
	v6 =	vimm.f32 $0.0e+00;
	v5 =	vld [tilespmem:s23+$0x1940]  }
0x26: {  	v7 =	vimm.f32 $0.0e+00;
	v8 =	vld [tilespmem:s23+$0x1950];
	v0 =	vadd.f32 v0, v2;
	v9 =	vadd.f32 v1, v2  }
0x27: {  	s21 =	simm.s32 $0x80;
	s22 =	simm.s32 $0x400;
	v11 =	vld [tilespmem:s23+$0x1960];
	v4 =	vadd.f32 v3, v2;
	v3 =	vimm.f32 $0.0e+00;
	v1 =	vimm.f32 $0.0e+00  }
.LBB2_3:
0x28: {  	p0 =	sne.s32 s22, $0x6200;
	v13 =	vld [tilespmem:s21+$0x1970];
	v2 =	vadd.f32 v12, v2  }
0x29: {  	v14 =	vld [tilespmem:s21+$0x1900];
	v6 =	vadd.f32 v10, v6  }
0x2a: {  	v15 =	vld [tilespmem:s21+$0x1910];
	v7 =	vadd.f32 v5, v7  }
.Ltmp2:
0x2b: {  	v12 =	vld [tilespmem:s21+$0x1920];
	v3 =	vadd.f32 v8, v3;
	(pc) =	sbr.rel @p0 .LBB2_3-.Ltmp2, $4  }
0x2c: {  	v10 =	vld [tilespmem:s21+$0x1930];
	v1 =	vadd.f32 v11, v1  }
0x2d: {  	v5 =	vld [tilespmem:s21+$0x1940];
	v0 =	vadd.f32 v13, v0  }
0x2e: {  	v9 =	vadd.f32 v14, v9;
	v8 =	vld [tilespmem:s21+$0x1950]  }
0x2f: {  	v4 =	vadd.f32 v15, v4;
	v11 =	vld [tilespmem:s21+$0x1960];
	s21 =	sshra.s32 s22, $0x2;
	s22 =	sadd.s32 $0x200, s22  }
0x30: {  	v13 =	vld [tilespmem:s21+$0x1970]  }
0x31: {  	v14 =	vld [tilespmem:s21+$0x1900]  }
0x32: {  	v15 =	vld [tilespmem:s21+$0x1910]  }
0x33: {  	v16 =	vld [tilespmem:s21+$0x1920]  }
0x34: {  	v17 =	vld [tilespmem:s21+$0x1930]  }
0x35: {  	v18 =	vld [tilespmem:s21+$0x1940];
	v2 =	vadd.f32 v12, v2  }
0x36: {  	s22 =	sshll.u32 s20, $0xD;
	v6 =	vadd.f32 v10, v6;
	v10 =	vld [tilespmem:s21+$0x1960];
	v9 =	vadd.f32 v14, v9  }
0x37: {  	v12 =	vld [tilespmem:s21+$0x1950];
	s21 =	sshra.s32 s22, $0x2;
	v4 =	vadd.f32 v15, v4  }
0x38: {  	v2 =	vadd.f32 v16, v2;
	[tilespmem:s21+$0x1A900] =	vst v9  }
0x39: {  	v1 =	vadd.f32 v11, v1;
	v6 =	vadd.f32 v17, v6;
	[tilespmem:s21+$0x1A910] =	vst v4  }
0x3a: {  	v5 =	vadd.f32 v5, v7;
	v0 =	vadd.f32 v13, v0;
	[tilespmem:s21+$0x1A920] =	vst v2  }
0x3b: {  	v3 =	vadd.f32 v8, v3;
	v1 =	vadd.f32 v10, v1;
	[tilespmem:s21+$0x1A930] =	vst v6  }
0x3c: {  	v4 =	vadd.f32 v18, v5;
	[tilespmem:s21+$0x1A970] =	vst v0  }
0x3d: {  	v2 =	vadd.f32 v12, v3;
	[tilespmem:s21+$0x1A960] =	vst v1  }
0x3e: {  	[tilespmem:s21+$0x1A940] =	vst v4  }
0x3f: {  	s24 =	simm.s32 $0x0;
	[tilespmem:s21+$0x1A950] =	vst v2  }
0x40: {  	v0 =	vld [tilespmem:s24+$0x3270]  }
0x41: {  	v2 =	vld [tilespmem:s24+$0x3200]  }
0x42: {  	v3 =	vld [tilespmem:s24+$0x3210]  }
0x43: {  	v11 =	vld [tilespmem:s24+$0x3220]  }
0x44: {  	v10 =	vld [tilespmem:s24+$0x3230]  }
0x45: {  	v8 =	vimm.f32 $0.0e+00;
	v1 =	vimm.f32 $0.0e+00;
	v7 =	vld [tilespmem:s24+$0x3240]  }
0x46: {  	v6 =	vimm.f32 $0.0e+00;
	v4 =	vimm.f32 $0.0e+00;
	v9 =	vld [tilespmem:s24+$0x3250];
	v0 =	vadd.f32 v0, v1  }
0x47: {  	s23 =	simm.s32 $0x400;
	s22 =	simm.s32 $0x80;
	v12 =	vld [tilespmem:s24+$0x3260];
	v5 =	vadd.f32 v2, v1;
	v3 =	vadd.f32 v3, v1;
	v2 =	vimm.f32 $0.0e+00  }
.LBB2_5:
0x48: {  	p0 =	sne.s32 s23, $0x6200;
	v13 =	vld [tilespmem:s22+$0x3270];
	v1 =	vadd.f32 v11, v1  }
0x49: {  	v14 =	vld [tilespmem:s22+$0x3200];
	v6 =	vadd.f32 v10, v6  }
0x4a: {  	v15 =	vld [tilespmem:s22+$0x3210];
	v8 =	vadd.f32 v7, v8  }
.Ltmp3:
0x4b: {  	v11 =	vld [tilespmem:s22+$0x3220];
	v4 =	vadd.f32 v9, v4;
	(pc) =	sbr.rel @p0 .LBB2_5-.Ltmp3, $4  }
0x4c: {  	v10 =	vld [tilespmem:s22+$0x3230];
	v2 =	vadd.f32 v12, v2  }
0x4d: {  	v7 =	vld [tilespmem:s22+$0x3240];
	v0 =	vadd.f32 v13, v0  }
0x4e: {  	v5 =	vadd.f32 v14, v5;
	v9 =	vld [tilespmem:s22+$0x3250]  }
0x4f: {  	v3 =	vadd.f32 v15, v3;
	v12 =	vld [tilespmem:s22+$0x3260];
	s22 =	sshra.s32 s23, $0x2;
	s23 =	sadd.s32 $0x200, s23  }
0x50: {  	v14 =	vld [tilespmem:s22+$0x3200]  }
0x51: {  	v15 =	vld [tilespmem:s22+$0x3210]  }
0x52: {  	v16 =	vld [tilespmem:s22+$0x3220]  }
0x53: {  	v13 =	vld [tilespmem:s22+$0x3270]  }
0x54: {  	v6 =	vadd.f32 v10, v6;
	v10 =	vld [tilespmem:s22+$0x3260]  }
0x55: {  	v17 =	vld [tilespmem:s22+$0x3230];
	v1 =	vadd.f32 v11, v1;
	v5 =	vadd.f32 v14, v5  }
0x56: {  	v18 =	vld [tilespmem:s22+$0x3240];
	v3 =	vadd.f32 v15, v3  }
0x57: {  	v11 =	vld [tilespmem:s22+$0x3250];
	v2 =	vadd.f32 v12, v2;
	v1 =	vadd.f32 v16, v1;
	[tilespmem:s21+$0x1A980] =	vst v5  }
0x58: {  	v0 =	vadd.f32 v13, v0;
	[tilespmem:s21+$0x1A990] =	vst v3  }
0x59: {  	v7 =	vadd.f32 v7, v8;
	v2 =	vadd.f32 v10, v2;
	[tilespmem:s21+$0x1A9A0] =	vst v1  }
0x5a: {  	v4 =	vadd.f32 v9, v4;
	v5 =	vadd.f32 v17, v6;
	[tilespmem:s21+$0x1A9F0] =	vst v0  }
0x5b: {  	v3 =	vadd.f32 v18, v7;
	[tilespmem:s21+$0x1A9E0] =	vst v2  }
0x5c: {  	v1 =	vadd.f32 v11, v4;
	[tilespmem:s21+$0x1A9B0] =	vst v5  }
0x5d: {  	[tilespmem:s21+$0x1A9C0] =	vst v3  }
0x5e: {  	s24 =	simm.s32 $0x0;
	[tilespmem:s21+$0x1A9D0] =	vst v1  }
0x5f: {  	v0 =	vld [tilespmem:s24+$0x4B70]  }
0x60: {  	v2 =	vld [tilespmem:s24+$0x4B00]  }
0x61: {  	v3 =	vld [tilespmem:s24+$0x4B10]  }
0x62: {  	v11 =	vld [tilespmem:s24+$0x4B20]  }
0x63: {  	v10 =	vld [tilespmem:s24+$0x4B30]  }
0x64: {  	v8 =	vimm.f32 $0.0e+00;
	v1 =	vimm.f32 $0.0e+00;
	v7 =	vld [tilespmem:s24+$0x4B40]  }
0x65: {  	v6 =	vimm.f32 $0.0e+00;
	v4 =	vimm.f32 $0.0e+00;
	v9 =	vld [tilespmem:s24+$0x4B50];
	v0 =	vadd.f32 v0, v1  }
0x66: {  	s23 =	simm.s32 $0x400;
	s22 =	simm.s32 $0x80;
	v12 =	vld [tilespmem:s24+$0x4B60];
	v5 =	vadd.f32 v2, v1;
	v3 =	vadd.f32 v3, v1;
	v2 =	vimm.f32 $0.0e+00  }
.LBB2_7:
0x67: {  	p0 =	sne.s32 s23, $0x6200;
	v13 =	vld [tilespmem:s22+$0x4B70];
	v1 =	vadd.f32 v11, v1  }
0x68: {  	v14 =	vld [tilespmem:s22+$0x4B00];
	v6 =	vadd.f32 v10, v6  }
0x69: {  	v15 =	vld [tilespmem:s22+$0x4B10];
	v8 =	vadd.f32 v7, v8  }
.Ltmp4:
0x6a: {  	v11 =	vld [tilespmem:s22+$0x4B20];
	v4 =	vadd.f32 v9, v4;
	(pc) =	sbr.rel @p0 .LBB2_7-.Ltmp4, $4  }
0x6b: {  	v10 =	vld [tilespmem:s22+$0x4B30];
	v2 =	vadd.f32 v12, v2  }
0x6c: {  	v7 =	vld [tilespmem:s22+$0x4B40];
	v0 =	vadd.f32 v13, v0  }
0x6d: {  	v5 =	vadd.f32 v14, v5;
	v9 =	vld [tilespmem:s22+$0x4B50]  }
0x6e: {  	v3 =	vadd.f32 v15, v3;
	v12 =	vld [tilespmem:s22+$0x4B60];
	s22 =	sshra.s32 s23, $0x2;
	s23 =	sadd.s32 $0x200, s23  }
0x6f: {  	v14 =	vld [tilespmem:s22+$0x4B00]  }
0x70: {  	v15 =	vld [tilespmem:s22+$0x4B10]  }
0x71: {  	v16 =	vld [tilespmem:s22+$0x4B20]  }
0x72: {  	v13 =	vld [tilespmem:s22+$0x4B70]  }
0x73: {  	v6 =	vadd.f32 v10, v6;
	v10 =	vld [tilespmem:s22+$0x4B60]  }
0x74: {  	v17 =	vld [tilespmem:s22+$0x4B30];
	v1 =	vadd.f32 v11, v1;
	v5 =	vadd.f32 v14, v5  }
0x75: {  	v18 =	vld [tilespmem:s22+$0x4B40];
	v3 =	vadd.f32 v15, v3  }
0x76: {  	v11 =	vld [tilespmem:s22+$0x4B50];
	v2 =	vadd.f32 v12, v2;
	v1 =	vadd.f32 v16, v1;
	[tilespmem:s21+$0x1AA00] =	vst v5  }
0x77: {  	v0 =	vadd.f32 v13, v0;
	[tilespmem:s21+$0x1AA10] =	vst v3  }
0x78: {  	v7 =	vadd.f32 v7, v8;
	v2 =	vadd.f32 v10, v2;
	[tilespmem:s21+$0x1AA20] =	vst v1  }
0x79: {  	v4 =	vadd.f32 v9, v4;
	v5 =	vadd.f32 v17, v6;
	[tilespmem:s21+$0x1AA70] =	vst v0  }
0x7a: {  	v3 =	vadd.f32 v18, v7;
	[tilespmem:s21+$0x1AA60] =	vst v2  }
0x7b: {  	v1 =	vadd.f32 v11, v4;
	[tilespmem:s21+$0x1AA30] =	vst v5  }
0x7c: {  	[tilespmem:s21+$0x1AA40] =	vst v3  }
0x7d: {  	s24 =	simm.s32 $0x0;
	[tilespmem:s21+$0x1AA50] =	vst v1  }
0x7e: {  	v0 =	vld [tilespmem:s24+$0x6470]  }
0x7f: {  	v2 =	vld [tilespmem:s24+$0x6400]  }
0x80: {  	v3 =	vld [tilespmem:s24+$0x6410]  }
0x81: {  	v11 =	vld [tilespmem:s24+$0x6420]  }
0x82: {  	v10 =	vld [tilespmem:s24+$0x6430]  }
0x83: {  	v8 =	vimm.f32 $0.0e+00;
	v1 =	vimm.f32 $0.0e+00;
	v7 =	vld [tilespmem:s24+$0x6440]  }
0x84: {  	v6 =	vimm.f32 $0.0e+00;
	v4 =	vimm.f32 $0.0e+00;
	v9 =	vld [tilespmem:s24+$0x6450];
	v0 =	vadd.f32 v0, v1  }
0x85: {  	s23 =	simm.s32 $0x400;
	s22 =	simm.s32 $0x80;
	v12 =	vld [tilespmem:s24+$0x6460];
	v5 =	vadd.f32 v2, v1;
	v3 =	vadd.f32 v3, v1;
	v2 =	vimm.f32 $0.0e+00  }
.LBB2_9:
0x86: {  	p0 =	sne.s32 s23, $0x6200;
	v13 =	vld [tilespmem:s22+$0x6470];
	v1 =	vadd.f32 v11, v1  }
0x87: {  	v14 =	vld [tilespmem:s22+$0x6400];
	v6 =	vadd.f32 v10, v6  }
0x88: {  	v15 =	vld [tilespmem:s22+$0x6410];
	v8 =	vadd.f32 v7, v8  }
.Ltmp5:
0x89: {  	v11 =	vld [tilespmem:s22+$0x6420];
	v4 =	vadd.f32 v9, v4;
	(pc) =	sbr.rel @p0 .LBB2_9-.Ltmp5, $4  }
0x8a: {  	v10 =	vld [tilespmem:s22+$0x6430];
	v2 =	vadd.f32 v12, v2  }
0x8b: {  	v7 =	vld [tilespmem:s22+$0x6440];
	v0 =	vadd.f32 v13, v0  }
0x8c: {  	v5 =	vadd.f32 v14, v5;
	v9 =	vld [tilespmem:s22+$0x6450]  }
0x8d: {  	v3 =	vadd.f32 v15, v3;
	v12 =	vld [tilespmem:s22+$0x6460];
	s22 =	sshra.s32 s23, $0x2;
	s23 =	sadd.s32 $0x200, s23  }
0x8e: {  	v14 =	vld [tilespmem:s22+$0x6400]  }
0x8f: {  	v15 =	vld [tilespmem:s22+$0x6410]  }
0x90: {  	v16 =	vld [tilespmem:s22+$0x6420]  }
0x91: {  	v13 =	vld [tilespmem:s22+$0x6470]  }
0x92: {  	v6 =	vadd.f32 v10, v6;
	v10 =	vld [tilespmem:s22+$0x6460]  }
0x93: {  	v17 =	vld [tilespmem:s22+$0x6430];
	v1 =	vadd.f32 v11, v1;
	v5 =	vadd.f32 v14, v5  }
0x94: {  	v18 =	vld [tilespmem:s22+$0x6440];
	v3 =	vadd.f32 v15, v3  }
0x95: {  	v11 =	vld [tilespmem:s22+$0x6450];
	v2 =	vadd.f32 v12, v2;
	v1 =	vadd.f32 v16, v1;
	[tilespmem:s21+$0x1AA80] =	vst v5  }
0x96: {  	v0 =	vadd.f32 v13, v0;
	[tilespmem:s21+$0x1AA90] =	vst v3  }
0x97: {  	v7 =	vadd.f32 v7, v8;
	v2 =	vadd.f32 v10, v2;
	[tilespmem:s21+$0x1AAA0] =	vst v1  }
0x98: {  	v4 =	vadd.f32 v9, v4;
	v5 =	vadd.f32 v17, v6;
	[tilespmem:s21+$0x1AAF0] =	vst v0  }
0x99: {  	s22 =	sshllo.u32 s20, $0x2;
	v3 =	vadd.f32 v18, v7;
	[tilespmem:s21+$0x1AAE0] =	vst v2  }
0x9a: {  	s23 =	smul.u32 $0x320, s22;
	v1 =	vadd.f32 v11, v4;
	[tilespmem:s21+$0x1AAB0] =	vst v5  }
0x9b: {  	[tilespmem:s21+$0x1AAC0] =	vst v3  }
0x9c: {  	s23 =	sshra.s32 s23, $0x2;
	[tilespmem:s21+$0x1AAD0] =	vst v1  }
0x9d: {  	[tilespmem:s14], [sflag:$0x4] =	stream.indirect.gather [hbm4b:s2+s8], $0x80, s23, s8, $0xb8;
	[tilespmem:$0x1E900] =	vst v63  }
0x9e: {  	_ =	swait.ge [sflag:s15], $0x6400  }
0x9f: {  	[sflag:s15] =	ssyncset.done $0x0  }
0xa0: {  	s25 =	simm.s32 $0x0;
	[sflag:s15] =	ssyncadd.s32 $0xFFFF9C00  }
0xa1: {  	v0 =	vld [tilespmem:s25+$0x7D70]  }
0xa2: {  	v2 =	vld [tilespmem:s25+$0x7D00]  }
0xa3: {  	v3 =	vld [tilespmem:s25+$0x7D10]  }
0xa4: {  	v11 =	vld [tilespmem:s25+$0x7D20]  }
0xa5: {  	v10 =	vld [tilespmem:s25+$0x7D30]  }
0xa6: {  	v8 =	vimm.f32 $0.0e+00;
	v1 =	vimm.f32 $0.0e+00;
	v7 =	vld [tilespmem:s25+$0x7D40]  }
0xa7: {  	v6 =	vimm.f32 $0.0e+00;
	v4 =	vimm.f32 $0.0e+00;
	v9 =	vld [tilespmem:s25+$0x7D50];
	v0 =	vadd.f32 v0, v1  }
0xa8: {  	s24 =	simm.s32 $0x400;
	s23 =	simm.s32 $0x80;
	v12 =	vld [tilespmem:s25+$0x7D60];
	v5 =	vadd.f32 v2, v1;
	v3 =	vadd.f32 v3, v1;
	v2 =	vimm.f32 $0.0e+00  }
.LBB2_11:
0xa9: {  	p0 =	sne.s32 s24, $0x6200;
	v13 =	vld [tilespmem:s23+$0x7D70];
	v1 =	vadd.f32 v11, v1  }
0xaa: {  	v14 =	vld [tilespmem:s23+$0x7D00];
	v6 =	vadd.f32 v10, v6  }
0xab: {  	v15 =	vld [tilespmem:s23+$0x7D10];
	v8 =	vadd.f32 v7, v8  }
.Ltmp6:
0xac: {  	v11 =	vld [tilespmem:s23+$0x7D20];
	v4 =	vadd.f32 v9, v4;
	(pc) =	sbr.rel @p0 .LBB2_11-.Ltmp6, $4  }
0xad: {  	v10 =	vld [tilespmem:s23+$0x7D30];
	v2 =	vadd.f32 v12, v2  }
0xae: {  	v7 =	vld [tilespmem:s23+$0x7D40];
	v0 =	vadd.f32 v13, v0  }
0xaf: {  	v5 =	vadd.f32 v14, v5;
	v9 =	vld [tilespmem:s23+$0x7D50]  }
0xb0: {  	v3 =	vadd.f32 v15, v3;
	v12 =	vld [tilespmem:s23+$0x7D60];
	s23 =	sshra.s32 s24, $0x2;
	s24 =	sadd.s32 $0x200, s24  }
0xb1: {  	v14 =	vld [tilespmem:s23+$0x7D00]  }
0xb2: {  	v15 =	vld [tilespmem:s23+$0x7D10]  }
0xb3: {  	v16 =	vld [tilespmem:s23+$0x7D20]  }
0xb4: {  	v13 =	vld [tilespmem:s23+$0x7D70]  }
0xb5: {  	v6 =	vadd.f32 v10, v6;
	v10 =	vld [tilespmem:s23+$0x7D60]  }
0xb6: {  	v17 =	vld [tilespmem:s23+$0x7D30];
	v1 =	vadd.f32 v11, v1;
	v5 =	vadd.f32 v14, v5  }
0xb7: {  	v18 =	vld [tilespmem:s23+$0x7D40];
	v3 =	vadd.f32 v15, v3  }
0xb8: {  	v11 =	vld [tilespmem:s23+$0x7D50];
	v2 =	vadd.f32 v12, v2;
	v1 =	vadd.f32 v16, v1;
	[tilespmem:s21+$0x1AB00] =	vst v5  }
0xb9: {  	v0 =	vadd.f32 v13, v0;
	[tilespmem:s21+$0x1AB10] =	vst v3  }
0xba: {  	v7 =	vadd.f32 v7, v8;
	v2 =	vadd.f32 v10, v2;
	[tilespmem:s21+$0x1AB20] =	vst v1  }
0xbb: {  	v4 =	vadd.f32 v9, v4;
	v5 =	vadd.f32 v17, v6;
	[tilespmem:s21+$0x1AB70] =	vst v0  }
0xbc: {  	v3 =	vadd.f32 v18, v7;
	[tilespmem:s21+$0x1AB60] =	vst v2  }
0xbd: {  	v1 =	vadd.f32 v11, v4;
	[tilespmem:s21+$0x1AB30] =	vst v5  }
0xbe: {  	[tilespmem:s21+$0x1AB40] =	vst v3  }
0xbf: {  	s25 =	simm.s32 $0x0;
	[tilespmem:s21+$0x1AB50] =	vst v1  }
0xc0: {  	v0 =	vld [tilespmem:s25+$0x9670]  }
0xc1: {  	v2 =	vld [tilespmem:s25+$0x9600]  }
0xc2: {  	v3 =	vld [tilespmem:s25+$0x9610]  }
0xc3: {  	v11 =	vld [tilespmem:s25+$0x9620]  }
0xc4: {  	v10 =	vld [tilespmem:s25+$0x9630]  }
0xc5: {  	v8 =	vimm.f32 $0.0e+00;
	v1 =	vimm.f32 $0.0e+00;
	v7 =	vld [tilespmem:s25+$0x9640]  }
0xc6: {  	v6 =	vimm.f32 $0.0e+00;
	v4 =	vimm.f32 $0.0e+00;
	v9 =	vld [tilespmem:s25+$0x9650];
	v0 =	vadd.f32 v0, v1  }
0xc7: {  	s24 =	simm.s32 $0x400;
	s23 =	simm.s32 $0x80;
	v12 =	vld [tilespmem:s25+$0x9660];
	v5 =	vadd.f32 v2, v1;
	v3 =	vadd.f32 v3, v1;
	v2 =	vimm.f32 $0.0e+00  }
.LBB2_13:
0xc8: {  	p0 =	sne.s32 s24, $0x6200;
	v13 =	vld [tilespmem:s23+$0x9670];
	v1 =	vadd.f32 v11, v1  }
0xc9: {  	v14 =	vld [tilespmem:s23+$0x9600];
	v6 =	vadd.f32 v10, v6  }
0xca: {  	v15 =	vld [tilespmem:s23+$0x9610];
	v8 =	vadd.f32 v7, v8  }
.Ltmp7:
0xcb: {  	v11 =	vld [tilespmem:s23+$0x9620];
	v4 =	vadd.f32 v9, v4;
	(pc) =	sbr.rel @p0 .LBB2_13-.Ltmp7, $4  }
0xcc: {  	v10 =	vld [tilespmem:s23+$0x9630];
	v2 =	vadd.f32 v12, v2  }
0xcd: {  	v7 =	vld [tilespmem:s23+$0x9640];
	v0 =	vadd.f32 v13, v0  }
0xce: {  	v5 =	vadd.f32 v14, v5;
	v9 =	vld [tilespmem:s23+$0x9650]  }
0xcf: {  	v3 =	vadd.f32 v15, v3;
	v12 =	vld [tilespmem:s23+$0x9660];
	s23 =	sshra.s32 s24, $0x2;
	s24 =	sadd.s32 $0x200, s24  }
0xd0: {  	v14 =	vld [tilespmem:s23+$0x9600]  }
0xd1: {  	v15 =	vld [tilespmem:s23+$0x9610]  }
0xd2: {  	v16 =	vld [tilespmem:s23+$0x9620]  }
0xd3: {  	v13 =	vld [tilespmem:s23+$0x9670]  }
0xd4: {  	v6 =	vadd.f32 v10, v6;
	v10 =	vld [tilespmem:s23+$0x9660]  }
0xd5: {  	v17 =	vld [tilespmem:s23+$0x9630];
	v1 =	vadd.f32 v11, v1;
	v5 =	vadd.f32 v14, v5  }
0xd6: {  	v18 =	vld [tilespmem:s23+$0x9640];
	v3 =	vadd.f32 v15, v3  }
0xd7: {  	v11 =	vld [tilespmem:s23+$0x9650];
	v2 =	vadd.f32 v12, v2;
	v1 =	vadd.f32 v16, v1;
	[tilespmem:s21+$0x1AB80] =	vst v5  }
0xd8: {  	v0 =	vadd.f32 v13, v0;
	[tilespmem:s21+$0x1AB90] =	vst v3  }
0xd9: {  	v7 =	vadd.f32 v7, v8;
	v2 =	vadd.f32 v10, v2;
	[tilespmem:s21+$0x1ABA0] =	vst v1  }
0xda: {  	v4 =	vadd.f32 v9, v4;
	v5 =	vadd.f32 v17, v6;
	[tilespmem:s21+$0x1ABF0] =	vst v0  }
0xdb: {  	v3 =	vadd.f32 v18, v7;
	[tilespmem:s21+$0x1ABE0] =	vst v2  }
0xdc: {  	v1 =	vadd.f32 v11, v4;
	[tilespmem:s21+$0x1ABB0] =	vst v5  }
0xdd: {  	[tilespmem:s21+$0x1ABC0] =	vst v3  }
0xde: {  	s25 =	simm.s32 $0x0;
	[tilespmem:s21+$0x1ABD0] =	vst v1  }
0xdf: {  	v0 =	vld [tilespmem:s25+$0xAF70]  }
0xe0: {  	v2 =	vld [tilespmem:s25+$0xAF00]  }
0xe1: {  	v3 =	vld [tilespmem:s25+$0xAF10]  }
0xe2: {  	v11 =	vld [tilespmem:s25+$0xAF20]  }
0xe3: {  	v10 =	vld [tilespmem:s25+$0xAF30]  }
0xe4: {  	v8 =	vimm.f32 $0.0e+00;
	v1 =	vimm.f32 $0.0e+00;
	v7 =	vld [tilespmem:s25+$0xAF40]  }
0xe5: {  	v6 =	vimm.f32 $0.0e+00;
	v4 =	vimm.f32 $0.0e+00;
	v9 =	vld [tilespmem:s25+$0xAF50];
	v0 =	vadd.f32 v0, v1  }
0xe6: {  	s24 =	simm.s32 $0x400;
	s23 =	simm.s32 $0x80;
	v12 =	vld [tilespmem:s25+$0xAF60];
	v5 =	vadd.f32 v2, v1;
	v3 =	vadd.f32 v3, v1;
	v2 =	vimm.f32 $0.0e+00  }
.LBB2_15:
0xe7: {  	p0 =	sne.s32 s24, $0x6200;
	v13 =	vld [tilespmem:s23+$0xAF70];
	v1 =	vadd.f32 v11, v1  }
0xe8: {  	v14 =	vld [tilespmem:s23+$0xAF00];
	v6 =	vadd.f32 v10, v6  }
0xe9: {  	v15 =	vld [tilespmem:s23+$0xAF10];
	v8 =	vadd.f32 v7, v8  }
.Ltmp8:
0xea: {  	v11 =	vld [tilespmem:s23+$0xAF20];
	v4 =	vadd.f32 v9, v4;
	(pc) =	sbr.rel @p0 .LBB2_15-.Ltmp8, $4  }
0xeb: {  	v10 =	vld [tilespmem:s23+$0xAF30];
	v2 =	vadd.f32 v12, v2  }
0xec: {  	v7 =	vld [tilespmem:s23+$0xAF40];
	v0 =	vadd.f32 v13, v0  }
0xed: {  	v5 =	vadd.f32 v14, v5;
	v9 =	vld [tilespmem:s23+$0xAF50]  }
0xee: {  	v3 =	vadd.f32 v15, v3;
	v12 =	vld [tilespmem:s23+$0xAF60];
	s23 =	sshra.s32 s24, $0x2;
	s24 =	sadd.s32 $0x200, s24  }
0xef: {  	v14 =	vld [tilespmem:s23+$0xAF00]  }
0xf0: {  	v15 =	vld [tilespmem:s23+$0xAF10]  }
0xf1: {  	v16 =	vld [tilespmem:s23+$0xAF20]  }
0xf2: {  	v13 =	vld [tilespmem:s23+$0xAF70]  }
0xf3: {  	v6 =	vadd.f32 v10, v6;
	v10 =	vld [tilespmem:s23+$0xAF60]  }
0xf4: {  	v17 =	vld [tilespmem:s23+$0xAF30];
	v1 =	vadd.f32 v11, v1;
	v5 =	vadd.f32 v14, v5  }
0xf5: {  	v18 =	vld [tilespmem:s23+$0xAF40];
	v3 =	vadd.f32 v15, v3  }
0xf6: {  	v11 =	vld [tilespmem:s23+$0xAF50];
	v2 =	vadd.f32 v12, v2;
	v1 =	vadd.f32 v16, v1;
	[tilespmem:s21+$0x1AC00] =	vst v5  }
0xf7: {  	v0 =	vadd.f32 v13, v0;
	[tilespmem:s21+$0x1AC10] =	vst v3  }
0xf8: {  	v7 =	vadd.f32 v7, v8;
	v2 =	vadd.f32 v10, v2;
	[tilespmem:s21+$0x1AC20] =	vst v1  }
0xf9: {  	v4 =	vadd.f32 v9, v4;
	v5 =	vadd.f32 v17, v6;
	[tilespmem:s21+$0x1AC70] =	vst v0  }
0xfa: {  	v3 =	vadd.f32 v18, v7;
	[tilespmem:s21+$0x1AC60] =	vst v2  }
0xfb: {  	v1 =	vadd.f32 v11, v4;
	[tilespmem:s21+$0x1AC30] =	vst v5  }
0xfc: {  	[tilespmem:s21+$0x1AC40] =	vst v3  }
0xfd: {  	s25 =	simm.s32 $0x0;
	[tilespmem:s21+$0x1AC50] =	vst v1  }
0xfe: {  	v0 =	vld [tilespmem:s25+$0xC870]  }
0xff: {  	v2 =	vld [tilespmem:s25+$0xC800]  }
0x100: {  	v3 =	vld [tilespmem:s25+$0xC810]  }
0x101: {  	v11 =	vld [tilespmem:s25+$0xC820]  }
0x102: {  	v10 =	vld [tilespmem:s25+$0xC830]  }
0x103: {  	v8 =	vimm.f32 $0.0e+00;
	v1 =	vimm.f32 $0.0e+00;
	v7 =	vld [tilespmem:s25+$0xC840]  }
0x104: {  	v6 =	vimm.f32 $0.0e+00;
	v4 =	vimm.f32 $0.0e+00;
	v9 =	vld [tilespmem:s25+$0xC850];
	v0 =	vadd.f32 v0, v1  }
0x105: {  	s24 =	simm.s32 $0x400;
	s23 =	simm.s32 $0x80;
	v12 =	vld [tilespmem:s25+$0xC860];
	v5 =	vadd.f32 v2, v1;
	v3 =	vadd.f32 v3, v1;
	v2 =	vimm.f32 $0.0e+00  }
.LBB2_17:
0x106: {  	p0 =	sne.s32 s24, $0x6200;
	v13 =	vld [tilespmem:s23+$0xC870];
	v1 =	vadd.f32 v11, v1  }
0x107: {  	v14 =	vld [tilespmem:s23+$0xC800];
	v6 =	vadd.f32 v10, v6  }
0x108: {  	v15 =	vld [tilespmem:s23+$0xC810];
	v8 =	vadd.f32 v7, v8  }
.Ltmp9:
0x109: {  	v11 =	vld [tilespmem:s23+$0xC820];
	v4 =	vadd.f32 v9, v4;
	(pc) =	sbr.rel @p0 .LBB2_17-.Ltmp9, $4  }
0x10a: {  	v10 =	vld [tilespmem:s23+$0xC830];
	v2 =	vadd.f32 v12, v2  }
0x10b: {  	v7 =	vld [tilespmem:s23+$0xC840];
	v0 =	vadd.f32 v13, v0  }
0x10c: {  	v5 =	vadd.f32 v14, v5;
	v9 =	vld [tilespmem:s23+$0xC850]  }
0x10d: {  	v3 =	vadd.f32 v15, v3;
	v12 =	vld [tilespmem:s23+$0xC860];
	s23 =	sshra.s32 s24, $0x2;
	s24 =	sadd.s32 $0x200, s24  }
0x10e: {  	v14 =	vld [tilespmem:s23+$0xC800]  }
0x10f: {  	v15 =	vld [tilespmem:s23+$0xC810]  }
0x110: {  	v16 =	vld [tilespmem:s23+$0xC820]  }
0x111: {  	v13 =	vld [tilespmem:s23+$0xC870]  }
0x112: {  	v6 =	vadd.f32 v10, v6;
	v10 =	vld [tilespmem:s23+$0xC860]  }
0x113: {  	v17 =	vld [tilespmem:s23+$0xC830];
	v1 =	vadd.f32 v11, v1;
	v5 =	vadd.f32 v14, v5  }
0x114: {  	v18 =	vld [tilespmem:s23+$0xC840];
	v3 =	vadd.f32 v15, v3  }
0x115: {  	v11 =	vld [tilespmem:s23+$0xC850];
	v2 =	vadd.f32 v12, v2;
	v1 =	vadd.f32 v16, v1;
	[tilespmem:s21+$0x1AC80] =	vst v5  }
0x116: {  	v0 =	vadd.f32 v13, v0;
	[tilespmem:s21+$0x1AC90] =	vst v3  }
0x117: {  	v7 =	vadd.f32 v7, v8;
	v2 =	vadd.f32 v10, v2;
	[tilespmem:s21+$0x1ACA0] =	vst v1  }
0x118: {  	p0 =	seq.s32 s20, $0x7;
	v4 =	vadd.f32 v9, v4;
	v5 =	vadd.f32 v17, v6;
	[tilespmem:s21+$0x1ACF0] =	vst v0  }
0x119: {  	s23 =	smul.u32 @!p0 $0xC80, s20;
	v3 =	vadd.f32 v18, v7;
	[tilespmem:s21+$0x1ACE0] =	vst v2  }
0x11a: {  	v1 =	vadd.f32 v11, v4;
	[tilespmem:s21+$0x1ACB0] =	vst v5  }
0x11b: {  	s23 =	sshra.s32 @!p0 s23, $0x2;
	[tilespmem:s21+$0x1ACC0] =	vst v3  }
0x11c: {  	s25 =	simm.s32 @!p0 $0xC8;
	s26 =	simm.s32 @!p0 $0x1900;
	s24 =	sadd.s32 @!p0 $0x320, s23;
	[tilespmem:s21+$0x1ACD0] =	vst v1  }
0x11d: {  	[tilespmem:s26], [sflag:$0x1] =	stream.indirect.gather @!p0 [hbm4b:s2+s25], $0x80, s24, s25, $0xb8;
	[tilespmem:$0x1E900] =	vst v63  }
0x11e: {  	_ =	swait.ge [sflag:s16], $0x6400  }
0x11f: {  	[sflag:s16] =	ssyncset.done $0x0  }
0x120: {  	s31 =	simm.s32 $0x0;
	[sflag:s16] =	ssyncadd.s32 $0xFFFF9C00  }
0x121: {  	v0 =	vld [tilespmem:s31+$0xE170]  }
0x122: {  	v2 =	vld [tilespmem:s31+$0xE100]  }
0x123: {  	v3 =	vld [tilespmem:s31+$0xE110]  }
0x124: {  	v11 =	vld [tilespmem:s31+$0xE120]  }
0x125: {  	v10 =	vld [tilespmem:s31+$0xE130]  }
0x126: {  	v8 =	vimm.f32 $0.0e+00;
	v1 =	vimm.f32 $0.0e+00;
	v7 =	vld [tilespmem:s31+$0xE140]  }
0x127: {  	v6 =	vimm.f32 $0.0e+00;
	v4 =	vimm.f32 $0.0e+00;
	v9 =	vld [tilespmem:s31+$0xE150];
	v0 =	vadd.f32 v0, v1  }
0x128: {  	s24 =	simm.s32 $0x80;
	s25 =	simm.s32 $0x400;
	v12 =	vld [tilespmem:s31+$0xE160];
	v5 =	vadd.f32 v2, v1;
	v3 =	vadd.f32 v3, v1;
	v2 =	vimm.f32 $0.0e+00  }
.LBB2_19:
0x129: {  	p1 =	sne.s32 s25, $0x6200;
	v13 =	vld [tilespmem:s24+$0xE170];
	v1 =	vadd.f32 v11, v1  }
0x12a: {  	v14 =	vld [tilespmem:s24+$0xE100];
	v6 =	vadd.f32 v10, v6  }
0x12b: {  	v15 =	vld [tilespmem:s24+$0xE110];
	v8 =	vadd.f32 v7, v8  }
.Ltmp10:
0x12c: {  	v11 =	vld [tilespmem:s24+$0xE120];
	v4 =	vadd.f32 v9, v4;
	(pc) =	sbr.rel @p1 .LBB2_19-.Ltmp10, $4  }
0x12d: {  	v10 =	vld [tilespmem:s24+$0xE130];
	v2 =	vadd.f32 v12, v2  }
0x12e: {  	v7 =	vld [tilespmem:s24+$0xE140];
	v0 =	vadd.f32 v13, v0  }
0x12f: {  	v5 =	vadd.f32 v14, v5;
	v9 =	vld [tilespmem:s24+$0xE150]  }
0x130: {  	v3 =	vadd.f32 v15, v3;
	v12 =	vld [tilespmem:s24+$0xE160];
	s24 =	sshra.s32 s25, $0x2;
	s25 =	sadd.s32 $0x200, s25  }
0x131: {  	v14 =	vld [tilespmem:s24+$0xE100]  }
0x132: {  	v15 =	vld [tilespmem:s24+$0xE110]  }
0x133: {  	v16 =	vld [tilespmem:s24+$0xE120]  }
0x134: {  	v13 =	vld [tilespmem:s24+$0xE170]  }
0x135: {  	v6 =	vadd.f32 v10, v6;
	v10 =	vld [tilespmem:s24+$0xE160]  }
0x136: {  	v17 =	vld [tilespmem:s24+$0xE130];
	v1 =	vadd.f32 v11, v1;
	v5 =	vadd.f32 v14, v5  }
0x137: {  	v18 =	vld [tilespmem:s24+$0xE140];
	v3 =	vadd.f32 v15, v3  }
0x138: {  	v11 =	vld [tilespmem:s24+$0xE150];
	v2 =	vadd.f32 v12, v2;
	v1 =	vadd.f32 v16, v1;
	[tilespmem:s21+$0x1AD00] =	vst v5  }
0x139: {  	v0 =	vadd.f32 v13, v0;
	[tilespmem:s21+$0x1AD10] =	vst v3  }
0x13a: {  	v7 =	vadd.f32 v7, v8;
	v2 =	vadd.f32 v10, v2;
	[tilespmem:s21+$0x1AD20] =	vst v1  }
0x13b: {  	v4 =	vadd.f32 v9, v4;
	v5 =	vadd.f32 v17, v6;
	[tilespmem:s21+$0x1AD70] =	vst v0  }
0x13c: {  	v3 =	vadd.f32 v18, v7;
	[tilespmem:s21+$0x1AD60] =	vst v2  }
0x13d: {  	v1 =	vadd.f32 v11, v4;
	[tilespmem:s21+$0x1AD30] =	vst v5  }
0x13e: {  	[tilespmem:s21+$0x1AD40] =	vst v3  }
0x13f: {  	s26 =	simm.s32 $0x0;
	[tilespmem:s21+$0x1AD50] =	vst v1  }
0x140: {  	v0 =	vld [tilespmem:s26+$0xFA70]  }
0x141: {  	v2 =	vld [tilespmem:s26+$0xFA00]  }
0x142: {  	v3 =	vld [tilespmem:s26+$0xFA10]  }
0x143: {  	v11 =	vld [tilespmem:s26+$0xFA20]  }
0x144: {  	v10 =	vld [tilespmem:s26+$0xFA30]  }
0x145: {  	v8 =	vimm.f32 $0.0e+00;
	v1 =	vimm.f32 $0.0e+00;
	v7 =	vld [tilespmem:s26+$0xFA40]  }
0x146: {  	v6 =	vimm.f32 $0.0e+00;
	v4 =	vimm.f32 $0.0e+00;
	v9 =	vld [tilespmem:s26+$0xFA50];
	v0 =	vadd.f32 v0, v1  }
0x147: {  	s25 =	simm.s32 $0x400;
	s24 =	simm.s32 $0x80;
	v12 =	vld [tilespmem:s26+$0xFA60];
	v5 =	vadd.f32 v2, v1;
	v3 =	vadd.f32 v3, v1;
	v2 =	vimm.f32 $0.0e+00  }
.LBB2_21:
0x148: {  	p1 =	sne.s32 s25, $0x6200;
	v13 =	vld [tilespmem:s24+$0xFA70];
	v1 =	vadd.f32 v11, v1  }
0x149: {  	v14 =	vld [tilespmem:s24+$0xFA00];
	v6 =	vadd.f32 v10, v6  }
0x14a: {  	v15 =	vld [tilespmem:s24+$0xFA10];
	v8 =	vadd.f32 v7, v8  }
.Ltmp11:
0x14b: {  	v11 =	vld [tilespmem:s24+$0xFA20];
	v4 =	vadd.f32 v9, v4;
	(pc) =	sbr.rel @p1 .LBB2_21-.Ltmp11, $4  }
0x14c: {  	v10 =	vld [tilespmem:s24+$0xFA30];
	v2 =	vadd.f32 v12, v2  }
0x14d: {  	v7 =	vld [tilespmem:s24+$0xFA40];
	v0 =	vadd.f32 v13, v0  }
0x14e: {  	v5 =	vadd.f32 v14, v5;
	v9 =	vld [tilespmem:s24+$0xFA50]  }
0x14f: {  	v3 =	vadd.f32 v15, v3;
	v12 =	vld [tilespmem:s24+$0xFA60];
	s24 =	sshra.s32 s25, $0x2;
	s25 =	sadd.s32 $0x200, s25  }
0x150: {  	v14 =	vld [tilespmem:s24+$0xFA00]  }
0x151: {  	v15 =	vld [tilespmem:s24+$0xFA10]  }
0x152: {  	v16 =	vld [tilespmem:s24+$0xFA20]  }
0x153: {  	v13 =	vld [tilespmem:s24+$0xFA70]  }
0x154: {  	v6 =	vadd.f32 v10, v6;
	v10 =	vld [tilespmem:s24+$0xFA60]  }
0x155: {  	v17 =	vld [tilespmem:s24+$0xFA30];
	v1 =	vadd.f32 v11, v1;
	v5 =	vadd.f32 v14, v5  }
0x156: {  	v18 =	vld [tilespmem:s24+$0xFA40];
	v3 =	vadd.f32 v15, v3  }
0x157: {  	v11 =	vld [tilespmem:s24+$0xFA50];
	v2 =	vadd.f32 v12, v2;
	v1 =	vadd.f32 v16, v1;
	[tilespmem:s21+$0x1AD80] =	vst v5  }
0x158: {  	v0 =	vadd.f32 v13, v0;
	[tilespmem:s21+$0x1AD90] =	vst v3  }
0x159: {  	v7 =	vadd.f32 v7, v8;
	v2 =	vadd.f32 v10, v2;
	[tilespmem:s21+$0x1ADA0] =	vst v1  }
0x15a: {  	v4 =	vadd.f32 v9, v4;
	v5 =	vadd.f32 v17, v6;
	[tilespmem:s21+$0x1ADF0] =	vst v0  }
0x15b: {  	v3 =	vadd.f32 v18, v7;
	[tilespmem:s21+$0x1ADE0] =	vst v2  }
0x15c: {  	v1 =	vadd.f32 v11, v4;
	[tilespmem:s21+$0x1ADB0] =	vst v5  }
0x15d: {  	[tilespmem:s21+$0x1ADC0] =	vst v3  }
0x15e: {  	s26 =	simm.s32 $0x0;
	[tilespmem:s21+$0x1ADD0] =	vst v1  }
0x15f: {  	v0 =	vld [tilespmem:s26+$0x11370]  }
0x160: {  	v2 =	vld [tilespmem:s26+$0x11300]  }
0x161: {  	v3 =	vld [tilespmem:s26+$0x11310]  }
0x162: {  	v11 =	vld [tilespmem:s26+$0x11320]  }
0x163: {  	v10 =	vld [tilespmem:s26+$0x11330]  }
0x164: {  	v8 =	vimm.f32 $0.0e+00;
	v1 =	vimm.f32 $0.0e+00;
	v7 =	vld [tilespmem:s26+$0x11340]  }
0x165: {  	v6 =	vimm.f32 $0.0e+00;
	v4 =	vimm.f32 $0.0e+00;
	v9 =	vld [tilespmem:s26+$0x11350];
	v0 =	vadd.f32 v0, v1  }
0x166: {  	s25 =	simm.s32 $0x400;
	s24 =	simm.s32 $0x80;
	v12 =	vld [tilespmem:s26+$0x11360];
	v5 =	vadd.f32 v2, v1;
	v3 =	vadd.f32 v3, v1;
	v2 =	vimm.f32 $0.0e+00  }
.LBB2_23:
0x167: {  	p1 =	sne.s32 s25, $0x6200;
	v13 =	vld [tilespmem:s24+$0x11370];
	v1 =	vadd.f32 v11, v1  }
0x168: {  	v14 =	vld [tilespmem:s24+$0x11300];
	v6 =	vadd.f32 v10, v6  }
0x169: {  	v15 =	vld [tilespmem:s24+$0x11310];
	v8 =	vadd.f32 v7, v8  }
.Ltmp12:
0x16a: {  	v11 =	vld [tilespmem:s24+$0x11320];
	v4 =	vadd.f32 v9, v4;
	(pc) =	sbr.rel @p1 .LBB2_23-.Ltmp12, $4  }
0x16b: {  	v10 =	vld [tilespmem:s24+$0x11330];
	v2 =	vadd.f32 v12, v2  }
0x16c: {  	v7 =	vld [tilespmem:s24+$0x11340];
	v0 =	vadd.f32 v13, v0  }
0x16d: {  	v5 =	vadd.f32 v14, v5;
	v9 =	vld [tilespmem:s24+$0x11350]  }
0x16e: {  	v3 =	vadd.f32 v15, v3;
	v12 =	vld [tilespmem:s24+$0x11360];
	s24 =	sshra.s32 s25, $0x2;
	s25 =	sadd.s32 $0x200, s25  }
0x16f: {  	v14 =	vld [tilespmem:s24+$0x11300]  }
0x170: {  	v15 =	vld [tilespmem:s24+$0x11310]  }
0x171: {  	v16 =	vld [tilespmem:s24+$0x11320]  }
0x172: {  	v13 =	vld [tilespmem:s24+$0x11370]  }
0x173: {  	v6 =	vadd.f32 v10, v6;
	v10 =	vld [tilespmem:s24+$0x11360]  }
0x174: {  	v17 =	vld [tilespmem:s24+$0x11330];
	v1 =	vadd.f32 v11, v1;
	v5 =	vadd.f32 v14, v5  }
0x175: {  	v18 =	vld [tilespmem:s24+$0x11340];
	v3 =	vadd.f32 v15, v3  }
0x176: {  	v11 =	vld [tilespmem:s24+$0x11350];
	v2 =	vadd.f32 v12, v2;
	v1 =	vadd.f32 v16, v1;
	[tilespmem:s21+$0x1AE00] =	vst v5  }
0x177: {  	v0 =	vadd.f32 v13, v0;
	[tilespmem:s21+$0x1AE10] =	vst v3  }
0x178: {  	v7 =	vadd.f32 v7, v8;
	v2 =	vadd.f32 v10, v2;
	[tilespmem:s21+$0x1AE20] =	vst v1  }
0x179: {  	v4 =	vadd.f32 v9, v4;
	v5 =	vadd.f32 v17, v6;
	[tilespmem:s21+$0x1AE70] =	vst v0  }
0x17a: {  	v3 =	vadd.f32 v18, v7;
	[tilespmem:s21+$0x1AE60] =	vst v2  }
0x17b: {  	v1 =	vadd.f32 v11, v4;
	[tilespmem:s21+$0x1AE30] =	vst v5  }
0x17c: {  	[tilespmem:s21+$0x1AE40] =	vst v3  }
0x17d: {  	s26 =	simm.s32 $0x0;
	[tilespmem:s21+$0x1AE50] =	vst v1  }
0x17e: {  	v0 =	vld [tilespmem:s26+$0x12C70]  }
0x17f: {  	v2 =	vld [tilespmem:s26+$0x12C00]  }
0x180: {  	v3 =	vld [tilespmem:s26+$0x12C10]  }
0x181: {  	v11 =	vld [tilespmem:s26+$0x12C20]  }
0x182: {  	v10 =	vld [tilespmem:s26+$0x12C30]  }
0x183: {  	v8 =	vimm.f32 $0.0e+00;
	v1 =	vimm.f32 $0.0e+00;
	v7 =	vld [tilespmem:s26+$0x12C40]  }
0x184: {  	v6 =	vimm.f32 $0.0e+00;
	v4 =	vimm.f32 $0.0e+00;
	v9 =	vld [tilespmem:s26+$0x12C50];
	v0 =	vadd.f32 v0, v1  }
0x185: {  	s25 =	simm.s32 $0x400;
	s24 =	simm.s32 $0x80;
	v12 =	vld [tilespmem:s26+$0x12C60];
	v5 =	vadd.f32 v2, v1;
	v3 =	vadd.f32 v3, v1;
	v2 =	vimm.f32 $0.0e+00  }
.LBB2_25:
0x186: {  	p1 =	sne.s32 s25, $0x6200;
	v13 =	vld [tilespmem:s24+$0x12C70];
	v1 =	vadd.f32 v11, v1  }
0x187: {  	v14 =	vld [tilespmem:s24+$0x12C00];
	v6 =	vadd.f32 v10, v6  }
0x188: {  	v15 =	vld [tilespmem:s24+$0x12C10];
	v8 =	vadd.f32 v7, v8  }
.Ltmp13:
0x189: {  	v11 =	vld [tilespmem:s24+$0x12C20];
	v4 =	vadd.f32 v9, v4;
	(pc) =	sbr.rel @p1 .LBB2_25-.Ltmp13, $4  }
0x18a: {  	v10 =	vld [tilespmem:s24+$0x12C30];
	v2 =	vadd.f32 v12, v2  }
0x18b: {  	v7 =	vld [tilespmem:s24+$0x12C40];
	v0 =	vadd.f32 v13, v0  }
0x18c: {  	v5 =	vadd.f32 v14, v5;
	v9 =	vld [tilespmem:s24+$0x12C50]  }
0x18d: {  	v3 =	vadd.f32 v15, v3;
	v12 =	vld [tilespmem:s24+$0x12C60];
	s24 =	sshra.s32 s25, $0x2;
	s25 =	sadd.s32 $0x200, s25  }
0x18e: {  	v14 =	vld [tilespmem:s24+$0x12C00]  }
0x18f: {  	v15 =	vld [tilespmem:s24+$0x12C10]  }
0x190: {  	v16 =	vld [tilespmem:s24+$0x12C20]  }
0x191: {  	v13 =	vld [tilespmem:s24+$0x12C70]  }
0x192: {  	v6 =	vadd.f32 v10, v6;
	v10 =	vld [tilespmem:s24+$0x12C60]  }
0x193: {  	v17 =	vld [tilespmem:s24+$0x12C30];
	v1 =	vadd.f32 v11, v1;
	v5 =	vadd.f32 v14, v5  }
0x194: {  	v18 =	vld [tilespmem:s24+$0x12C40];
	v3 =	vadd.f32 v15, v3  }
0x195: {  	v11 =	vld [tilespmem:s24+$0x12C50];
	v2 =	vadd.f32 v12, v2;
	v1 =	vadd.f32 v16, v1;
	[tilespmem:s21+$0x1AE80] =	vst v5  }
0x196: {  	v0 =	vadd.f32 v13, v0;
	[tilespmem:s21+$0x1AE90] =	vst v3  }
0x197: {  	v7 =	vadd.f32 v7, v8;
	v2 =	vadd.f32 v10, v2;
	[tilespmem:s21+$0x1AEA0] =	vst v1  }
0x198: {  	v4 =	vadd.f32 v9, v4;
	v5 =	vadd.f32 v17, v6;
	[tilespmem:s21+$0x1AEF0] =	vst v0  }
0x199: {  	v3 =	vadd.f32 v18, v7;
	[tilespmem:s21+$0x1AEE0] =	vst v2  }
0x19a: {  	v1 =	vadd.f32 v11, v4;
	[tilespmem:s21+$0x1AEB0] =	vst v5  }
0x19b: {  	[tilespmem:s21+$0x1AEC0] =	vst v3  }
0x19c: {  	s24 =	simm.s32 @!p0 $0x7D00;
	[tilespmem:s21+$0x1AED0] =	vst v1;
	s21 =	sadd.s32 @!p0 $0x3E8, s23;
	s23 =	simm.s32 @!p0 $0xC8  }
0x19d: {  	[tilespmem:s24], [sflag:$0x2] =	stream.indirect.gather @!p0 [hbm4b:s2+s23], $0x80, s21, s23, $0xb8;
	[tilespmem:$0x1E900] =	vst v63  }
0x19e: {  	_ =	swait.ge [sflag:s17], $0x6400  }
0x19f: {  	[sflag:s17] =	ssyncset.done $0x0  }
0x1a0: {  	s31 =	simm.s32 $0x0;
	[sflag:s17] =	ssyncadd.s32 $0xFFFF9C00  }
0x1a1: {  	v0 =	vld [tilespmem:s31+$0x14570]  }
0x1a2: {  	v1 =	vld [tilespmem:s31+$0x14500]  }
0x1a3: {  	v3 =	vld [tilespmem:s31+$0x14510]  }
0x1a4: {  	v12 =	vld [tilespmem:s31+$0x14520]  }
0x1a5: {  	v10 =	vld [tilespmem:s31+$0x14530]  }
0x1a6: {  	v6 =	vimm.f32 $0.0e+00;
	v2 =	vimm.f32 $0.0e+00;
	v5 =	vld [tilespmem:s31+$0x14540]  }
0x1a7: {  	v7 =	vimm.f32 $0.0e+00;
	v8 =	vld [tilespmem:s31+$0x14550];
	v0 =	vadd.f32 v0, v2;
	v9 =	vadd.f32 v1, v2  }
0x1a8: {  	s21 =	simm.s32 $0x80;
	s23 =	simm.s32 $0x400;
	v11 =	vld [tilespmem:s31+$0x14560];
	v4 =	vadd.f32 v3, v2;
	v3 =	vimm.f32 $0.0e+00;
	v1 =	vimm.f32 $0.0e+00  }
.LBB2_27:
0x1a9: {  	p1 =	sne.s32 s23, $0x6200;
	v13 =	vld [tilespmem:s21+$0x14570];
	v2 =	vadd.f32 v12, v2  }
0x1aa: {  	v14 =	vld [tilespmem:s21+$0x14500];
	v6 =	vadd.f32 v10, v6  }
0x1ab: {  	v15 =	vld [tilespmem:s21+$0x14510];
	v7 =	vadd.f32 v5, v7  }
.Ltmp14:
0x1ac: {  	v12 =	vld [tilespmem:s21+$0x14520];
	v3 =	vadd.f32 v8, v3;
	(pc) =	sbr.rel @p1 .LBB2_27-.Ltmp14, $4  }
0x1ad: {  	v10 =	vld [tilespmem:s21+$0x14530];
	v1 =	vadd.f32 v11, v1  }
0x1ae: {  	v5 =	vld [tilespmem:s21+$0x14540];
	v0 =	vadd.f32 v13, v0  }
0x1af: {  	v9 =	vadd.f32 v14, v9;
	v8 =	vld [tilespmem:s21+$0x14550]  }
0x1b0: {  	v4 =	vadd.f32 v15, v4;
	v11 =	vld [tilespmem:s21+$0x14560];
	s21 =	sshra.s32 s23, $0x2;
	s23 =	sadd.s32 $0x200, s23  }
0x1b1: {  	v13 =	vld [tilespmem:s21+$0x14570]  }
0x1b2: {  	v14 =	vld [tilespmem:s21+$0x14500]  }
0x1b3: {  	v15 =	vld [tilespmem:s21+$0x14510]  }
0x1b4: {  	v16 =	vld [tilespmem:s21+$0x14520]  }
0x1b5: {  	v17 =	vld [tilespmem:s21+$0x14530]  }
0x1b6: {  	v18 =	vld [tilespmem:s21+$0x14540];
	v2 =	vadd.f32 v12, v2  }
0x1b7: {  	s22 =	sshll.u32 s22, $0x9;
	v6 =	vadd.f32 v10, v6;
	v10 =	vld [tilespmem:s21+$0x14560];
	v9 =	vadd.f32 v14, v9  }
0x1b8: {  	v12 =	vld [tilespmem:s21+$0x14550];
	s21 =	sand.u32 $0x3FFFFE00, s22;
	v4 =	vadd.f32 v15, v4  }
0x1b9: {  	v2 =	vadd.f32 v16, v2;
	[tilespmem:s21+$0x1A900] =	vst v9  }
0x1ba: {  	v1 =	vadd.f32 v11, v1;
	v6 =	vadd.f32 v17, v6;
	[tilespmem:s21+$0x1A910] =	vst v4  }
0x1bb: {  	v5 =	vadd.f32 v5, v7;
	v0 =	vadd.f32 v13, v0;
	[tilespmem:s21+$0x1A920] =	vst v2  }
0x1bc: {  	v3 =	vadd.f32 v8, v3;
	v1 =	vadd.f32 v10, v1;
	[tilespmem:s21+$0x1A930] =	vst v6  }
0x1bd: {  	v4 =	vadd.f32 v18, v5;
	[tilespmem:s21+$0x1A970] =	vst v0  }
0x1be: {  	v2 =	vadd.f32 v12, v3;
	[tilespmem:s21+$0x1A960] =	vst v1  }
0x1bf: {  	[tilespmem:s21+$0x1A940] =	vst v4  }
0x1c0: {  	s24 =	simm.s32 $0x0;
	[tilespmem:s21+$0x1A950] =	vst v2  }
0x1c1: {  	v0 =	vld [tilespmem:s24+$0x15E70]  }
0x1c2: {  	v2 =	vld [tilespmem:s24+$0x15E00]  }
0x1c3: {  	v3 =	vld [tilespmem:s24+$0x15E10]  }
0x1c4: {  	v11 =	vld [tilespmem:s24+$0x15E20]  }
0x1c5: {  	v10 =	vld [tilespmem:s24+$0x15E30]  }
0x1c6: {  	v8 =	vimm.f32 $0.0e+00;
	v1 =	vimm.f32 $0.0e+00;
	v7 =	vld [tilespmem:s24+$0x15E40]  }
0x1c7: {  	v6 =	vimm.f32 $0.0e+00;
	v4 =	vimm.f32 $0.0e+00;
	v9 =	vld [tilespmem:s24+$0x15E50];
	v0 =	vadd.f32 v0, v1  }
0x1c8: {  	s23 =	simm.s32 $0x400;
	s22 =	simm.s32 $0x80;
	v12 =	vld [tilespmem:s24+$0x15E60];
	v5 =	vadd.f32 v2, v1;
	v3 =	vadd.f32 v3, v1;
	v2 =	vimm.f32 $0.0e+00  }
.LBB2_29:
0x1c9: {  	p1 =	sne.s32 s23, $0x6200;
	v13 =	vld [tilespmem:s22+$0x15E70];
	v1 =	vadd.f32 v11, v1  }
0x1ca: {  	v14 =	vld [tilespmem:s22+$0x15E00];
	v6 =	vadd.f32 v10, v6  }
0x1cb: {  	v15 =	vld [tilespmem:s22+$0x15E10];
	v8 =	vadd.f32 v7, v8  }
.Ltmp15:
0x1cc: {  	v11 =	vld [tilespmem:s22+$0x15E20];
	v4 =	vadd.f32 v9, v4;
	(pc) =	sbr.rel @p1 .LBB2_29-.Ltmp15, $4  }
0x1cd: {  	v10 =	vld [tilespmem:s22+$0x15E30];
	v2 =	vadd.f32 v12, v2  }
0x1ce: {  	v7 =	vld [tilespmem:s22+$0x15E40];
	v0 =	vadd.f32 v13, v0  }
0x1cf: {  	v5 =	vadd.f32 v14, v5;
	v9 =	vld [tilespmem:s22+$0x15E50]  }
0x1d0: {  	v3 =	vadd.f32 v15, v3;
	v12 =	vld [tilespmem:s22+$0x15E60];
	s22 =	sshra.s32 s23, $0x2;
	s23 =	sadd.s32 $0x200, s23  }
0x1d1: {  	v14 =	vld [tilespmem:s22+$0x15E00]  }
0x1d2: {  	v15 =	vld [tilespmem:s22+$0x15E10]  }
0x1d3: {  	v16 =	vld [tilespmem:s22+$0x15E20]  }
0x1d4: {  	v13 =	vld [tilespmem:s22+$0x15E70]  }
0x1d5: {  	v6 =	vadd.f32 v10, v6;
	v10 =	vld [tilespmem:s22+$0x15E60]  }
0x1d6: {  	v17 =	vld [tilespmem:s22+$0x15E30];
	v1 =	vadd.f32 v11, v1;
	v5 =	vadd.f32 v14, v5  }
0x1d7: {  	v18 =	vld [tilespmem:s22+$0x15E40];
	v3 =	vadd.f32 v15, v3  }
0x1d8: {  	v11 =	vld [tilespmem:s22+$0x15E50];
	v2 =	vadd.f32 v12, v2;
	v1 =	vadd.f32 v16, v1;
	[tilespmem:s21+$0x1A980] =	vst v5  }
0x1d9: {  	v0 =	vadd.f32 v13, v0;
	[tilespmem:s21+$0x1A990] =	vst v3  }
0x1da: {  	v7 =	vadd.f32 v7, v8;
	v2 =	vadd.f32 v10, v2;
	[tilespmem:s21+$0x1A9A0] =	vst v1  }
0x1db: {  	v4 =	vadd.f32 v9, v4;
	v5 =	vadd.f32 v17, v6;
	[tilespmem:s21+$0x1A9F0] =	vst v0  }
0x1dc: {  	v3 =	vadd.f32 v18, v7;
	[tilespmem:s21+$0x1A9E0] =	vst v2  }
0x1dd: {  	v1 =	vadd.f32 v11, v4;
	[tilespmem:s21+$0x1A9B0] =	vst v5  }
0x1de: {  	[tilespmem:s21+$0x1A9C0] =	vst v3  }
0x1df: {  	s24 =	simm.s32 $0x0;
	[tilespmem:s21+$0x1A9D0] =	vst v1  }
0x1e0: {  	v0 =	vld [tilespmem:s24+$0x17770]  }
0x1e1: {  	v2 =	vld [tilespmem:s24+$0x17700]  }
0x1e2: {  	v3 =	vld [tilespmem:s24+$0x17710]  }
0x1e3: {  	v11 =	vld [tilespmem:s24+$0x17720]  }
0x1e4: {  	v10 =	vld [tilespmem:s24+$0x17730]  }
0x1e5: {  	v8 =	vimm.f32 $0.0e+00;
	v1 =	vimm.f32 $0.0e+00;
	v7 =	vld [tilespmem:s24+$0x17740]  }
0x1e6: {  	v6 =	vimm.f32 $0.0e+00;
	v4 =	vimm.f32 $0.0e+00;
	v9 =	vld [tilespmem:s24+$0x17750];
	v0 =	vadd.f32 v0, v1  }
0x1e7: {  	s23 =	simm.s32 $0x400;
	s22 =	simm.s32 $0x80;
	v12 =	vld [tilespmem:s24+$0x17760];
	v5 =	vadd.f32 v2, v1;
	v3 =	vadd.f32 v3, v1;
	v2 =	vimm.f32 $0.0e+00  }
.LBB2_31:
0x1e8: {  	p1 =	sne.s32 s23, $0x6200;
	v13 =	vld [tilespmem:s22+$0x17770];
	v1 =	vadd.f32 v11, v1  }
0x1e9: {  	v14 =	vld [tilespmem:s22+$0x17700];
	v6 =	vadd.f32 v10, v6  }
0x1ea: {  	v15 =	vld [tilespmem:s22+$0x17710];
	v8 =	vadd.f32 v7, v8  }
.Ltmp16:
0x1eb: {  	v11 =	vld [tilespmem:s22+$0x17720];
	v4 =	vadd.f32 v9, v4;
	(pc) =	sbr.rel @p1 .LBB2_31-.Ltmp16, $4  }
0x1ec: {  	v10 =	vld [tilespmem:s22+$0x17730];
	v2 =	vadd.f32 v12, v2  }
0x1ed: {  	v7 =	vld [tilespmem:s22+$0x17740];
	v0 =	vadd.f32 v13, v0  }
0x1ee: {  	v5 =	vadd.f32 v14, v5;
	v9 =	vld [tilespmem:s22+$0x17750]  }
0x1ef: {  	v3 =	vadd.f32 v15, v3;
	v12 =	vld [tilespmem:s22+$0x17760];
	s22 =	sshra.s32 s23, $0x2;
	s23 =	sadd.s32 $0x200, s23  }
0x1f0: {  	v14 =	vld [tilespmem:s22+$0x17700]  }
0x1f1: {  	v15 =	vld [tilespmem:s22+$0x17710]  }
0x1f2: {  	v16 =	vld [tilespmem:s22+$0x17720]  }
0x1f3: {  	v13 =	vld [tilespmem:s22+$0x17770]  }
0x1f4: {  	v6 =	vadd.f32 v10, v6;
	v10 =	vld [tilespmem:s22+$0x17760]  }
0x1f5: {  	v17 =	vld [tilespmem:s22+$0x17730];
	v1 =	vadd.f32 v11, v1;
	v5 =	vadd.f32 v14, v5  }
0x1f6: {  	v18 =	vld [tilespmem:s22+$0x17740];
	v3 =	vadd.f32 v15, v3  }
0x1f7: {  	v11 =	vld [tilespmem:s22+$0x17750];
	v2 =	vadd.f32 v12, v2;
	v1 =	vadd.f32 v16, v1;
	[tilespmem:s21+$0x1AA00] =	vst v5  }
0x1f8: {  	v0 =	vadd.f32 v13, v0;
	[tilespmem:s21+$0x1AA10] =	vst v3  }
0x1f9: {  	v7 =	vadd.f32 v7, v8;
	v2 =	vadd.f32 v10, v2;
	[tilespmem:s21+$0x1AA20] =	vst v1  }
0x1fa: {  	v4 =	vadd.f32 v9, v4;
	v5 =	vadd.f32 v17, v6;
	[tilespmem:s21+$0x1AA70] =	vst v0  }
0x1fb: {  	v3 =	vadd.f32 v18, v7;
	[tilespmem:s21+$0x1AA60] =	vst v2  }
0x1fc: {  	v1 =	vadd.f32 v11, v4;
	[tilespmem:s21+$0x1AA30] =	vst v5  }
0x1fd: {  	[tilespmem:s21+$0x1AA40] =	vst v3  }
0x1fe: {  	s24 =	simm.s32 $0x0;
	[tilespmem:s21+$0x1AA50] =	vst v1  }
0x1ff: {  	v0 =	vld [tilespmem:s24+$0x19070]  }
0x200: {  	v2 =	vld [tilespmem:s24+$0x19000]  }
0x201: {  	v3 =	vld [tilespmem:s24+$0x19010]  }
0x202: {  	v11 =	vld [tilespmem:s24+$0x19020]  }
0x203: {  	v10 =	vld [tilespmem:s24+$0x19030]  }
0x204: {  	v8 =	vimm.f32 $0.0e+00;
	v1 =	vimm.f32 $0.0e+00;
	v7 =	vld [tilespmem:s24+$0x19040]  }
0x205: {  	v6 =	vimm.f32 $0.0e+00;
	v4 =	vimm.f32 $0.0e+00;
	v9 =	vld [tilespmem:s24+$0x19050];
	v0 =	vadd.f32 v0, v1  }
0x206: {  	s23 =	simm.s32 $0x400;
	s22 =	simm.s32 $0x80;
	v12 =	vld [tilespmem:s24+$0x19060];
	v5 =	vadd.f32 v2, v1;
	v3 =	vadd.f32 v3, v1;
	v2 =	vimm.f32 $0.0e+00  }
.LBB2_33:
0x207: {  	p1 =	sne.s32 s23, $0x6200;
	v13 =	vld [tilespmem:s22+$0x19070];
	v1 =	vadd.f32 v11, v1  }
0x208: {  	v14 =	vld [tilespmem:s22+$0x19000];
	v6 =	vadd.f32 v10, v6  }
0x209: {  	v15 =	vld [tilespmem:s22+$0x19010];
	v8 =	vadd.f32 v7, v8  }
.Ltmp17:
0x20a: {  	v11 =	vld [tilespmem:s22+$0x19020];
	v4 =	vadd.f32 v9, v4;
	(pc) =	sbr.rel @p1 .LBB2_33-.Ltmp17, $4  }
0x20b: {  	v10 =	vld [tilespmem:s22+$0x19030];
	v2 =	vadd.f32 v12, v2  }
0x20c: {  	v7 =	vld [tilespmem:s22+$0x19040];
	v0 =	vadd.f32 v13, v0  }
0x20d: {  	v5 =	vadd.f32 v14, v5;
	v9 =	vld [tilespmem:s22+$0x19050]  }
0x20e: {  	v3 =	vadd.f32 v15, v3;
	v12 =	vld [tilespmem:s22+$0x19060];
	s22 =	sshra.s32 s23, $0x2;
	s23 =	sadd.s32 $0x200, s23  }
0x20f: {  	v14 =	vld [tilespmem:s22+$0x19000]  }
0x210: {  	v15 =	vld [tilespmem:s22+$0x19010]  }
0x211: {  	v16 =	vld [tilespmem:s22+$0x19020]  }
0x212: {  	v17 =	vld [tilespmem:s22+$0x19030]  }
0x213: {  	v18 =	vld [tilespmem:s22+$0x19040]  }
0x214: {  	v1 =	vadd.f32 v11, v1;
	v59 =	vld [tilespmem:s22+$0x19050];
	v5 =	vadd.f32 v14, v5  }
0x215: {  	v13 =	vld [tilespmem:s22+$0x19070];
	v6 =	vadd.f32 v10, v6;
	v3 =	vadd.f32 v15, v3  }
0x216: {  	v60 =	vld [tilespmem:s22+$0x19060];
	v7 =	vadd.f32 v7, v8;
	v1 =	vadd.f32 v16, v1;
	[tilespmem:s21+$0x1AA80] =	vst v5  }
0x217: {  	v4 =	vadd.f32 v9, v4;
	v61 =	vadd.f32 v17, v6;
	[tilespmem:s21+$0x1AA90] =	vst v3  }
0x218: {  	v62 =	vadd.f32 v18, v7;
	[tilespmem:s21+$0x1AAA0] =	vst v1  }
.Ltmp18:
0x219: {  	v2 =	vadd.f32 v12, v2;
	v63 =	vadd.f32 v59, v4;
	[tilespmem:s21+$0x1AAB0] =	vst v61;
	(pc) =	sbr.rel @p0 .LBB2_36-.Ltmp18, $4  }
0x21a: {  	v0 =	vadd.f32 v13, v0;
	[tilespmem:s21+$0x1AAC0] =	vst v62  }
0x21b: {  	v2 =	vadd.f32 v60, v2;
	[tilespmem:s21+$0x1AAD0] =	vst v63  }
0x21c: {  	[tilespmem:s21+$0x1AAF0] =	vst v0  }
0x21d: {  	[tilespmem:s21+$0x1AAE0] =	vst v2  }
0x21e: {  	s21 =	smul.u32 $0xC80, s20  }
.Ltmp19:
0x21f: {  	_ = 	snop;
	(pc) =	sbr.rel .LBB2_2-.Ltmp19, $4  }
0x220: {  	_ = 	snop  }
0x221: {  	s21 =	sshra.s32 s21, $0x2  }
0x222: {  	s20 =	sadd.s32 $0x1, s20;
	s21 =	sadd.s32 $0x4B0, s21  }
0x223: {  	[tilespmem:s12], [sflag:$0x3] =	stream.indirect.gather [hbm4b:s2+s8], $0x80, s21, s8, $0xb8;
	[tilespmem:$0x1E900] =	vst v63  }
.LBB2_37:
0x224: {  	_ =	sfence.sel $0x180000  }
0x225: {  	[bflag:$0x0] =	sbarrier.arrive $0xFFFF  }
0x226: {  	p0 =	sne.s32 s0, $0x0;
	_ =	strace $0x90000047  }
0x227: {  	s0 =	sadd.s32 @!p0 $0x100000, s1;
	[bflag:$0x2] =	sbarrier.arrive $0xFFFF  }
0x228: {  	[sflag:s0] =	ssyncadd.tile.s32 @!p0 $0x1;
	_ =	shalt  }
.Lfunc_end2:
_tile_overlayer_lowered:
.L_overlay_start_2:
0x229: {  	(tag) =	ssettag $0x2  }
0x22a: {  	s0 =	rddreg [dreg:$0x0];
	s2 =	stileid.u32  }
0x22b: {  	s1 =	rddreg [dreg:$0x1];
	p0 =	sne.s32 s2, $0x0  }
0x22c: {  	s3 =	rddreg [dreg:$0x2];
	[bflag:$0x3] =	sbarrier.arrive $0xFFFF;
	s2 =	simm.s32 @!p0 $0x1C05  }
0x22d: {  	[timem:s3], [sflag:s2] =	dma.local @!p0 [hbm:s0], s1  }
0x22e: {  	s0 =	simm.s32 @!p0 $0x5  }
0x22f: {  	_ =	swait.ge @!p0 [sflag:s0], s1  }
0x230: {  	s1 =	ssub.s32 @!p0 $0x0, s1;
	[sflag:s0] =	ssyncset.done @!p0 $0x0  }
0x231: {  	[sflag:s0] =	ssyncadd.s32 @!p0 s1  }
0x232: {  	[bflag:$0x3] =	sbarrier.arrive $0xFFFF  }
0x233: {  	_ =	shalt  }

</sc_bundles>
